<compile_context>
chip_gen: v7x
topology: tpu7x:2x2x1
jax: 0.10.2.dev20260603
libtpu: 0.0.44.dev20260713+nightly
codegen_flags: <defaults>
</compile_context>

<pallas_src>
import functools

import jax
import jax.numpy as jnp
from jax import lax
from jax.experimental import pallas as pl
from jax.experimental.pallas import tpu as pltpu
from jax.experimental.pallas import tpu_sc as plsc

_N = 10000
_E = 320000
_EPS = 1e-5

_NC = 2
_NS = 16
_NW = _NC * _NS
_CHUNK = _E // _NW
_LANES = 16
_VECS = _CHUNK // _LANES

_BN = 1000
_NB = _N // _BN


def _sc_segsum(cols, eb, zeros):
  mesh = plsc.VectorSubcoreMesh(core_axis_name="c", subcore_axis_name="s")

  @functools.partial(
      pl.kernel,
      mesh=mesh,
      compiler_params=pltpu.CompilerParams(needs_layout_passes=False),
      out_type=jax.ShapeDtypeStruct((_NC, 2 * _N), jnp.float32),
      scratch_types=[
          pltpu.VMEM((2 * _N,), jnp.float32),
          pltpu.VMEM((_CHUNK,), jnp.int32),
          pltpu.VMEM((_CHUNK,), jnp.int32),
          pltpu.VMEM((2 * _CHUNK,), jnp.float32),
          pltpu.VMEM((2 * _CHUNK,), jnp.int32),
          pltpu.VMEM_SHARED((2 * _N,), jnp.float32),
          pltpu.SemaphoreType.DMA,
          pltpu.SemaphoreType.DMA,
          pltpu.SemaphoreType.DMA,
      ],
  )
  def k(cols_hbm, eb_hbm, zeros_hbm, out_hbm,
        cols_v, src_v, dst_v, upd_v, idx_v, acc_sh, sem1, sem2, sem3):
    c = lax.axis_index("c")
    s = lax.axis_index("s")
    wid = c * _NS + s
    off = wid * _CHUNK

    @pl.when(s == 0)
    def _zero():
      pltpu.sync_copy(zeros_hbm, acc_sh)

    c1 = pltpu.async_copy(cols_hbm, cols_v, sem1)
    c2 = pltpu.async_copy(eb_hbm.at[pl.ds(off, _CHUNK)], src_v, sem2)
    c3 = pltpu.async_copy(eb_hbm.at[pl.ds(_E + off, _CHUNK)], dst_v, sem3)
    c1.wait()
    c2.wait()
    c3.wait()

    def body(i, carry):
      sl = pl.ds(i * _LANES, _LANES)
      sv = src_v[sl]
      dv = dst_v[sl]
      g0 = plsc.load_gather(cols_v, [sv])
      g1 = plsc.load_gather(cols_v, [sv + _BN])
      upd_v[sl] = g0
      upd_v[pl.ds(_CHUNK + i * _LANES, _LANES)] = g1
      idx_v[sl] = dv
      idx_v[pl.ds(_CHUNK + i * _LANES, _LANES)] = dv + _BN
      return carry

    lax.fori_loop(0, _VECS, body, 0)
    plsc.subcore_barrier()
    pltpu.sync_copy(upd_v, acc_sh.at[idx_v], add=True)
    plsc.subcore_barrier()

    @pl.when(s == 0)
    def _flush():
      pltpu.sync_copy(acc_sh, out_hbm.at[c])

  return k(cols, eb, zeros)


def _aterm(ag_blk, cnt_blk, waT):
  av = ag_blk[0]
  inv = 1.0 / jnp.maximum(cnt_blk[0][0:1, :], 1.0)
  a_s = av * inv
  return lax.dot_general(a_s, waT, (((0,), (0,)), ((), ())),
                         preferred_element_type=jnp.float32)


def _tc_layer(h, ag, cnt, whT, waT, b, g, be, whT2_next):
  din = h.shape[1]
  dout = whT.shape[1]

  def body(h_ref, ag_ref, cnt_ref, whT_ref, waT_ref, b_ref, g_ref, be_ref,
           whT2n_ref, out_ref, hw2_ref, o_scr, s1, s2):
    p = pl.program_id(0)
    i = pl.program_id(1)

    @pl.when(p == 0)
    def _compute():
      @pl.when(i == 0)
      def _init():
        s1[...] = jnp.zeros_like(s1)
        s2[...] = jnp.zeros_like(s2)

      out = jnp.dot(h_ref[...], whT_ref[...],
                    preferred_element_type=jnp.float32)
      out = out + _aterm(ag_ref[...], cnt_ref[...], waT_ref[...]) + b_ref[...]
      o_scr[pl.ds(i * _BN, _BN), :] = out
      s1[...] += jnp.sum(out, axis=0, keepdims=True)
      s2[...] += jnp.sum(out * out, axis=0, keepdims=True)

    @pl.when(p == 1)
    def _normalize():
      o = o_scr[pl.ds(i * _BN, _BN), :]
      mean = s1[...] * (1.0 / _N)
      var = s2[...] * (1.0 / _N) - mean * mean
      scale = g_ref[...] * lax.rsqrt(var + _EPS)
      shift = be_ref[...] - mean * scale
      hn = jnp.maximum(o * scale + shift, 0.0)
      out_ref[...] = hn
      hw2t = lax.dot_general(whT2n_ref[...], hn, (((0,), (1,)), ((), ())),
                             preferred_element_type=jnp.float32)
      hw2_ref[...] = hw2t.reshape(1, 2, _BN)

  return pl.pallas_call(
      body,
      grid=(2, _NB),
      in_specs=[
          pl.BlockSpec((_BN, din), lambda p, i: (jnp.where(p == 0, i, 0), 0)),
          pl.BlockSpec((1, 2, _BN),
                       lambda p, i: (jnp.where(p == 0, i, 0), 0, 0)),
          pl.BlockSpec((1, 2, _BN),
                       lambda p, i: (jnp.where(p == 0, i, 0), 0, 0)),
          pl.BlockSpec((din, dout), lambda p, i: (0, 0)),
          pl.BlockSpec((2, dout), lambda p, i: (0, 0)),
          pl.BlockSpec((1, dout), lambda p, i: (0, 0)),
          pl.BlockSpec((1, dout), lambda p, i: (0, 0)),
          pl.BlockSpec((1, dout), lambda p, i: (0, 0)),
          pl.BlockSpec((dout, 2), lambda p, i: (0, 0)),
      ],
      out_specs=[
          pl.BlockSpec((_BN, dout),
                       lambda p, i: (jnp.where(p == 1, i, 0), 0)),
          pl.BlockSpec((1, 2, _BN),
                       lambda p, i: (jnp.where(p == 1, i, 0), 0, 0)),
      ],
      out_shape=[
          jax.ShapeDtypeStruct((_N, dout), jnp.float32),
          jax.ShapeDtypeStruct((_NB, 2, _BN), jnp.float32),
      ],
      scratch_shapes=[
          pltpu.VMEM((_N, dout), jnp.float32),
          pltpu.VMEM((1, dout), jnp.float32),
          pltpu.VMEM((1, dout), jnp.float32),
      ],
  )(h, ag, cnt, whT, waT, b, g, be, whT2_next)


def _tc_prep(x, whT2, sel2):
  din = x.shape[1]

  def body(x_ref, whT2_ref, sel2_ref, hw2_ref, colsx_ref):
    xb = x_ref[...]
    hw2t = lax.dot_general(whT2_ref[...], xb, (((0,), (1,)), ((), ())),
                           preferred_element_type=jnp.float32)
    hw2_ref[...] = hw2t.reshape(1, 2, _BN)
    cxt = lax.dot_general(sel2_ref[...], xb, (((0,), (1,)), ((), ())),
                          preferred_element_type=jnp.float32)
    colsx_ref[...] = cxt.reshape(1, 2, _BN)

  return pl.pallas_call(
      body,
      grid=(_NB,),
      in_specs=[
          pl.BlockSpec((_BN, din), lambda i: (i, 0)),
          pl.BlockSpec((din, 2), lambda i: (0, 0)),
          pl.BlockSpec((din, 2), lambda i: (0, 0)),
      ],
      out_specs=[
          pl.BlockSpec((1, 2, _BN), lambda i: (i, 0, 0)),
          pl.BlockSpec((1, 2, _BN), lambda i: (i, 0, 0)),
      ],
      out_shape=[
          jax.ShapeDtypeStruct((_NB, 2, _BN), jnp.float32),
          jax.ShapeDtypeStruct((_NB, 2, _BN), jnp.float32),
      ],
  )(x, whT2, sel2)


def _tc_cols2(hw2, ag, cnt, waT2, b2, g2, be2):

  def body(hw2_ref, ag_ref, cnt_ref, waT2_ref, b2_ref, g2_ref, be2_ref,
           cols_ref):
    hw = hw2_ref[...]
    av = ag_ref[...]
    inv = 1.0 / jnp.maximum(cnt_ref[...][:, 0:1, :], 1.0)
    a0 = av[:, 0:1, :] * inv
    a1 = av[:, 1:2, :] * inv
    outs = []
    for c in range(2):
      o = (hw[:, c:c + 1, :] + waT2_ref[0:1, c:c + 1] * a0
           + waT2_ref[1:2, c:c + 1] * a1
           + b2_ref[0:1, c:c + 1]).reshape(_NB, _BN)
      s1 = jnp.sum(jnp.sum(o, axis=0, keepdims=True), axis=1, keepdims=True)
      s2 = jnp.sum(jnp.sum(o * o, axis=0, keepdims=True), axis=1,
                   keepdims=True)
      mean = s1 * (1.0 / _N)
      var = s2 * (1.0 / _N) - mean * mean
      scale = g2_ref[0:1, c:c + 1] * lax.rsqrt(var + _EPS)
      shift = be2_ref[0:1, c:c + 1] - mean * scale
      outs.append(jnp.maximum(o * scale + shift, 0.0).reshape(_NB, 1, _BN))
    cols_ref[...] = jnp.concatenate(outs, axis=1)

  return pl.pallas_call(
      body,
      out_shape=jax.ShapeDtypeStruct((_NB, 2, _BN), jnp.float32),
  )(hw2, ag, cnt, waT2, b2, g2, be2)


def _tc_final(h, ag, cnt, whT, waT, b):
  din = h.shape[1]
  dout = whT.shape[1]

  def body(h_ref, ag_ref, cnt_ref, whT_ref, waT_ref, b_ref, out_ref):
    out = jnp.dot(h_ref[...], whT_ref[...], preferred_element_type=jnp.float32)
    out_ref[...] = (out + _aterm(ag_ref[...], cnt_ref[...], waT_ref[...])
                    + b_ref[...])

  return pl.pallas_call(
      body,
      grid=(_NB,),
      in_specs=[
          pl.BlockSpec((_BN, din), lambda i: (i, 0)),
          pl.BlockSpec((1, 2, _BN), lambda i: (i, 0, 0)),
          pl.BlockSpec((1, 2, _BN), lambda i: (i, 0, 0)),
          pl.BlockSpec((din, dout), lambda i: (0, 0)),
          pl.BlockSpec((2, dout), lambda i: (0, 0)),
          pl.BlockSpec((1, dout), lambda i: (0, 0)),
      ],
      out_specs=pl.BlockSpec((_BN, dout), lambda i: (i, 0)),
      out_shape=jax.ShapeDtypeStruct((_N, dout), jnp.float32),
  )(h, ag, cnt, whT, waT, b)


def kernel(x, edge_index, W1, b1, W2, b2, W3, b3, W4, b4, W5, b5, W6, b6,
           g1, be1, g2, be2, g3, be3, g4, be4, g5, be5):
  zeros = jnp.zeros((2 * _N,), jnp.float32)
  ones = jnp.ones((2 * _N,), jnp.float32)

  ei = jnp.ravel(edge_index)
  eb = ei + (ei // _BN) * _BN

  cpp = _sc_segsum(ones, eb, zeros)
  cnt = (cpp[0] + cpp[1]).reshape(_NB, 2, _BN)

  din0 = x.shape[1]
  sel2 = jnp.eye(din0, 2, dtype=jnp.float32)
  hw2, colsx = _tc_prep(x, W1[0:2, :din0].T, sel2)
  cols = colsx.reshape(-1)

  h = x
  layers = ((W1, b1, g1, be1), (W2, b2, g2, be2), (W3, b3, g3, be3),
            (W4, b4, g4, be4), (W5, b5, g5, be5))
  for li, (W, b, g, be) in enumerate(layers):
    din = h.shape[1]
    W_next = layers[li + 1][0] if li + 1 < len(layers) else W6
    sp = _sc_segsum(cols, eb, zeros)
    ag = (sp[0] + sp[1]).reshape(_NB, 2, _BN)
    cols = _tc_cols2(hw2, ag, cnt, W[0:2, din:].T,
                     b[0:2].reshape(1, -1), g[0:2].reshape(1, -1),
                     be[0:2].reshape(1, -1)).reshape(-1)
    h, hw2 = _tc_layer(h, ag, cnt, W[:, :din].T, W[:, din:].T,
                       b.reshape(1, -1), g.reshape(1, -1),
                       be.reshape(1, -1), W_next[0:2, :256].T)

  din = h.shape[1]
  sp = _sc_segsum(cols, eb, zeros)
  ag = (sp[0] + sp[1]).reshape(_NB, 2, _BN)
  return _tc_final(h, ag, cnt, W6[:, :din].T, W6[:, din:].T,
                   b6.reshape(1, -1))

# --- scband reference (transcript-rebuilt; emitter-appended) ---
"""Pipeline reference for scband-drone-gnn-66769561584107 (READ-ONLY COPY).

The authoritative reference and input builder live on the scoring server;
editing this copy changes nothing except your own understanding.
"""

import jax, jax.numpy as jnp
import numpy as np

N = 10000
E = 320000
D_IN = 128
D_H = 256
D_OUT = 128
POS = 2
EPS = 1e-5


def setup_inputs(seed: int = 0) -> dict:
    key = jax.random.key(seed)
    ks = jax.random.split(key, 32)
    x = jax.random.normal(ks[0], (N, D_IN), dtype=jnp.float32)
    edge_index = jax.random.randint(ks[1], (2, E), 0, N, dtype=jnp.int32)

    def lin(kw, kb, fan_in, fan_out):
        bound = 1.0 / np.sqrt(fan_in)
        W = jax.random.uniform(kw, (fan_out, fan_in), jnp.float32, -bound, bound)
        b = jax.random.uniform(kb, (fan_out,), jnp.float32, -bound, bound)
        return W, b

    W1, b1 = lin(ks[2], ks[3], D_IN + POS, D_H)
    W2, b2 = lin(ks[4], ks[5], D_H + POS, D_H)
    W3, b3 = lin(ks[6], ks[7], D_H + POS, D_H)
    W4, b4 = lin(ks[8], ks[9], D_H + POS, D_H)
    W5, b5 = lin(ks[10], ks[11], D_H + POS, D_H)
    W6, b6 = lin(ks[12], ks[13], D_H + POS, D_OUT)

    inp = {"x": x, "edge_index": edge_index,
           "W1": W1, "b1": b1, "W2": W2, "b2": b2, "W3": W3, "b3": b3,
           "W4": W4, "b4": b4, "W5": W5, "b5": b5, "W6": W6, "b6": b6}
    for i in range(1, 6):
        inp[f"g{i}"] = jnp.ones((D_H,), jnp.float32)
        inp[f"be{i}"] = jnp.zeros((D_H,), jnp.float32)
    return inp


def _mean_aggr(x, src, dst):
    # message: x_j[:, :pos_dim]; aggr='mean' over destination nodes
    msgs = jnp.take(x, src, axis=0)[:, :POS]
    s = jax.ops.segment_sum(msgs, dst, num_segments=N)
    cnt = jax.ops.segment_sum(jnp.ones((src.shape[0],), jnp.float32), dst, num_segments=N)
    return s / jnp.maximum(cnt, 1.0)[:, None]


def _conv(x, src, dst, W, b):
    aggr = _mean_aggr(x, src, dst)
    combined = jnp.concatenate([x, aggr], axis=1)
    return combined @ W.T + b


def _bn(x, g, be):
    m = jnp.mean(x, axis=0)
    v = jnp.var(x, axis=0)
    return (x - m) / jnp.sqrt(v + EPS) * g + be


def reference(x, edge_index, W1, b1, W2, b2, W3, b3, W4, b4, W5, b5, W6, b6,
              g1, be1, g2, be2, g3, be3, g4, be4, g5, be5):
    src = edge_index[0]
    dst = edge_index[1]
    h = jax.nn.relu(_bn(_conv(x, src, dst, W1, b1), g1, be1))
    h = jax.nn.relu(_bn(_conv(h, src, dst, W2, b2), g2, be2))
    h = jax.nn.relu(_bn(_conv(h, src, dst, W3, b3), g3, be3))
    h = jax.nn.relu(_bn(_conv(h, src, dst, W4, b4), g4, be4))
    h = jax.nn.relu(_bn(_conv(h, src, dst, W5, b5), g5, be5))
    out = _conv(h, src, dst, W6, b6)
    return out

if __name__ == "__main__":
    import jax
    _d = setup_inputs()
    print(jax.jit(kernel)(*tuple(_d.values())))

</pallas_src>

<mosaic_0001>
#map = affine_map<(d0, d1) -> (0)>
#map1 = affine_map<(d0, d1) -> (0, 0)>
module attributes {stable_mosaic.version = 14 : i64} {
  func.func @k(%arg0: i32, %arg1: i32, %arg2: memref<20000xf32, #tpu.memory_space<hbm>>, %arg3: memref<640000xi32, #tpu.memory_space<hbm>>, %arg4: memref<20000xf32, #tpu.memory_space<hbm>>, %arg5: memref<2x20000xf32, #tpu.memory_space<hbm>>, %arg6: memref<20000xf32, #tpu.memory_space<vmem>>, %arg7: memref<10000xi32, #tpu.memory_space<vmem>>, %arg8: memref<10000xi32, #tpu.memory_space<vmem>>, %arg9: memref<20000xf32, #tpu.memory_space<vmem>>, %arg10: memref<20000xi32, #tpu.memory_space<vmem>>, %arg11: memref<20000xf32, #tpu.memory_space<vmem_shared>>, %arg12: memref<!tpu.dma_semaphore, #tpu.memory_space<semaphore_mem>>, %arg13: memref<!tpu.dma_semaphore, #tpu.memory_space<semaphore_mem>>, %arg14: memref<!tpu.dma_semaphore, #tpu.memory_space<semaphore_mem>>) attributes {dimension_semantics = [#tpu.dimension_semantics<core_parallel>, #tpu.dimension_semantics<subcore_parallel>], iteration_bounds = array<i64: 2, 16>, scalar_prefetch = 0 : i64, scratch_operands = 9 : i64, tpu.core_type = #tpu.core_type<sc_vector_subcore>, window_params = [{transform_indices = #map}, {transform_indices = #map}, {transform_indices = #map}, {transform_indices = #map1}]} {
    %mul3A = arith.constant 16 : i32
    %mul3A_0 = arith.muli %arg0, %mul3A : i32
    %add3A = arith.addi %mul3A_0, %arg1 : i32
    %mul3A_1 = arith.constant 10000 : i32
    %mul3A_2 = arith.muli %add3A, %mul3A_1 : i32
    %eq3A = arith.constant 0 : i32
    %eq3A_3 = arith.cmpi eq, %arg1, %eq3A : i32
    %convert_element_type3A = arith.extui %eq3A_3 : i1 to i32
    %cond3A = arith.constant 0 : i32
    %cond3A_4 = arith.cmpi ne, %convert_element_type3A, %cond3A : i32
    scf.if %cond3A_4 {
      "tpu.region"() ({
        %run_scoped3A = tpu.sem_alloc : memref<!tpu.dma_semaphore, #tpu.memory_space<semaphore_mem>>
        tpu.enqueue_dma source(%arg4 : memref<20000xf32, #tpu.memory_space<hbm>>) target(%arg11 : memref<20000xf32, #tpu.memory_space<vmem_shared>>) target_semaphore(%run_scoped3A : memref<!tpu.dma_semaphore, #tpu.memory_space<semaphore_mem>>)
        tpu.wait_dma2 semaphore(%run_scoped3A : memref<!tpu.dma_semaphore, #tpu.memory_space<semaphore_mem>>) src(%arg4 : memref<20000xf32, #tpu.memory_space<hbm>>) dst(%arg11 : memref<20000xf32, #tpu.memory_space<vmem_shared>>)
        tpu.yield
      }) : () -> ()
    } else {
    }
    tpu.enqueue_dma source(%arg2 : memref<20000xf32, #tpu.memory_space<hbm>>) target(%arg6 : memref<20000xf32, #tpu.memory_space<vmem>>) target_semaphore(%arg12 : memref<!tpu.dma_semaphore, #tpu.memory_space<semaphore_mem>>)
    %dma_start3A = tpu.memref_slice %arg3[%mul3A_2] : memref<640000xi32, #tpu.memory_space<hbm>> -> memref<10000xi32, #tpu.memory_space<hbm>>
    %dma_start3A_5 = tpu.memref_slice %arg3[%mul3A_2] : memref<640000xi32, #tpu.memory_space<hbm>> -> memref<10000xi32, #tpu.memory_space<hbm>>
    tpu.enqueue_dma source(%dma_start3A_5 : memref<10000xi32, #tpu.memory_space<hbm>>) target(%arg7 : memref<10000xi32, #tpu.memory_space<vmem>>) target_semaphore(%arg13 : memref<!tpu.dma_semaphore, #tpu.memory_space<semaphore_mem>>)
    %add3A_6 = arith.constant 320000 : i32
    %add3A_7 = arith.addi %add3A_6, %mul3A_2 : i32
    %dma_start3A_8 = tpu.memref_slice %arg3[%add3A_7] : memref<640000xi32, #tpu.memory_space<hbm>> -> memref<10000xi32, #tpu.memory_space<hbm>>
    %dma_start3A_9 = tpu.memref_slice %arg3[%add3A_7] : memref<640000xi32, #tpu.memory_space<hbm>> -> memref<10000xi32, #tpu.memory_space<hbm>>
    tpu.enqueue_dma source(%dma_start3A_9 : memref<10000xi32, #tpu.memory_space<hbm>>) target(%arg8 : memref<10000xi32, #tpu.memory_space<vmem>>) target_semaphore(%arg14 : memref<!tpu.dma_semaphore, #tpu.memory_space<semaphore_mem>>)
    tpu.wait_dma2 semaphore(%arg12 : memref<!tpu.dma_semaphore, #tpu.memory_space<semaphore_mem>>) src(%arg2 : memref<20000xf32, #tpu.memory_space<hbm>>) dst(%arg6 : memref<20000xf32, #tpu.memory_space<vmem>>)
    %dma_wait3A = tpu.memref_slice %arg3[%mul3A_2] : memref<640000xi32, #tpu.memory_space<hbm>> -> memref<10000xi32, #tpu.memory_space<hbm>>
    %dma_wait3A_10 = tpu.memref_slice %arg3[%mul3A_2] : memref<640000xi32, #tpu.memory_space<hbm>> -> memref<10000xi32, #tpu.memory_space<hbm>>
    tpu.wait_dma2 semaphore(%arg13 : memref<!tpu.dma_semaphore, #tpu.memory_space<semaphore_mem>>) src(%dma_wait3A_10 : memref<10000xi32, #tpu.memory_space<hbm>>) dst(%arg7 : memref<10000xi32, #tpu.memory_space<vmem>>)
    %dma_wait3A_11 = tpu.memref_slice %arg3[%add3A_7] : memref<640000xi32, #tpu.memory_space<hbm>> -> memref<10000xi32, #tpu.memory_space<hbm>>
    %dma_wait3A_12 = tpu.memref_slice %arg3[%add3A_7] : memref<640000xi32, #tpu.memory_space<hbm>> -> memref<10000xi32, #tpu.memory_space<hbm>>
    tpu.wait_dma2 semaphore(%arg14 : memref<!tpu.dma_semaphore, #tpu.memory_space<semaphore_mem>>) src(%dma_wait3A_12 : memref<10000xi32, #tpu.memory_space<hbm>>) dst(%arg8 : memref<10000xi32, #tpu.memory_space<vmem>>)
    %scan3A = arith.constant 0 : i32
    %scan3A_13 = arith.constant 0 : i32
    %scan3A_14 = arith.constant 625 : i32
    %scan3A_15 = arith.addi %scan3A_13, %scan3A_14 : i32
    %scan3A_16 = arith.constant 1 : i32
    scf.for %scan3A_24 = %scan3A_13 to %scan3A_15 step %scan3A_16  : i32 {
      %mul3A_25 = arith.constant 16 : i32
      %mul3A_26 = arith.muli %scan3A_24, %mul3A_25 : i32
      %get3A = arith.index_cast %mul3A_26 : i32 to index
      %get3A_27 = tpu.vector_load %arg7[%get3A] {strides = array<i32>} : memref<10000xi32, #tpu.memory_space<vmem>>, vector<16xi32>,
      %get3A_28 = arith.index_cast %mul3A_26 : i32 to index
      %get3A_29 = tpu.vector_load %arg8[%get3A_28] {strides = array<i32>} : memref<10000xi32, #tpu.memory_space<vmem>>, vector<16xi32>,
      %gather3A = tpu.vector_load_idx %arg6[%get3A_27] : memref<20000xf32, #tpu.memory_space<vmem>>[vector<16xi32>], vector<16xf32>,
      %add3A_30 = arith.constant 1000 : i32
      %add3A_31 = vector.broadcast %add3A_30 : i32 to vector<16xi32>
      %add3A_32 = arith.addi %get3A_27, %add3A_31 : vector<16xi32>
      %gather3A_33 = tpu.vector_load_idx %arg6[%add3A_32] : memref<20000xf32, #tpu.memory_space<vmem>>[vector<16xi32>], vector<16xf32>,
      %swap3A = arith.index_cast %mul3A_26 : i32 to index
      %swap3A_34 = tpu.vector_load %arg9[%swap3A] {strides = array<i32>} : memref<20000xf32, #tpu.memory_space<vmem>>, vector<16xf32>,
      tpu.vector_store %arg9[%swap3A], %gather3A {strides = array<i32>} : memref<20000xf32, #tpu.memory_space<vmem>>, vector<16xf32>,
      %mul3A_35 = arith.constant 16 : i32
      %mul3A_36 = arith.muli %scan3A_24, %mul3A_35 : i32
      %add3A_37 = arith.constant 10000 : i32
      %add3A_38 = arith.addi %add3A_37, %mul3A_36 : i32
      %swap3A_39 = arith.index_cast %add3A_38 : i32 to index
      %swap3A_40 = tpu.vector_load %arg9[%swap3A_39] {strides = array<i32>} : memref<20000xf32, #tpu.memory_space<vmem>>, vector<16xf32>,
      tpu.vector_store %arg9[%swap3A_39], %gather3A_33 {strides = array<i32>} : memref<20000xf32, #tpu.memory_space<vmem>>, vector<16xf32>,
      %swap3A_41 = arith.index_cast %mul3A_26 : i32 to index
      %swap3A_42 = tpu.vector_load %arg10[%swap3A_41] {strides = array<i32>} : memref<20000xi32, #tpu.memory_space<vmem>>, vector<16xi32>,
      tpu.vector_store %arg10[%swap3A_41], %get3A_29 {strides = array<i32>} : memref<20000xi32, #tpu.memory_space<vmem>>, vector<16xi32>,
      %add3A_43 = arith.constant 1000 : i32
      %add3A_44 = vector.broadcast %add3A_43 : i32 to vector<16xi32>
      %add3A_45 = arith.addi %get3A_29, %add3A_44 : vector<16xi32>
      %mul3A_46 = arith.constant 16 : i32
      %mul3A_47 = arith.muli %scan3A_24, %mul3A_46 : i32
      %add3A_48 = arith.constant 10000 : i32
      %add3A_49 = arith.addi %add3A_48, %mul3A_47 : i32
      %swap3A_50 = arith.index_cast %add3A_49 : i32 to index
      %swap3A_51 = tpu.vector_load %arg10[%swap3A_50] {strides = array<i32>} : memref<20000xi32, #tpu.memory_space<vmem>>, vector<16xi32>,
      tpu.vector_store %arg10[%swap3A_50], %add3A_45 {strides = array<i32>} : memref<20000xi32, #tpu.memory_space<vmem>>, vector<16xi32>,
    }
    %scan3A_17 = arith.constant 625 : i32
    %barrier3A = arith.constant 0 : index
    tpu.barrier barrier_id(%barrier3A)
    "tpu.region"() ({
      %run_scoped3A = tpu.sem_alloc : memref<!tpu.dma_semaphore, #tpu.memory_space<semaphore_mem>>
      %dma_start3A_24 = arith.constant 0 : i32
      %dma_start3A_25 = tpu.memref_slice %arg11[%dma_start3A_24] : memref<20000xf32, #tpu.memory_space<vmem_shared>> -> memref<20000xf32, #tpu.memory_space<vmem_shared>>
      tpu.enqueue_indirect_dma source(%arg9 : memref<20000xf32, #tpu.memory_space<vmem>>) target(%dma_start3A_25 : memref<20000xf32, #tpu.memory_space<vmem_shared>>) offsets(%arg10 : memref<20000xi32, #tpu.memory_space<vmem>>) semaphore(%run_scoped3A : memref<!tpu.dma_semaphore, #tpu.memory_space<semaphore_mem>>) {add = true}
      %dma_wait3A_26 = arith.constant 0 : i32
      %dma_wait3A_27 = tpu.memref_slice %arg11[%dma_wait3A_26] : memref<20000xf32, #tpu.memory_space<vmem_shared>> -> memref<20000xf32, #tpu.memory_space<vmem_shared>>
      tpu.wait_indirect_dma semaphore(%run_scoped3A : memref<!tpu.dma_semaphore, #tpu.memory_space<semaphore_mem>>) src(%arg9 : memref<20000xf32, #tpu.memory_space<vmem>>) dst(%dma_wait3A_27 : memref<20000xf32, #tpu.memory_space<vmem_shared>>)
      tpu.yield
    }) : () -> ()
    %barrier3A_18 = arith.constant 0 : index
    tpu.barrier barrier_id(%barrier3A_18)
    %eq3A_19 = arith.constant 0 : i32
    %eq3A_20 = arith.cmpi eq, %arg1, %eq3A_19 : i32
    %convert_element_type3A_21 = arith.extui %eq3A_20 : i1 to i32
    %cond3A_22 = arith.constant 0 : i32
    %cond3A_23 = arith.cmpi ne, %convert_element_type3A_21, %cond3A_22 : i32
    scf.if %cond3A_23 {
      "tpu.region"() ({
        %run_scoped3A = tpu.sem_alloc : memref<!tpu.dma_semaphore, #tpu.memory_space<semaphore_mem>>
        %dma_start3A_24 = arith.constant 0 : i32
        %dma_start3A_25 = tpu.memref_slice %arg5[%arg0, %dma_start3A_24] : memref<2x20000xf32, #tpu.memory_space<hbm>> -> memref<1x20000xf32, #tpu.memory_space<hbm>>
        %dma_start3A_26 = tpu.memref_squeeze %dma_start3A_25 : memref<1x20000xf32, #tpu.memory_space<hbm>> -> memref<20000xf32, #tpu.memory_space<hbm>>
        tpu.enqueue_dma source(%arg11 : memref<20000xf32, #tpu.memory_space<vmem_shared>>) target(%dma_start3A_26 : memref<20000xf32, #tpu.memory_space<hbm>>) target_semaphore(%run_scoped3A : memref<!tpu.dma_semaphore, #tpu.memory_space<semaphore_mem>>)
        %dma_wait3A_27 = arith.constant 0 : i32
        %dma_wait3A_28 = tpu.memref_slice %arg5[%arg0, %dma_wait3A_27] : memref<2x20000xf32, #tpu.memory_space<hbm>> -> memref<1x20000xf32, #tpu.memory_space<hbm>>
        %dma_wait3A_29 = tpu.memref_squeeze %dma_wait3A_28 : memref<1x20000xf32, #tpu.memory_space<hbm>> -> memref<20000xf32, #tpu.memory_space<hbm>>
        tpu.wait_dma2 semaphore(%run_scoped3A : memref<!tpu.dma_semaphore, #tpu.memory_space<semaphore_mem>>) src(%arg11 : memref<20000xf32, #tpu.memory_space<vmem_shared>>) dst(%dma_wait3A_29 : memref<20000xf32, #tpu.memory_space<hbm>>)
        tpu.yield
      }) : () -> ()
    } else {
    }
    return
  }
}

#map = affine_map<(d0, d1) -> (0)>
#map1 = affine_map<(d0, d1) -> (0, 0)>
module attributes {stable_mosaic.version = 14 : i64} {
  func.func @k(%arg0: i32, %arg1: i32, %arg2: memref<20000xf32, #tpu.memory_space<hbm>>, %arg3: memref<640000xi32, #tpu.memory_space<hbm>>, %arg4: memref<20000xf32, #tpu.memory_space<hbm>>, %arg5: memref<2x20000xf32, #tpu.memory_space<hbm>>, %arg6: memref<20000xf32, #tpu.memory_space<vmem>>, %arg7: memref<10000xi32, #tpu.memory_space<vmem>>, %arg8: memref<10000xi32, #tpu.memory_space<vmem>>, %arg9: memref<20000xf32, #tpu.memory_space<vmem>>, %arg10: memref<20000xi32, #tpu.memory_space<vmem>>, %arg11: memref<20000xf32, #tpu.memory_space<vmem_shared>>, %arg12: memref<!tpu.dma_semaphore, #tpu.memory_space<semaphore_mem>>, %arg13: memref<!tpu.dma_semaphore, #tpu.memory_space<semaphore_mem>>, %arg14: memref<!tpu.dma_semaphore, #tpu.memory_space<semaphore_mem>>) attributes {dimension_semantics = [#tpu.dimension_semantics<core_parallel>, #tpu.dimension_semantics<subcore_parallel>], iteration_bounds = array<i64: 2, 16>, scalar_prefetch = 0 : i64, scratch_operands = 9 : i64, tpu.core_type = #tpu.core_type<sc_vector_subcore>, window_params = [{transform_indices = #map}, {transform_indices = #map}, {transform_indices = #map}, {transform_indices = #map1}]} {
    %mul3A = arith.constant 16 : i32
    %mul3A_0 = arith.muli %arg0, %mul3A : i32
    %add3A = arith.addi %mul3A_0, %arg1 : i32
    %mul3A_1 = arith.constant 10000 : i32
    %mul3A_2 = arith.muli %add3A, %mul3A_1 : i32
    %eq3A = arith.constant 0 : i32
    %eq3A_3 = arith.cmpi eq, %arg1, %eq3A : i32
    %convert_element_type3A = arith.extui %eq3A_3 : i1 to i32
    %cond3A = arith.constant 0 : i32
    %cond3A_4 = arith.cmpi ne, %convert_element_type3A, %cond3A : i32
    scf.if %cond3A_4 {
      "tpu.region"() ({
        %run_scoped3A = tpu.sem_alloc : memref<!tpu.dma_semaphore, #tpu.memory_space<semaphore_mem>>
        tpu.enqueue_dma source(%arg4 : memref<20000xf32, #tpu.memory_space<hbm>>) target(%arg11 : memref<20000xf32, #tpu.memory_space<vmem_shared>>) target_semaphore(%run_scoped3A : memref<!tpu.dma_semaphore, #tpu.memory_space<semaphore_mem>>)
        tpu.wait_dma2 semaphore(%run_scoped3A : memref<!tpu.dma_semaphore, #tpu.memory_space<semaphore_mem>>) src(%arg4 : memref<20000xf32, #tpu.memory_space<hbm>>) dst(%arg11 : memref<20000xf32, #tpu.memory_space<vmem_shared>>)
        tpu.yield
      }) : () -> ()
    } else {
    }
    tpu.enqueue_dma source(%arg2 : memref<20000xf32, #tpu.memory_space<hbm>>) target(%arg6 : memref<20000xf32, #tpu.memory_space<vmem>>) target_semaphore(%arg12 : memref<!tpu.dma_semaphore, #tpu.memory_space<semaphore_mem>>)
    %dma_start3A = tpu.memref_slice %arg3[%mul3A_2] : memref<640000xi32, #tpu.memory_space<hbm>> -> memref<10000xi32, #tpu.memory_space<hbm>>
    %dma_start3A_5 = tpu.memref_slice %arg3[%mul3A_2] : memref<640000xi32, #tpu.memory_space<hbm>> -> memref<10000xi32, #tpu.memory_space<hbm>>
    tpu.enqueue_dma source(%dma_start3A_5 : memref<10000xi32, #tpu.memory_space<hbm>>) target(%arg7 : memref<10000xi32, #tpu.memory_space<vmem>>) target_semaphore(%arg13 : memref<!tpu.dma_semaphore, #tpu.memory_space<semaphore_mem>>)
    %add3A_6 = arith.constant 320000 : i32
    %add3A_7 = arith.addi %add3A_6, %mul3A_2 : i32
    %dma_start3A_8 = tpu.memref_slice %arg3[%add3A_7] : memref<640000xi32, #tpu.memory_space<hbm>> -> memref<10000xi32, #tpu.memory_space<hbm>>
    %dma_start3A_9 = tpu.memref_slice %arg3[%add3A_7] : memref<640000xi32, #tpu.memory_space<hbm>> -> memref<10000xi32, #tpu.memory_space<hbm>>
    tpu.enqueue_dma source(%dma_start3A_9 : memref<10000xi32, #tpu.memory_space<hbm>>) target(%arg8 : memref<10000xi32, #tpu.memory_space<vmem>>) target_semaphore(%arg14 : memref<!tpu.dma_semaphore, #tpu.memory_space<semaphore_mem>>)
    tpu.wait_dma2 semaphore(%arg12 : memref<!tpu.dma_semaphore, #tpu.memory_space<semaphore_mem>>) src(%arg2 : memref<20000xf32, #tpu.memory_space<hbm>>) dst(%arg6 : memref<20000xf32, #tpu.memory_space<vmem>>)
    %dma_wait3A = tpu.memref_slice %arg3[%mul3A_2] : memref<640000xi32, #tpu.memory_space<hbm>> -> memref<10000xi32, #tpu.memory_space<hbm>>
    %dma_wait3A_10 = tpu.memref_slice %arg3[%mul3A_2] : memref<640000xi32, #tpu.memory_space<hbm>> -> memref<10000xi32, #tpu.memory_space<hbm>>
    tpu.wait_dma2 semaphore(%arg13 : memref<!tpu.dma_semaphore, #tpu.memory_space<semaphore_mem>>) src(%dma_wait3A_10 : memref<10000xi32, #tpu.memory_space<hbm>>) dst(%arg7 : memref<10000xi32, #tpu.memory_space<vmem>>)
    %dma_wait3A_11 = tpu.memref_slice %arg3[%add3A_7] : memref<640000xi32, #tpu.memory_space<hbm>> -> memref<10000xi32, #tpu.memory_space<hbm>>
    %dma_wait3A_12 = tpu.memref_slice %arg3[%add3A_7] : memref<640000xi32, #tpu.memory_space<hbm>> -> memref<10000xi32, #tpu.memory_space<hbm>>
    tpu.wait_dma2 semaphore(%arg14 : memref<!tpu.dma_semaphore, #tpu.memory_space<semaphore_mem>>) src(%dma_wait3A_12 : memref<10000xi32, #tpu.memory_space<hbm>>) dst(%arg8 : memref<10000xi32, #tpu.memory_space<vmem>>)
    %scan3A = arith.constant 0 : i32
    %scan3A_13 = arith.constant 0 : i32
    %scan3A_14 = arith.constant 625 : i32
    %scan3A_15 = arith.addi %scan3A_13, %scan3A_14 : i32
    %scan3A_16 = arith.constant 1 : i32
    scf.for %scan3A_24 = %scan3A_13 to %scan3A_15 step %scan3A_16  : i32 {
      %mul3A_25 = arith.constant 16 : i32
      %mul3A_26 = arith.muli %scan3A_24, %mul3A_25 : i32
      %get3A = arith.index_cast %mul3A_26 : i32 to index
      %get3A_27 = tpu.vector_load %arg7[%get3A] {strides = array<i32>} : memref<10000xi32, #tpu.memory_space<vmem>>, vector<16xi32>,
      %get3A_28 = arith.index_cast %mul3A_26 : i32 to index
      %get3A_29 = tpu.vector_load %arg8[%get3A_28] {strides = array<i32>} : memref<10000xi32, #tpu.memory_space<vmem>>, vector<16xi32>,
      %gather3A = tpu.vector_load_idx %arg6[%get3A_27] : memref<20000xf32, #tpu.memory_space<vmem>>[vector<16xi32>], vector<16xf32>,
      %add3A_30 = arith.constant 1000 : i32
      %add3A_31 = vector.broadcast %add3A_30 : i32 to vector<16xi32>
      %add3A_32 = arith.addi %get3A_27, %add3A_31 : vector<16xi32>
      %gather3A_33 = tpu.vector_load_idx %arg6[%add3A_32] : memref<20000xf32, #tpu.memory_space<vmem>>[vector<16xi32>], vector<16xf32>,
      %swap3A = arith.index_cast %mul3A_26 : i32 to index
      %swap3A_34 = tpu.vector_load %arg9[%swap3A] {strides = array<i32>} : memref<20000xf32, #tpu.memory_space<vmem>>, vector<16xf32>,
      tpu.vector_store %arg9[%swap3A], %gather3A {strides = array<i32>} : memref<20000xf32, #tpu.memory_space<vmem>>, vector<16xf32>,
      %mul3A_35 = arith.constant 16 : i32
      %mul3A_36 = arith.muli %scan3A_24, %mul3A_35 : i32
      %add3A_37 = arith.constant 10000 : i32
      %add3A_38 = arith.addi %add3A_37, %mul3A_36 : i32
      %swap3A_39 = arith.index_cast %add3A_38 : i32 to index
      %swap3A_40 = tpu.vector_load %arg9[%swap3A_39] {strides = array<i32>} : memref<20000xf32, #tpu.memory_space<vmem>>, vector<16xf32>,
      tpu.vector_store %arg9[%swap3A_39], %gather3A_33 {strides = array<i32>} : memref<20000xf32, #tpu.memory_space<vmem>>, vector<16xf32>,
      %swap3A_41 = arith.index_cast %mul3A_26 : i32 to index
      %swap3A_42 = tpu.vector_load %arg10[%swap3A_41] {strides = array<i32>} : memref<20000xi32, #tpu.memory_space<vmem>>, vector<16xi32>,
      tpu.vector_store %arg10[%swap3A_41], %get3A_29 {strides = array<i32>} : memref<20000xi32, #tpu.memory_space<vmem>>, vector<16xi32>,
      %add3A_43 = arith.constant 1000 : i32
      %add3A_44 = vector.broadcast %add3A_43 : i32 to vector<16xi32>
      %add3A_45 = arith.addi %get3A_29, %add3A_44 : vector<16xi32>
      %mul3A_46 = arith.constant 16 : i32
      %mul3A_47 = arith.muli %scan3A_24, %mul3A_46 : i32
      %add3A_48 = arith.constant 10000 : i32
      %add3A_49 = arith.addi %add3A_48, %mul3A_47 : i32
      %swap3A_50 = arith.index_cast %add3A_49 : i32 to index
      %swap3A_51 = tpu.vector_load %arg10[%swap3A_50] {strides = array<i32>} : memref<20000xi32, #tpu.memory_space<vmem>>, vector<16xi32>,
      tpu.vector_store %arg10[%swap3A_50], %add3A_45 {strides = array<i32>} : memref<20000xi32, #tpu.memory_space<vmem>>, vector<16xi32>,
    }
    %scan3A_17 = arith.constant 625 : i32
    %barrier3A = arith.constant 0 : index
    tpu.barrier barrier_id(%barrier3A)
    "tpu.region"() ({
      %run_scoped3A = tpu.sem_alloc : memref<!tpu.dma_semaphore, #tpu.memory_space<semaphore_mem>>
      %dma_start3A_24 = arith.constant 0 : i32
      %dma_start3A_25 = tpu.memref_slice %arg11[%dma_start3A_24] : memref<20000xf32, #tpu.memory_space<vmem_shared>> -> memref<20000xf32, #tpu.memory_space<vmem_shared>>
      tpu.enqueue_indirect_dma source(%arg9 : memref<20000xf32, #tpu.memory_space<vmem>>) target(%dma_start3A_25 : memref<20000xf32, #tpu.memory_space<vmem_shared>>) offsets(%arg10 : memref<20000xi32, #tpu.memory_space<vmem>>) semaphore(%run_scoped3A : memref<!tpu.dma_semaphore, #tpu.memory_space<semaphore_mem>>) {add = true}
      %dma_wait3A_26 = arith.constant 0 : i32
      %dma_wait3A_27 = tpu.memref_slice %arg11[%dma_wait3A_26] : memref<20000xf32, #tpu.memory_space<vmem_shared>> -> memref<20000xf32, #tpu.memory_space<vmem_shared>>
      tpu.wait_indirect_dma semaphore(%run_scoped3A : memref<!tpu.dma_semaphore, #tpu.memory_space<semaphore_mem>>) src(%arg9 : memref<20000xf32, #tpu.memory_space<vmem>>) dst(%dma_wait3A_27 : memref<20000xf32, #tpu.memory_space<vmem_shared>>)
      tpu.yield
    }) : () -> ()
    %barrier3A_18 = arith.constant 0 : index
    tpu.barrier barrier_id(%barrier3A_18)
    %eq3A_19 = arith.constant 0 : i32
    %eq3A_20 = arith.cmpi eq, %arg1, %eq3A_19 : i32
    %convert_element_type3A_21 = arith.extui %eq3A_20 : i1 to i32
    %cond3A_22 = arith.constant 0 : i32
    %cond3A_23 = arith.cmpi ne, %convert_element_type3A_21, %cond3A_22 : i32
    scf.if %cond3A_23 {
      "tpu.region"() ({
        %run_scoped3A = tpu.sem_alloc : memref<!tpu.dma_semaphore, #tpu.memory_space<semaphore_mem>>
        %dma_start3A_24 = arith.constant 0 : i32
        %dma_start3A_25 = tpu.memref_slice %arg5[%arg0, %dma_start3A_24] : memref<2x20000xf32, #tpu.memory_space<hbm>> -> memref<1x20000xf32, #tpu.memory_space<hbm>>
        %dma_start3A_26 = tpu.memref_squeeze %dma_start3A_25 : memref<1x20000xf32, #tpu.memory_space<hbm>> -> memref<20000xf32, #tpu.memory_space<hbm>>
        tpu.enqueue_dma source(%arg11 : memref<20000xf32, #tpu.memory_space<vmem_shared>>) target(%dma_start3A_26 : memref<20000xf32, #tpu.memory_space<hbm>>) target_semaphore(%run_scoped3A : memref<!tpu.dma_semaphore, #tpu.memory_space<semaphore_mem>>)
        %dma_wait3A_27 = arith.constant 0 : i32
        %dma_wait3A_28 = tpu.memref_slice %arg5[%arg0, %dma_wait3A_27] : memref<2x20000xf32, #tpu.memory_space<hbm>> -> memref<1x20000xf32, #tpu.memory_space<hbm>>
        %dma_wait3A_29 = tpu.memref_squeeze %dma_wait3A_28 : memref<1x20000xf32, #tpu.memory_space<hbm>> -> memref<20000xf32, #tpu.memory_space<hbm>>
        tpu.wait_dma2 semaphore(%run_scoped3A : memref<!tpu.dma_semaphore, #tpu.memory_space<semaphore_mem>>) src(%arg11 : memref<20000xf32, #tpu.memory_space<vmem_shared>>) dst(%dma_wait3A_29 : memref<20000xf32, #tpu.memory_space<hbm>>)
        tpu.yield
      }) : () -> ()
    } else {
    }
    return
  }
}

#map = affine_map<(d0, d1) -> (0)>
#map1 = affine_map<(d0, d1) -> (0, 0)>
module attributes {stable_mosaic.version = 14 : i64} {
  func.func @k(%arg0: i32, %arg1: i32, %arg2: memref<20000xf32, #tpu.memory_space<hbm>>, %arg3: memref<640000xi32, #tpu.memory_space<hbm>>, %arg4: memref<20000xf32, #tpu.memory_space<hbm>>, %arg5: memref<2x20000xf32, #tpu.memory_space<hbm>>, %arg6: memref<20000xf32, #tpu.memory_space<vmem>>, %arg7: memref<10000xi32, #tpu.memory_space<vmem>>, %arg8: memref<10000xi32, #tpu.memory_space<vmem>>, %arg9: memref<20000xf32, #tpu.memory_space<vmem>>, %arg10: memref<20000xi32, #tpu.memory_space<vmem>>, %arg11: memref<20000xf32, #tpu.memory_space<vmem_shared>>, %arg12: memref<!tpu.dma_semaphore, #tpu.memory_space<semaphore_mem>>, %arg13: memref<!tpu.dma_semaphore, #tpu.memory_space<semaphore_mem>>, %arg14: memref<!tpu.dma_semaphore, #tpu.memory_space<semaphore_mem>>) attributes {dimension_semantics = [#tpu.dimension_semantics<core_parallel>, #tpu.dimension_semantics<subcore_parallel>], iteration_bounds = array<i64: 2, 16>, scalar_prefetch = 0 : i64, scratch_operands = 9 : i64, tpu.core_type = #tpu.core_type<sc_vector_subcore>, window_params = [{transform_indices = #map}, {transform_indices = #map}, {transform_indices = #map}, {transform_indices = #map1}]} {
    %mul3A = arith.constant 16 : i32
    %mul3A_0 = arith.muli %arg0, %mul3A : i32
    %add3A = arith.addi %mul3A_0, %arg1 : i32
    %mul3A_1 = arith.constant 10000 : i32
    %mul3A_2 = arith.muli %add3A, %mul3A_1 : i32
    %eq3A = arith.constant 0 : i32
    %eq3A_3 = arith.cmpi eq, %arg1, %eq3A : i32
    %convert_element_type3A = arith.extui %eq3A_3 : i1 to i32
    %cond3A = arith.constant 0 : i32
    %cond3A_4 = arith.cmpi ne, %convert_element_type3A, %cond3A : i32
    scf.if %cond3A_4 {
      "tpu.region"() ({
        %run_scoped3A = tpu.sem_alloc : memref<!tpu.dma_semaphore, #tpu.memory_space<semaphore_mem>>
        tpu.enqueue_dma source(%arg4 : memref<20000xf32, #tpu.memory_space<hbm>>) target(%arg11 : memref<20000xf32, #tpu.memory_space<vmem_shared>>) target_semaphore(%run_scoped3A : memref<!tpu.dma_semaphore, #tpu.memory_space<semaphore_mem>>)
        tpu.wait_dma2 semaphore(%run_scoped3A : memref<!tpu.dma_semaphore, #tpu.memory_space<semaphore_mem>>) src(%arg4 : memref<20000xf32, #tpu.memory_space<hbm>>) dst(%arg11 : memref<20000xf32, #tpu.memory_space<vmem_shared>>)
        tpu.yield
      }) : () -> ()
    } else {
    }
    tpu.enqueue_dma source(%arg2 : memref<20000xf32, #tpu.memory_space<hbm>>) target(%arg6 : memref<20000xf32, #tpu.memory_space<vmem>>) target_semaphore(%arg12 : memref<!tpu.dma_semaphore, #tpu.memory_space<semaphore_mem>>)
    %dma_start3A = tpu.memref_slice %arg3[%mul3A_2] : memref<640000xi32, #tpu.memory_space<hbm>> -> memref<10000xi32, #tpu.memory_space<hbm>>
    %dma_start3A_5 = tpu.memref_slice %arg3[%mul3A_2] : memref<640000xi32, #tpu.memory_space<hbm>> -> memref<10000xi32, #tpu.memory_space<hbm>>
    tpu.enqueue_dma source(%dma_start3A_5 : memref<10000xi32, #tpu.memory_space<hbm>>) target(%arg7 : memref<10000xi32, #tpu.memory_space<vmem>>) target_semaphore(%arg13 : memref<!tpu.dma_semaphore, #tpu.memory_space<semaphore_mem>>)
    %add3A_6 = arith.constant 320000 : i32
    %add3A_7 = arith.addi %add3A_6, %mul3A_2 : i32
    %dma_start3A_8 = tpu.memref_slice %arg3[%add3A_7] : memref<640000xi32, #tpu.memory_space<hbm>> -> memref<10000xi32, #tpu.memory_space<hbm>>
    %dma_start3A_9 = tpu.memref_slice %arg3[%add3A_7] : memref<640000xi32, #tpu.memory_space<hbm>> -> memref<10000xi32, #tpu.memory_space<hbm>>
    tpu.enqueue_dma source(%dma_start3A_9 : memref<10000xi32, #tpu.memory_space<hbm>>) target(%arg8 : memref<10000xi32, #tpu.memory_space<vmem>>) target_semaphore(%arg14 : memref<!tpu.dma_semaphore, #tpu.memory_space<semaphore_mem>>)
    tpu.wait_dma2 semaphore(%arg12 : memref<!tpu.dma_semaphore, #tpu.memory_space<semaphore_mem>>) src(%arg2 : memref<20000xf32, #tpu.memory_space<hbm>>) dst(%arg6 : memref<20000xf32, #tpu.memory_space<vmem>>)
    %dma_wait3A = tpu.memref_slice %arg3[%mul3A_2] : memref<640000xi32, #tpu.memory_space<hbm>> -> memref<10000xi32, #tpu.memory_space<hbm>>
    %dma_wait3A_10 = tpu.memref_slice %arg3[%mul3A_2] : memref<640000xi32, #tpu.memory_space<hbm>> -> memref<10000xi32, #tpu.memory_space<hbm>>
    tpu.wait_dma2 semaphore(%arg13 : memref<!tpu.dma_semaphore, #tpu.memory_space<semaphore_mem>>) src(%dma_wait3A_10 : memref<10000xi32, #tpu.memory_space<hbm>>) dst(%arg7 : memref<10000xi32, #tpu.memory_space<vmem>>)
    %dma_wait3A_11 = tpu.memref_slice %arg3[%add3A_7] : memref<640000xi32, #tpu.memory_space<hbm>> -> memref<10000xi32, #tpu.memory_space<hbm>>
    %dma_wait3A_12 = tpu.memref_slice %arg3[%add3A_7] : memref<640000xi32, #tpu.memory_space<hbm>> -> memref<10000xi32, #tpu.memory_space<hbm>>
    tpu.wait_dma2 semaphore(%arg14 : memref<!tpu.dma_semaphore, #tpu.memory_space<semaphore_mem>>) src(%dma_wait3A_12 : memref<10000xi32, #tpu.memory_space<hbm>>) dst(%arg8 : memref<10000xi32, #tpu.memory_space<vmem>>)
    %scan3A = arith.constant 0 : i32
    %scan3A_13 = arith.constant 0 : i32
    %scan3A_14 = arith.constant 625 : i32
    %scan3A_15 = arith.addi %scan3A_13, %scan3A_14 : i32
    %scan3A_16 = arith.constant 1 : i32
    scf.for %scan3A_24 = %scan3A_13 to %scan3A_15 step %scan3A_16  : i32 {
      %mul3A_25 = arith.constant 16 : i32
      %mul3A_26 = arith.muli %scan3A_24, %mul3A_25 : i32
      %get3A = arith.index_cast %mul3A_26 : i32 to index
      %get3A_27 = tpu.vector_load %arg7[%get3A] {strides = array<i32>} : memref<10000xi32, #tpu.memory_space<vmem>>, vector<16xi32>,
      %get3A_28 = arith.index_cast %mul3A_26 : i32 to index
      %get3A_29 = tpu.vector_load %arg8[%get3A_28] {strides = array<i32>} : memref<10000xi32, #tpu.memory_space<vmem>>, vector<16xi32>,
      %gather3A = tpu.vector_load_idx %arg6[%get3A_27] : memref<20000xf32, #tpu.memory_space<vmem>>[vector<16xi32>], vector<16xf32>,
      %add3A_30 = arith.constant 1000 : i32
      %add3A_31 = vector.broadcast %add3A_30 : i32 to vector<16xi32>
      %add3A_32 = arith.addi %get3A_27, %add3A_31 : vector<16xi32>
      %gather3A_33 = tpu.vector_load_idx %arg6[%add3A_32] : memref<20000xf32, #tpu.memory_space<vmem>>[vector<16xi32>], vector<16xf32>,
      %swap3A = arith.index_cast %mul3A_26 : i32 to index
      %swap3A_34 = tpu.vector_load %arg9[%swap3A] {strides = array<i32>} : memref<20000xf32, #tpu.memory_space<vmem>>, vector<16xf32>,
      tpu.vector_store %arg9[%swap3A], %gather3A {strides = array<i32>} : memref<20000xf32, #tpu.memory_space<vmem>>, vector<16xf32>,
      %mul3A_35 = arith.constant 16 : i32
      %mul3A_36 = arith.muli %scan3A_24, %mul3A_35 : i32
      %add3A_37 = arith.constant 10000 : i32
      %add3A_38 = arith.addi %add3A_37, %mul3A_36 : i32
      %swap3A_39 = arith.index_cast %add3A_38 : i32 to index
      %swap3A_40 = tpu.vector_load %arg9[%swap3A_39] {strides = array<i32>} : memref<20000xf32, #tpu.memory_space<vmem>>, vector<16xf32>,
      tpu.vector_store %arg9[%swap3A_39], %gather3A_33 {strides = array<i32>} : memref<20000xf32, #tpu.memory_space<vmem>>, vector<16xf32>,
      %swap3A_41 = arith.index_cast %mul3A_26 : i32 to index
      %swap3A_42 = tpu.vector_load %arg10[%swap3A_41] {strides = array<i32>} : memref<20000xi32, #tpu.memory_space<vmem>>, vector<16xi32>,
      tpu.vector_store %arg10[%swap3A_41], %get3A_29 {strides = array<i32>} : memref<20000xi32, #tpu.memory_space<vmem>>, vector<16xi32>,
      %add3A_43 = arith.constant 1000 : i32
      %add3A_44 = vector.broadcast %add3A_43 : i32 to vector<16xi32>
      %add3A_45 = arith.addi %get3A_29, %add3A_44 : vector<16xi32>
      %mul3A_46 = arith.constant 16 : i32
      %mul3A_47 = arith.muli %scan3A_24, %mul3A_46 : i32
      %add3A_48 = arith.constant 10000 : i32
      %add3A_49 = arith.addi %add3A_48, %mul3A_47 : i32
      %swap3A_50 = arith.index_cast %add3A_49 : i32 to index
      %swap3A_51 = tpu.vector_load %arg10[%swap3A_50] {strides = array<i32>} : memref<20000xi32, #tpu.memory_space<vmem>>, vector<16xi32>,
      tpu.vector_store %arg10[%swap3A_50], %add3A_45 {strides = array<i32>} : memref<20000xi32, #tpu.memory_space<vmem>>, vector<16xi32>,
    }
    %scan3A_17 = arith.constant 625 : i32
    %barrier3A = arith.constant 0 : index
    tpu.barrier barrier_id(%barrier3A)
    "tpu.region"() ({
      %run_scoped3A = tpu.sem_alloc : memref<!tpu.dma_semaphore, #tpu.memory_space<semaphore_mem>>
      %dma_start3A_24 = arith.constant 0 : i32
      %dma_start3A_25 = tpu.memref_slice %arg11[%dma_start3A_24] : memref<20000xf32, #tpu.memory_space<vmem_shared>> -> memref<20000xf32, #tpu.memory_space<vmem_shared>>
      tpu.enqueue_indirect_dma source(%arg9 : memref<20000xf32, #tpu.memory_space<vmem>>) target(%dma_start3A_25 : memref<20000xf32, #tpu.memory_space<vmem_shared>>) offsets(%arg10 : memref<20000xi32, #tpu.memory_space<vmem>>) semaphore(%run_scoped3A : memref<!tpu.dma_semaphore, #tpu.memory_space<semaphore_mem>>) {add = true}
      %dma_wait3A_26 = arith.constant 0 : i32
      %dma_wait3A_27 = tpu.memref_slice %arg11[%dma_wait3A_26] : memref<20000xf32, #tpu.memory_space<vmem_shared>> -> memref<20000xf32, #tpu.memory_space<vmem_shared>>
      tpu.wait_indirect_dma semaphore(%run_scoped3A : memref<!tpu.dma_semaphore, #tpu.memory_space<semaphore_mem>>) src(%arg9 : memref<20000xf32, #tpu.memory_space<vmem>>) dst(%dma_wait3A_27 : memref<20000xf32, #tpu.memory_space<vmem_shared>>)
      tpu.yield
    }) : () -> ()
    %barrier3A_18 = arith.constant 0 : index
    tpu.barrier barrier_id(%barrier3A_18)
    %eq3A_19 = arith.constant 0 : i32
    %eq3A_20 = arith.cmpi eq, %arg1, %eq3A_19 : i32
    %convert_element_type3A_21 = arith.extui %eq3A_20 : i1 to i32
    %cond3A_22 = arith.constant 0 : i32
    %cond3A_23 = arith.cmpi ne, %convert_element_type3A_21, %cond3A_22 : i32
    scf.if %cond3A_23 {
      "tpu.region"() ({
        %run_scoped3A = tpu.sem_alloc : memref<!tpu.dma_semaphore, #tpu.memory_space<semaphore_mem>>
        %dma_start3A_24 = arith.constant 0 : i32
        %dma_start3A_25 = tpu.memref_slice %arg5[%arg0, %dma_start3A_24] : memref<2x20000xf32, #tpu.memory_space<hbm>> -> memref<1x20000xf32, #tpu.memory_space<hbm>>
        %dma_start3A_26 = tpu.memref_squeeze %dma_start3A_25 : memref<1x20000xf32, #tpu.memory_space<hbm>> -> memref<20000xf32, #tpu.memory_space<hbm>>
        tpu.enqueue_dma source(%arg11 : memref<20000xf32, #tpu.memory_space<vmem_shared>>) target(%dma_start3A_26 : memref<20000xf32, #tpu.memory_space<hbm>>) target_semaphore(%run_scoped3A : memref<!tpu.dma_semaphore, #tpu.memory_space<semaphore_mem>>)
        %dma_wait3A_27 = arith.constant 0 : i32
        %dma_wait3A_28 = tpu.memref_slice %arg5[%arg0, %dma_wait3A_27] : memref<2x20000xf32, #tpu.memory_space<hbm>> -> memref<1x20000xf32, #tpu.memory_space<hbm>>
        %dma_wait3A_29 = tpu.memref_squeeze %dma_wait3A_28 : memref<1x20000xf32, #tpu.memory_space<hbm>> -> memref<20000xf32, #tpu.memory_space<hbm>>
        tpu.wait_dma2 semaphore(%run_scoped3A : memref<!tpu.dma_semaphore, #tpu.memory_space<semaphore_mem>>) src(%arg11 : memref<20000xf32, #tpu.memory_space<vmem_shared>>) dst(%dma_wait3A_29 : memref<20000xf32, #tpu.memory_space<hbm>>)
        tpu.yield
      }) : () -> ()
    } else {
    }
    return
  }
}

#map = affine_map<(d0, d1) -> (0)>
#map1 = affine_map<(d0, d1) -> (0, 0)>
module attributes {stable_mosaic.version = 14 : i64} {
  func.func @k(%arg0: i32, %arg1: i32, %arg2: memref<20000xf32, #tpu.memory_space<hbm>>, %arg3: memref<640000xi32, #tpu.memory_space<hbm>>, %arg4: memref<20000xf32, #tpu.memory_space<hbm>>, %arg5: memref<2x20000xf32, #tpu.memory_space<hbm>>, %arg6: memref<20000xf32, #tpu.memory_space<vmem>>, %arg7: memref<10000xi32, #tpu.memory_space<vmem>>, %arg8: memref<10000xi32, #tpu.memory_space<vmem>>, %arg9: memref<20000xf32, #tpu.memory_space<vmem>>, %arg10: memref<20000xi32, #tpu.memory_space<vmem>>, %arg11: memref<20000xf32, #tpu.memory_space<vmem_shared>>, %arg12: memref<!tpu.dma_semaphore, #tpu.memory_space<semaphore_mem>>, %arg13: memref<!tpu.dma_semaphore, #tpu.memory_space<semaphore_mem>>, %arg14: memref<!tpu.dma_semaphore, #tpu.memory_space<semaphore_mem>>) attributes {dimension_semantics = [#tpu.dimension_semantics<core_parallel>, #tpu.dimension_semantics<subcore_parallel>], iteration_bounds = array<i64: 2, 16>, scalar_prefetch = 0 : i64, scratch_operands = 9 : i64, tpu.core_type = #tpu.core_type<sc_vector_subcore>, window_params = [{transform_indices = #map}, {transform_indices = #map}, {transform_indices = #map}, {transform_indices = #map1}]} {
    %mul3A = arith.constant 16 : i32
    %mul3A_0 = arith.muli %arg0, %mul3A : i32
    %add3A = arith.addi %mul3A_0, %arg1 : i32
    %mul3A_1 = arith.constant 10000 : i32
    %mul3A_2 = arith.muli %add3A, %mul3A_1 : i32
    %eq3A = arith.constant 0 : i32
    %eq3A_3 = arith.cmpi eq, %arg1, %eq3A : i32
    %convert_element_type3A = arith.extui %eq3A_3 : i1 to i32
    %cond3A = arith.constant 0 : i32
    %cond3A_4 = arith.cmpi ne, %convert_element_type3A, %cond3A : i32
    scf.if %cond3A_4 {
      "tpu.region"() ({
        %run_scoped3A = tpu.sem_alloc : memref<!tpu.dma_semaphore, #tpu.memory_space<semaphore_mem>>
        tpu.enqueue_dma source(%arg4 : memref<20000xf32, #tpu.memory_space<hbm>>) target(%arg11 : memref<20000xf32, #tpu.memory_space<vmem_shared>>) target_semaphore(%run_scoped3A : memref<!tpu.dma_semaphore, #tpu.memory_space<semaphore_mem>>)
        tpu.wait_dma2 semaphore(%run_scoped3A : memref<!tpu.dma_semaphore, #tpu.memory_space<semaphore_mem>>) src(%arg4 : memref<20000xf32, #tpu.memory_space<hbm>>) dst(%arg11 : memref<20000xf32, #tpu.memory_space<vmem_shared>>)
        tpu.yield
      }) : () -> ()
    } else {
    }
    tpu.enqueue_dma source(%arg2 : memref<20000xf32, #tpu.memory_space<hbm>>) target(%arg6 : memref<20000xf32, #tpu.memory_space<vmem>>) target_semaphore(%arg12 : memref<!tpu.dma_semaphore, #tpu.memory_space<semaphore_mem>>)
    %dma_start3A = tpu.memref_slice %arg3[%mul3A_2] : memref<640000xi32, #tpu.memory_space<hbm>> -> memref<10000xi32, #tpu.memory_space<hbm>>
    %dma_start3A_5 = tpu.memref_slice %arg3[%mul3A_2] : memref<640000xi32, #tpu.memory_space<hbm>> -> memref<10000xi32, #tpu.memory_space<hbm>>
    tpu.enqueue_dma source(%dma_start3A_5 : memref<10000xi32, #tpu.memory_space<hbm>>) target(%arg7 : memref<10000xi32, #tpu.memory_space<vmem>>) target_semaphore(%arg13 : memref<!tpu.dma_semaphore, #tpu.memory_space<semaphore_mem>>)
    %add3A_6 = arith.constant 320000 : i32
    %add3A_7 = arith.addi %add3A_6, %mul3A_2 : i32
    %dma_start3A_8 = tpu.memref_slice %arg3[%add3A_7] : memref<640000xi32, #tpu.memory_space<hbm>> -> memref<10000xi32, #tpu.memory_space<hbm>>
    %dma_start3A_9 = tpu.memref_slice %arg3[%add3A_7] : memref<640000xi32, #tpu.memory_space<hbm>> -> memref<10000xi32, #tpu.memory_space<hbm>>
    tpu.enqueue_dma source(%dma_start3A_9 : memref<10000xi32, #tpu.memory_space<hbm>>) target(%arg8 : memref<10000xi32, #tpu.memory_space<vmem>>) target_semaphore(%arg14 : memref<!tpu.dma_semaphore, #tpu.memory_space<semaphore_mem>>)
    tpu.wait_dma2 semaphore(%arg12 : memref<!tpu.dma_semaphore, #tpu.memory_space<semaphore_mem>>) src(%arg2 : memref<20000xf32, #tpu.memory_space<hbm>>) dst(%arg6 : memref<20000xf32, #tpu.memory_space<vmem>>)
    %dma_wait3A = tpu.memref_slice %arg3[%mul3A_2] : memref<640000xi32, #tpu.memory_space<hbm>> -> memref<10000xi32, #tpu.memory_space<hbm>>
    %dma_wait3A_10 = tpu.memref_slice %arg3[%mul3A_2] : memref<640000xi32, #tpu.memory_space<hbm>> -> memref<10000xi32, #tpu.memory_space<hbm>>
    tpu.wait_dma2 semaphore(%arg13 : memref<!tpu.dma_semaphore, #tpu.memory_space<semaphore_mem>>) src(%dma_wait3A_10 : memref<10000xi32, #tpu.memory_space<hbm>>) dst(%arg7 : memref<10000xi32, #tpu.memory_space<vmem>>)
    %dma_wait3A_11 = tpu.memref_slice %arg3[%add3A_7] : memref<640000xi32, #tpu.memory_space<hbm>> -> memref<10000xi32, #tpu.memory_space<hbm>>
    %dma_wait3A_12 = tpu.memref_slice %arg3[%add3A_7] : memref<640000xi32, #tpu.memory_space<hbm>> -> memref<10000xi32, #tpu.memory_space<hbm>>
    tpu.wait_dma2 semaphore(%arg14 : memref<!tpu.dma_semaphore, #tpu.memory_space<semaphore_mem>>) src(%dma_wait3A_12 : memref<10000xi32, #tpu.memory_space<hbm>>) dst(%arg8 : memref<10000xi32, #tpu.memory_space<vmem>>)
    %scan3A = arith.constant 0 : i32
    %scan3A_13 = arith.constant 0 : i32
    %scan3A_14 = arith.constant 625 : i32
    %scan3A_15 = arith.addi %scan3A_13, %scan3A_14 : i32
    %scan3A_16 = arith.constant 1 : i32
    scf.for %scan3A_24 = %scan3A_13 to %scan3A_15 step %scan3A_16  : i32 {
      %mul3A_25 = arith.constant 16 : i32
      %mul3A_26 = arith.muli %scan3A_24, %mul3A_25 : i32
      %get3A = arith.index_cast %mul3A_26 : i32 to index
      %get3A_27 = tpu.vector_load %arg7[%get3A] {strides = array<i32>} : memref<10000xi32, #tpu.memory_space<vmem>>, vector<16xi32>,
      %get3A_28 = arith.index_cast %mul3A_26 : i32 to index
      %get3A_29 = tpu.vector_load %arg8[%get3A_28] {strides = array<i32>} : memref<10000xi32, #tpu.memory_space<vmem>>, vector<16xi32>,
      %gather3A = tpu.vector_load_idx %arg6[%get3A_27] : memref<20000xf32, #tpu.memory_space<vmem>>[vector<16xi32>], vector<16xf32>,
      %add3A_30 = arith.constant 1000 : i32
      %add3A_31 = vector.broadcast %add3A_30 : i32 to vector<16xi32>
      %add3A_32 = arith.addi %get3A_27, %add3A_31 : vector<16xi32>
      %gather3A_33 = tpu.vector_load_idx %arg6[%add3A_32] : memref<20000xf32, #tpu.memory_space<vmem>>[vector<16xi32>], vector<16xf32>,
      %swap3A = arith.index_cast %mul3A_26 : i32 to index
      %swap3A_34 = tpu.vector_load %arg9[%swap3A] {strides = array<i32>} : memref<20000xf32, #tpu.memory_space<vmem>>, vector<16xf32>,
      tpu.vector_store %arg9[%swap3A], %gather3A {strides = array<i32>} : memref<20000xf32, #tpu.memory_space<vmem>>, vector<16xf32>,
      %mul3A_35 = arith.constant 16 : i32
      %mul3A_36 = arith.muli %scan3A_24, %mul3A_35 : i32
      %add3A_37 = arith.constant 10000 : i32
      %add3A_38 = arith.addi %add3A_37, %mul3A_36 : i32
      %swap3A_39 = arith.index_cast %add3A_38 : i32 to index
      %swap3A_40 = tpu.vector_load %arg9[%swap3A_39] {strides = array<i32>} : memref<20000xf32, #tpu.memory_space<vmem>>, vector<16xf32>,
      tpu.vector_store %arg9[%swap3A_39], %gather3A_33 {strides = array<i32>} : memref<20000xf32, #tpu.memory_space<vmem>>, vector<16xf32>,
      %swap3A_41 = arith.index_cast %mul3A_26 : i32 to index
      %swap3A_42 = tpu.vector_load %arg10[%swap3A_41] {strides = array<i32>} : memref<20000xi32, #tpu.memory_space<vmem>>, vector<16xi32>,
      tpu.vector_store %arg10[%swap3A_41], %get3A_29 {strides = array<i32>} : memref<20000xi32, #tpu.memory_space<vmem>>, vector<16xi32>,
      %add3A_43 = arith.constant 1000 : i32
      %add3A_44 = vector.broadcast %add3A_43 : i32 to vector<16xi32>
      %add3A_45 = arith.addi %get3A_29, %add3A_44 : vector<16xi32>
      %mul3A_46 = arith.constant 16 : i32
      %mul3A_47 = arith.muli %scan3A_24, %mul3A_46 : i32
      %add3A_48 = arith.constant 10000 : i32
      %add3A_49 = arith.addi %add3A_48, %mul3A_47 : i32
      %swap3A_50 = arith.index_cast %add3A_49 : i32 to index
      %swap3A_51 = tpu.vector_load %arg10[%swap3A_50] {strides = array<i32>} : memref<20000xi32, #tpu.memory_space<vmem>>, vector<16xi32>,
      tpu.vector_store %arg10[%swap3A_50], %add3A_45 {strides = array<i32>} : memref<20000xi32, #tpu.memory_space<vmem>>, vector<16xi32>,
    }
    %scan3A_17 = arith.constant 625 : i32
    %barrier3A = arith.constant 0 : index
    tpu.barrier barrier_id(%barrier3A)
    "tpu.region"() ({
      %run_scoped3A = tpu.sem_alloc : memref<!tpu.dma_semaphore, #tpu.memory_space<semaphore_mem>>
      %dma_start3A_24 = arith.constant 0 : i32
      %dma_start3A_25 = tpu.memref_slice %arg11[%dma_start3A_24] : memref<20000xf32, #tpu.memory_space<vmem_shared>> -> memref<20000xf32, #tpu.memory_space<vmem_shared>>
      tpu.enqueue_indirect_dma source(%arg9 : memref<20000xf32, #tpu.memory_space<vmem>>) target(%dma_start3A_25 : memref<20000xf32, #tpu.memory_space<vmem_shared>>) offsets(%arg10 : memref<20000xi32, #tpu.memory_space<vmem>>) semaphore(%run_scoped3A : memref<!tpu.dma_semaphore, #tpu.memory_space<semaphore_mem>>) {add = true}
      %dma_wait3A_26 = arith.constant 0 : i32
      %dma_wait3A_27 = tpu.memref_slice %arg11[%dma_wait3A_26] : memref<20000xf32, #tpu.memory_space<vmem_shared>> -> memref<20000xf32, #tpu.memory_space<vmem_shared>>
      tpu.wait_indirect_dma semaphore(%run_scoped3A : memref<!tpu.dma_semaphore, #tpu.memory_space<semaphore_mem>>) src(%arg9 : memref<20000xf32, #tpu.memory_space<vmem>>) dst(%dma_wait3A_27 : memref<20000xf32, #tpu.memory_space<vmem_shared>>)
      tpu.yield
    }) : () -> ()
    %barrier3A_18 = arith.constant 0 : index
    tpu.barrier barrier_id(%barrier3A_18)
    %eq3A_19 = arith.constant 0 : i32
    %eq3A_20 = arith.cmpi eq, %arg1, %eq3A_19 : i32
    %convert_element_type3A_21 = arith.extui %eq3A_20 : i1 to i32
    %cond3A_22 = arith.constant 0 : i32
    %cond3A_23 = arith.cmpi ne, %convert_element_type3A_21, %cond3A_22 : i32
    scf.if %cond3A_23 {
      "tpu.region"() ({
        %run_scoped3A = tpu.sem_alloc : memref<!tpu.dma_semaphore, #tpu.memory_space<semaphore_mem>>
        %dma_start3A_24 = arith.constant 0 : i32
        %dma_start3A_25 = tpu.memref_slice %arg5[%arg0, %dma_start3A_24] : memref<2x20000xf32, #tpu.memory_space<hbm>> -> memref<1x20000xf32, #tpu.memory_space<hbm>>
        %dma_start3A_26 = tpu.memref_squeeze %dma_start3A_25 : memref<1x20000xf32, #tpu.memory_space<hbm>> -> memref<20000xf32, #tpu.memory_space<hbm>>
        tpu.enqueue_dma source(%arg11 : memref<20000xf32, #tpu.memory_space<vmem_shared>>) target(%dma_start3A_26 : memref<20000xf32, #tpu.memory_space<hbm>>) target_semaphore(%run_scoped3A : memref<!tpu.dma_semaphore, #tpu.memory_space<semaphore_mem>>)
        %dma_wait3A_27 = arith.constant 0 : i32
        %dma_wait3A_28 = tpu.memref_slice %arg5[%arg0, %dma_wait3A_27] : memref<2x20000xf32, #tpu.memory_space<hbm>> -> memref<1x20000xf32, #tpu.memory_space<hbm>>
        %dma_wait3A_29 = tpu.memref_squeeze %dma_wait3A_28 : memref<1x20000xf32, #tpu.memory_space<hbm>> -> memref<20000xf32, #tpu.memory_space<hbm>>
        tpu.wait_dma2 semaphore(%run_scoped3A : memref<!tpu.dma_semaphore, #tpu.memory_space<semaphore_mem>>) src(%arg11 : memref<20000xf32, #tpu.memory_space<vmem_shared>>) dst(%dma_wait3A_29 : memref<20000xf32, #tpu.memory_space<hbm>>)
        tpu.yield
      }) : () -> ()
    } else {
    }
    return
  }
}

#map = affine_map<(d0, d1) -> (0)>
#map1 = affine_map<(d0, d1) -> (0, 0)>
module attributes {stable_mosaic.version = 14 : i64} {
  func.func @k(%arg0: i32, %arg1: i32, %arg2: memref<20000xf32, #tpu.memory_space<hbm>>, %arg3: memref<640000xi32, #tpu.memory_space<hbm>>, %arg4: memref<20000xf32, #tpu.memory_space<hbm>>, %arg5: memref<2x20000xf32, #tpu.memory_space<hbm>>, %arg6: memref<20000xf32, #tpu.memory_space<vmem>>, %arg7: memref<10000xi32, #tpu.memory_space<vmem>>, %arg8: memref<10000xi32, #tpu.memory_space<vmem>>, %arg9: memref<20000xf32, #tpu.memory_space<vmem>>, %arg10: memref<20000xi32, #tpu.memory_space<vmem>>, %arg11: memref<20000xf32, #tpu.memory_space<vmem_shared>>, %arg12: memref<!tpu.dma_semaphore, #tpu.memory_space<semaphore_mem>>, %arg13: memref<!tpu.dma_semaphore, #tpu.memory_space<semaphore_mem>>, %arg14: memref<!tpu.dma_semaphore, #tpu.memory_space<semaphore_mem>>) attributes {dimension_semantics = [#tpu.dimension_semantics<core_parallel>, #tpu.dimension_semantics<subcore_parallel>], iteration_bounds = array<i64: 2, 16>, scalar_prefetch = 0 : i64, scratch_operands = 9 : i64, tpu.core_type = #tpu.core_type<sc_vector_subcore>, window_params = [{transform_indices = #map}, {transform_indices = #map}, {transform_indices = #map}, {transform_indices = #map1}]} {
    %mul3A = arith.constant 16 : i32
    %mul3A_0 = arith.muli %arg0, %mul3A : i32
    %add3A = arith.addi %mul3A_0, %arg1 : i32
    %mul3A_1 = arith.constant 10000 : i32
    %mul3A_2 = arith.muli %add3A, %mul3A_1 : i32
    %eq3A = arith.constant 0 : i32
    %eq3A_3 = arith.cmpi eq, %arg1, %eq3A : i32
    %convert_element_type3A = arith.extui %eq3A_3 : i1 to i32
    %cond3A = arith.constant 0 : i32
    %cond3A_4 = arith.cmpi ne, %convert_element_type3A, %cond3A : i32
    scf.if %cond3A_4 {
      "tpu.region"() ({
        %run_scoped3A = tpu.sem_alloc : memref<!tpu.dma_semaphore, #tpu.memory_space<semaphore_mem>>
        tpu.enqueue_dma source(%arg4 : memref<20000xf32, #tpu.memory_space<hbm>>) target(%arg11 : memref<20000xf32, #tpu.memory_space<vmem_shared>>) target_semaphore(%run_scoped3A : memref<!tpu.dma_semaphore, #tpu.memory_space<semaphore_mem>>)
        tpu.wait_dma2 semaphore(%run_scoped3A : memref<!tpu.dma_semaphore, #tpu.memory_space<semaphore_mem>>) src(%arg4 : memref<20000xf32, #tpu.memory_space<hbm>>) dst(%arg11 : memref<20000xf32, #tpu.memory_space<vmem_shared>>)
        tpu.yield
      }) : () -> ()
    } else {
    }
    tpu.enqueue_dma source(%arg2 : memref<20000xf32, #tpu.memory_space<hbm>>) target(%arg6 : memref<20000xf32, #tpu.memory_space<vmem>>) target_semaphore(%arg12 : memref<!tpu.dma_semaphore, #tpu.memory_space<semaphore_mem>>)
    %dma_start3A = tpu.memref_slice %arg3[%mul3A_2] : memref<640000xi32, #tpu.memory_space<hbm>> -> memref<10000xi32, #tpu.memory_space<hbm>>
    %dma_start3A_5 = tpu.memref_slice %arg3[%mul3A_2] : memref<640000xi32, #tpu.memory_space<hbm>> -> memref<10000xi32, #tpu.memory_space<hbm>>
    tpu.enqueue_dma source(%dma_start3A_5 : memref<10000xi32, #tpu.memory_space<hbm>>) target(%arg7 : memref<10000xi32, #tpu.memory_space<vmem>>) target_semaphore(%arg13 : memref<!tpu.dma_semaphore, #tpu.memory_space<semaphore_mem>>)
    %add3A_6 = arith.constant 320000 : i32
    %add3A_7 = arith.addi %add3A_6, %mul3A_2 : i32
    %dma_start3A_8 = tpu.memref_slice %arg3[%add3A_7] : memref<640000xi32, #tpu.memory_space<hbm>> -> memref<10000xi32, #tpu.memory_space<hbm>>
    %dma_start3A_9 = tpu.memref_slice %arg3[%add3A_7] : memref<640000xi32, #tpu.memory_space<hbm>> -> memref<10000xi32, #tpu.memory_space<hbm>>
    tpu.enqueue_dma source(%dma_start3A_9 : memref<10000xi32, #tpu.memory_space<hbm>>) target(%arg8 : memref<10000xi32, #tpu.memory_space<vmem>>) target_semaphore(%arg14 : memref<!tpu.dma_semaphore, #tpu.memory_space<semaphore_mem>>)
    tpu.wait_dma2 semaphore(%arg12 : memref<!tpu.dma_semaphore, #tpu.memory_space<semaphore_mem>>) src(%arg2 : memref<20000xf32, #tpu.memory_space<hbm>>) dst(%arg6 : memref<20000xf32, #tpu.memory_space<vmem>>)
    %dma_wait3A = tpu.memref_slice %arg3[%mul3A_2] : memref<640000xi32, #tpu.memory_space<hbm>> -> memref<10000xi32, #tpu.memory_space<hbm>>
    %dma_wait3A_10 = tpu.memref_slice %arg3[%mul3A_2] : memref<640000xi32, #tpu.memory_space<hbm>> -> memref<10000xi32, #tpu.memory_space<hbm>>
    tpu.wait_dma2 semaphore(%arg13 : memref<!tpu.dma_semaphore, #tpu.memory_space<semaphore_mem>>) src(%dma_wait3A_10 : memref<10000xi32, #tpu.memory_space<hbm>>) dst(%arg7 : memref<10000xi32, #tpu.memory_space<vmem>>)
    %dma_wait3A_11 = tpu.memref_slice %arg3[%add3A_7] : memref<640000xi32, #tpu.memory_space<hbm>> -> memref<10000xi32, #tpu.memory_space<hbm>>
    %dma_wait3A_12 = tpu.memref_slice %arg3[%add3A_7] : memref<640000xi32, #tpu.memory_space<hbm>> -> memref<10000xi32, #tpu.memory_space<hbm>>
    tpu.wait_dma2 semaphore(%arg14 : memref<!tpu.dma_semaphore, #tpu.memory_space<semaphore_mem>>) src(%dma_wait3A_12 : memref<10000xi32, #tpu.memory_space<hbm>>) dst(%arg8 : memref<10000xi32, #tpu.memory_space<vmem>>)
    %scan3A = arith.constant 0 : i32
    %scan3A_13 = arith.constant 0 : i32
    %scan3A_14 = arith.constant 625 : i32
    %scan3A_15 = arith.addi %scan3A_13, %scan3A_14 : i32
    %scan3A_16 = arith.constant 1 : i32
    scf.for %scan3A_24 = %scan3A_13 to %scan3A_15 step %scan3A_16  : i32 {
      %mul3A_25 = arith.constant 16 : i32
      %mul3A_26 = arith.muli %scan3A_24, %mul3A_25 : i32
      %get3A = arith.index_cast %mul3A_26 : i32 to index
      %get3A_27 = tpu.vector_load %arg7[%get3A] {strides = array<i32>} : memref<10000xi32, #tpu.memory_space<vmem>>, vector<16xi32>,
      %get3A_28 = arith.index_cast %mul3A_26 : i32 to index
      %get3A_29 = tpu.vector_load %arg8[%get3A_28] {strides = array<i32>} : memref<10000xi32, #tpu.memory_space<vmem>>, vector<16xi32>,
      %gather3A = tpu.vector_load_idx %arg6[%get3A_27] : memref<20000xf32, #tpu.memory_space<vmem>>[vector<16xi32>], vector<16xf32>,
      %add3A_30 = arith.constant 1000 : i32
      %add3A_31 = vector.broadcast %add3A_30 : i32 to vector<16xi32>
      %add3A_32 = arith.addi %get3A_27, %add3A_31 : vector<16xi32>
      %gather3A_33 = tpu.vector_load_idx %arg6[%add3A_32] : memref<20000xf32, #tpu.memory_space<vmem>>[vector<16xi32>], vector<16xf32>,
      %swap3A = arith.index_cast %mul3A_26 : i32 to index
      %swap3A_34 = tpu.vector_load %arg9[%swap3A] {strides = array<i32>} : memref<20000xf32, #tpu.memory_space<vmem>>, vector<16xf32>,
      tpu.vector_store %arg9[%swap3A], %gather3A {strides = array<i32>} : memref<20000xf32, #tpu.memory_space<vmem>>, vector<16xf32>,
      %mul3A_35 = arith.constant 16 : i32
      %mul3A_36 = arith.muli %scan3A_24, %mul3A_35 : i32
      %add3A_37 = arith.constant 10000 : i32
      %add3A_38 = arith.addi %add3A_37, %mul3A_36 : i32
      %swap3A_39 = arith.index_cast %add3A_38 : i32 to index
      %swap3A_40 = tpu.vector_load %arg9[%swap3A_39] {strides = array<i32>} : memref<20000xf32, #tpu.memory_space<vmem>>, vector<16xf32>,
      tpu.vector_store %arg9[%swap3A_39], %gather3A_33 {strides = array<i32>} : memref<20000xf32, #tpu.memory_space<vmem>>, vector<16xf32>,
      %swap3A_41 = arith.index_cast %mul3A_26 : i32 to index
      %swap3A_42 = tpu.vector_load %arg10[%swap3A_41] {strides = array<i32>} : memref<20000xi32, #tpu.memory_space<vmem>>, vector<16xi32>,
      tpu.vector_store %arg10[%swap3A_41], %get3A_29 {strides = array<i32>} : memref<20000xi32, #tpu.memory_space<vmem>>, vector<16xi32>,
      %add3A_43 = arith.constant 1000 : i32
      %add3A_44 = vector.broadcast %add3A_43 : i32 to vector<16xi32>
      %add3A_45 = arith.addi %get3A_29, %add3A_44 : vector<16xi32>
      %mul3A_46 = arith.constant 16 : i32
      %mul3A_47 = arith.muli %scan3A_24, %mul3A_46 : i32
      %add3A_48 = arith.constant 10000 : i32
      %add3A_49 = arith.addi %add3A_48, %mul3A_47 : i32
      %swap3A_50 = arith.index_cast %add3A_49 : i32 to index
      %swap3A_51 = tpu.vector_load %arg10[%swap3A_50] {strides = array<i32>} : memref<20000xi32, #tpu.memory_space<vmem>>, vector<16xi32>,
      tpu.vector_store %arg10[%swap3A_50], %add3A_45 {strides = array<i32>} : memref<20000xi32, #tpu.memory_space<vmem>>, vector<16xi32>,
    }
    %scan3A_17 = arith.constant 625 : i32
    %barrier3A = arith.constant 0 : index
    tpu.barrier barrier_id(%barrier3A)
    "tpu.region"() ({
      %run_scoped3A = tpu.sem_alloc : memref<!tpu.dma_semaphore, #tpu.memory_space<semaphore_mem>>
      %dma_start3A_24 = arith.constant 0 : i32
      %dma_start3A_25 = tpu.memref_slice %arg11[%dma_start3A_24] : memref<20000xf32, #tpu.memory_space<vmem_shared>> -> memref<20000xf32, #tpu.memory_space<vmem_shared>>
      tpu.enqueue_indirect_dma source(%arg9 : memref<20000xf32, #tpu.memory_space<vmem>>) target(%dma_start3A_25 : memref<20000xf32, #tpu.memory_space<vmem_shared>>) offsets(%arg10 : memref<20000xi32, #tpu.memory_space<vmem>>) semaphore(%run_scoped3A : memref<!tpu.dma_semaphore, #tpu.memory_space<semaphore_mem>>) {add = true}
      %dma_wait3A_26 = arith.constant 0 : i32
      %dma_wait3A_27 = tpu.memref_slice %arg11[%dma_wait3A_26] : memref<20000xf32, #tpu.memory_space<vmem_shared>> -> memref<20000xf32, #tpu.memory_space<vmem_shared>>
      tpu.wait_indirect_dma semaphore(%run_scoped3A : memref<!tpu.dma_semaphore, #tpu.memory_space<semaphore_mem>>) src(%arg9 : memref<20000xf32, #tpu.memory_space<vmem>>) dst(%dma_wait3A_27 : memref<20000xf32, #tpu.memory_space<vmem_shared>>)
      tpu.yield
    }) : () -> ()
    %barrier3A_18 = arith.constant 0 : index
    tpu.barrier barrier_id(%barrier3A_18)
    %eq3A_19 = arith.constant 0 : i32
    %eq3A_20 = arith.cmpi eq, %arg1, %eq3A_19 : i32
    %convert_element_type3A_21 = arith.extui %eq3A_20 : i1 to i32
    %cond3A_22 = arith.constant 0 : i32
    %cond3A_23 = arith.cmpi ne, %convert_element_type3A_21, %cond3A_22 : i32
    scf.if %cond3A_23 {
      "tpu.region"() ({
        %run_scoped3A = tpu.sem_alloc : memref<!tpu.dma_semaphore, #tpu.memory_space<semaphore_mem>>
        %dma_start3A_24 = arith.constant 0 : i32
        %dma_start3A_25 = tpu.memref_slice %arg5[%arg0, %dma_start3A_24] : memref<2x20000xf32, #tpu.memory_space<hbm>> -> memref<1x20000xf32, #tpu.memory_space<hbm>>
        %dma_start3A_26 = tpu.memref_squeeze %dma_start3A_25 : memref<1x20000xf32, #tpu.memory_space<hbm>> -> memref<20000xf32, #tpu.memory_space<hbm>>
        tpu.enqueue_dma source(%arg11 : memref<20000xf32, #tpu.memory_space<vmem_shared>>) target(%dma_start3A_26 : memref<20000xf32, #tpu.memory_space<hbm>>) target_semaphore(%run_scoped3A : memref<!tpu.dma_semaphore, #tpu.memory_space<semaphore_mem>>)
        %dma_wait3A_27 = arith.constant 0 : i32
        %dma_wait3A_28 = tpu.memref_slice %arg5[%arg0, %dma_wait3A_27] : memref<2x20000xf32, #tpu.memory_space<hbm>> -> memref<1x20000xf32, #tpu.memory_space<hbm>>
        %dma_wait3A_29 = tpu.memref_squeeze %dma_wait3A_28 : memref<1x20000xf32, #tpu.memory_space<hbm>> -> memref<20000xf32, #tpu.memory_space<hbm>>
        tpu.wait_dma2 semaphore(%run_scoped3A : memref<!tpu.dma_semaphore, #tpu.memory_space<semaphore_mem>>) src(%arg11 : memref<20000xf32, #tpu.memory_space<vmem_shared>>) dst(%dma_wait3A_29 : memref<20000xf32, #tpu.memory_space<hbm>>)
        tpu.yield
      }) : () -> ()
    } else {
    }
    return
  }
}

#map = affine_map<(d0, d1) -> (0)>
#map1 = affine_map<(d0, d1) -> (0, 0)>
module attributes {stable_mosaic.version = 14 : i64} {
  func.func @k(%arg0: i32, %arg1: i32, %arg2: memref<20000xf32, #tpu.memory_space<hbm>>, %arg3: memref<640000xi32, #tpu.memory_space<hbm>>, %arg4: memref<20000xf32, #tpu.memory_space<hbm>>, %arg5: memref<2x20000xf32, #tpu.memory_space<hbm>>, %arg6: memref<20000xf32, #tpu.memory_space<vmem>>, %arg7: memref<10000xi32, #tpu.memory_space<vmem>>, %arg8: memref<10000xi32, #tpu.memory_space<vmem>>, %arg9: memref<20000xf32, #tpu.memory_space<vmem>>, %arg10: memref<20000xi32, #tpu.memory_space<vmem>>, %arg11: memref<20000xf32, #tpu.memory_space<vmem_shared>>, %arg12: memref<!tpu.dma_semaphore, #tpu.memory_space<semaphore_mem>>, %arg13: memref<!tpu.dma_semaphore, #tpu.memory_space<semaphore_mem>>, %arg14: memref<!tpu.dma_semaphore, #tpu.memory_space<semaphore_mem>>) attributes {dimension_semantics = [#tpu.dimension_semantics<core_parallel>, #tpu.dimension_semantics<subcore_parallel>], iteration_bounds = array<i64: 2, 16>, scalar_prefetch = 0 : i64, scratch_operands = 9 : i64, tpu.core_type = #tpu.core_type<sc_vector_subcore>, window_params = [{transform_indices = #map}, {transform_indices = #map}, {transform_indices = #map}, {transform_indices = #map1}]} {
    %mul3A = arith.constant 16 : i32
    %mul3A_0 = arith.muli %arg0, %mul3A : i32
    %add3A = arith.addi %mul3A_0, %arg1 : i32
    %mul3A_1 = arith.constant 10000 : i32
    %mul3A_2 = arith.muli %add3A, %mul3A_1 : i32
    %eq3A = arith.constant 0 : i32
    %eq3A_3 = arith.cmpi eq, %arg1, %eq3A : i32
    %convert_element_type3A = arith.extui %eq3A_3 : i1 to i32
    %cond3A = arith.constant 0 : i32
    %cond3A_4 = arith.cmpi ne, %convert_element_type3A, %cond3A : i32
    scf.if %cond3A_4 {
      "tpu.region"() ({
        %run_scoped3A = tpu.sem_alloc : memref<!tpu.dma_semaphore, #tpu.memory_space<semaphore_mem>>
        tpu.enqueue_dma source(%arg4 : memref<20000xf32, #tpu.memory_space<hbm>>) target(%arg11 : memref<20000xf32, #tpu.memory_space<vmem_shared>>) target_semaphore(%run_scoped3A : memref<!tpu.dma_semaphore, #tpu.memory_space<semaphore_mem>>)
        tpu.wait_dma2 semaphore(%run_scoped3A : memref<!tpu.dma_semaphore, #tpu.memory_space<semaphore_mem>>) src(%arg4 : memref<20000xf32, #tpu.memory_space<hbm>>) dst(%arg11 : memref<20000xf32, #tpu.memory_space<vmem_shared>>)
        tpu.yield
      }) : () -> ()
    } else {
    }
    tpu.enqueue_dma source(%arg2 : memref<20000xf32, #tpu.memory_space<hbm>>) target(%arg6 : memref<20000xf32, #tpu.memory_space<vmem>>) target_semaphore(%arg12 : memref<!tpu.dma_semaphore, #tpu.memory_space<semaphore_mem>>)
    %dma_start3A = tpu.memref_slice %arg3[%mul3A_2] : memref<640000xi32, #tpu.memory_space<hbm>> -> memref<10000xi32, #tpu.memory_space<hbm>>
    %dma_start3A_5 = tpu.memref_slice %arg3[%mul3A_2] : memref<640000xi32, #tpu.memory_space<hbm>> -> memref<10000xi32, #tpu.memory_space<hbm>>
    tpu.enqueue_dma source(%dma_start3A_5 : memref<10000xi32, #tpu.memory_space<hbm>>) target(%arg7 : memref<10000xi32, #tpu.memory_space<vmem>>) target_semaphore(%arg13 : memref<!tpu.dma_semaphore, #tpu.memory_space<semaphore_mem>>)
    %add3A_6 = arith.constant 320000 : i32
    %add3A_7 = arith.addi %add3A_6, %mul3A_2 : i32
    %dma_start3A_8 = tpu.memref_slice %arg3[%add3A_7] : memref<640000xi32, #tpu.memory_space<hbm>> -> memref<10000xi32, #tpu.memory_space<hbm>>
    %dma_start3A_9 = tpu.memref_slice %arg3[%add3A_7] : memref<640000xi32, #tpu.memory_space<hbm>> -> memref<10000xi32, #tpu.memory_space<hbm>>
    tpu.enqueue_dma source(%dma_start3A_9 : memref<10000xi32, #tpu.memory_space<hbm>>) target(%arg8 : memref<10000xi32, #tpu.memory_space<vmem>>) target_semaphore(%arg14 : memref<!tpu.dma_semaphore, #tpu.memory_space<semaphore_mem>>)
    tpu.wait_dma2 semaphore(%arg12 : memref<!tpu.dma_semaphore, #tpu.memory_space<semaphore_mem>>) src(%arg2 : memref<20000xf32, #tpu.memory_space<hbm>>) dst(%arg6 : memref<20000xf32, #tpu.memory_space<vmem>>)
    %dma_wait3A = tpu.memref_slice %arg3[%mul3A_2] : memref<640000xi32, #tpu.memory_space<hbm>> -> memref<10000xi32, #tpu.memory_space<hbm>>
    %dma_wait3A_10 = tpu.memref_slice %arg3[%mul3A_2] : memref<640000xi32, #tpu.memory_space<hbm>> -> memref<10000xi32, #tpu.memory_space<hbm>>
    tpu.wait_dma2 semaphore(%arg13 : memref<!tpu.dma_semaphore, #tpu.memory_space<semaphore_mem>>) src(%dma_wait3A_10 : memref<10000xi32, #tpu.memory_space<hbm>>) dst(%arg7 : memref<10000xi32, #tpu.memory_space<vmem>>)
    %dma_wait3A_11 = tpu.memref_slice %arg3[%add3A_7] : memref<640000xi32, #tpu.memory_space<hbm>> -> memref<10000xi32, #tpu.memory_space<hbm>>
    %dma_wait3A_12 = tpu.memref_slice %arg3[%add3A_7] : memref<640000xi32, #tpu.memory_space<hbm>> -> memref<10000xi32, #tpu.memory_space<hbm>>
    tpu.wait_dma2 semaphore(%arg14 : memref<!tpu.dma_semaphore, #tpu.memory_space<semaphore_mem>>) src(%dma_wait3A_12 : memref<10000xi32, #tpu.memory_space<hbm>>) dst(%arg8 : memref<10000xi32, #tpu.memory_space<vmem>>)
    %scan3A = arith.constant 0 : i32
    %scan3A_13 = arith.constant 0 : i32
    %scan3A_14 = arith.constant 625 : i32
    %scan3A_15 = arith.addi %scan3A_13, %scan3A_14 : i32
    %scan3A_16 = arith.constant 1 : i32
    scf.for %scan3A_24 = %scan3A_13 to %scan3A_15 step %scan3A_16  : i32 {
      %mul3A_25 = arith.constant 16 : i32
      %mul3A_26 = arith.muli %scan3A_24, %mul3A_25 : i32
      %get3A = arith.index_cast %mul3A_26 : i32 to index
      %get3A_27 = tpu.vector_load %arg7[%get3A] {strides = array<i32>} : memref<10000xi32, #tpu.memory_space<vmem>>, vector<16xi32>,
      %get3A_28 = arith.index_cast %mul3A_26 : i32 to index
      %get3A_29 = tpu.vector_load %arg8[%get3A_28] {strides = array<i32>} : memref<10000xi32, #tpu.memory_space<vmem>>, vector<16xi32>,
      %gather3A = tpu.vector_load_idx %arg6[%get3A_27] : memref<20000xf32, #tpu.memory_space<vmem>>[vector<16xi32>], vector<16xf32>,
      %add3A_30 = arith.constant 1000 : i32
      %add3A_31 = vector.broadcast %add3A_30 : i32 to vector<16xi32>
      %add3A_32 = arith.addi %get3A_27, %add3A_31 : vector<16xi32>
      %gather3A_33 = tpu.vector_load_idx %arg6[%add3A_32] : memref<20000xf32, #tpu.memory_space<vmem>>[vector<16xi32>], vector<16xf32>,
      %swap3A = arith.index_cast %mul3A_26 : i32 to index
      %swap3A_34 = tpu.vector_load %arg9[%swap3A] {strides = array<i32>} : memref<20000xf32, #tpu.memory_space<vmem>>, vector<16xf32>,
      tpu.vector_store %arg9[%swap3A], %gather3A {strides = array<i32>} : memref<20000xf32, #tpu.memory_space<vmem>>, vector<16xf32>,
      %mul3A_35 = arith.constant 16 : i32
      %mul3A_36 = arith.muli %scan3A_24, %mul3A_35 : i32
      %add3A_37 = arith.constant 10000 : i32
      %add3A_38 = arith.addi %add3A_37, %mul3A_36 : i32
      %swap3A_39 = arith.index_cast %add3A_38 : i32 to index
      %swap3A_40 = tpu.vector_load %arg9[%swap3A_39] {strides = array<i32>} : memref<20000xf32, #tpu.memory_space<vmem>>, vector<16xf32>,
      tpu.vector_store %arg9[%swap3A_39], %gather3A_33 {strides = array<i32>} : memref<20000xf32, #tpu.memory_space<vmem>>, vector<16xf32>,
      %swap3A_41 = arith.index_cast %mul3A_26 : i32 to index
      %swap3A_42 = tpu.vector_load %arg10[%swap3A_41] {strides = array<i32>} : memref<20000xi32, #tpu.memory_space<vmem>>, vector<16xi32>,
      tpu.vector_store %arg10[%swap3A_41], %get3A_29 {strides = array<i32>} : memref<20000xi32, #tpu.memory_space<vmem>>, vector<16xi32>,
      %add3A_43 = arith.constant 1000 : i32
      %add3A_44 = vector.broadcast %add3A_43 : i32 to vector<16xi32>
      %add3A_45 = arith.addi %get3A_29, %add3A_44 : vector<16xi32>
      %mul3A_46 = arith.constant 16 : i32
      %mul3A_47 = arith.muli %scan3A_24, %mul3A_46 : i32
      %add3A_48 = arith.constant 10000 : i32
      %add3A_49 = arith.addi %add3A_48, %mul3A_47 : i32
      %swap3A_50 = arith.index_cast %add3A_49 : i32 to index
      %swap3A_51 = tpu.vector_load %arg10[%swap3A_50] {strides = array<i32>} : memref<20000xi32, #tpu.memory_space<vmem>>, vector<16xi32>,
      tpu.vector_store %arg10[%swap3A_50], %add3A_45 {strides = array<i32>} : memref<20000xi32, #tpu.memory_space<vmem>>, vector<16xi32>,
    }
    %scan3A_17 = arith.constant 625 : i32
    %barrier3A = arith.constant 0 : index
    tpu.barrier barrier_id(%barrier3A)
    "tpu.region"() ({
      %run_scoped3A = tpu.sem_alloc : memref<!tpu.dma_semaphore, #tpu.memory_space<semaphore_mem>>
      %dma_start3A_24 = arith.constant 0 : i32
      %dma_start3A_25 = tpu.memref_slice %arg11[%dma_start3A_24] : memref<20000xf32, #tpu.memory_space<vmem_shared>> -> memref<20000xf32, #tpu.memory_space<vmem_shared>>
      tpu.enqueue_indirect_dma source(%arg9 : memref<20000xf32, #tpu.memory_space<vmem>>) target(%dma_start3A_25 : memref<20000xf32, #tpu.memory_space<vmem_shared>>) offsets(%arg10 : memref<20000xi32, #tpu.memory_space<vmem>>) semaphore(%run_scoped3A : memref<!tpu.dma_semaphore, #tpu.memory_space<semaphore_mem>>) {add = true}
      %dma_wait3A_26 = arith.constant 0 : i32
      %dma_wait3A_27 = tpu.memref_slice %arg11[%dma_wait3A_26] : memref<20000xf32, #tpu.memory_space<vmem_shared>> -> memref<20000xf32, #tpu.memory_space<vmem_shared>>
      tpu.wait_indirect_dma semaphore(%run_scoped3A : memref<!tpu.dma_semaphore, #tpu.memory_space<semaphore_mem>>) src(%arg9 : memref<20000xf32, #tpu.memory_space<vmem>>) dst(%dma_wait3A_27 : memref<20000xf32, #tpu.memory_space<vmem_shared>>)
      tpu.yield
    }) : () -> ()
    %barrier3A_18 = arith.constant 0 : index
    tpu.barrier barrier_id(%barrier3A_18)
    %eq3A_19 = arith.constant 0 : i32
    %eq3A_20 = arith.cmpi eq, %arg1, %eq3A_19 : i32
    %convert_element_type3A_21 = arith.extui %eq3A_20 : i1 to i32
    %cond3A_22 = arith.constant 0 : i32
    %cond3A_23 = arith.cmpi ne, %convert_element_type3A_21, %cond3A_22 : i32
    scf.if %cond3A_23 {
      "tpu.region"() ({
        %run_scoped3A = tpu.sem_alloc : memref<!tpu.dma_semaphore, #tpu.memory_space<semaphore_mem>>
        %dma_start3A_24 = arith.constant 0 : i32
        %dma_start3A_25 = tpu.memref_slice %arg5[%arg0, %dma_start3A_24] : memref<2x20000xf32, #tpu.memory_space<hbm>> -> memref<1x20000xf32, #tpu.memory_space<hbm>>
        %dma_start3A_26 = tpu.memref_squeeze %dma_start3A_25 : memref<1x20000xf32, #tpu.memory_space<hbm>> -> memref<20000xf32, #tpu.memory_space<hbm>>
        tpu.enqueue_dma source(%arg11 : memref<20000xf32, #tpu.memory_space<vmem_shared>>) target(%dma_start3A_26 : memref<20000xf32, #tpu.memory_space<hbm>>) target_semaphore(%run_scoped3A : memref<!tpu.dma_semaphore, #tpu.memory_space<semaphore_mem>>)
        %dma_wait3A_27 = arith.constant 0 : i32
        %dma_wait3A_28 = tpu.memref_slice %arg5[%arg0, %dma_wait3A_27] : memref<2x20000xf32, #tpu.memory_space<hbm>> -> memref<1x20000xf32, #tpu.memory_space<hbm>>
        %dma_wait3A_29 = tpu.memref_squeeze %dma_wait3A_28 : memref<1x20000xf32, #tpu.memory_space<hbm>> -> memref<20000xf32, #tpu.memory_space<hbm>>
        tpu.wait_dma2 semaphore(%run_scoped3A : memref<!tpu.dma_semaphore, #tpu.memory_space<semaphore_mem>>) src(%arg11 : memref<20000xf32, #tpu.memory_space<vmem_shared>>) dst(%dma_wait3A_29 : memref<20000xf32, #tpu.memory_space<hbm>>)
        tpu.yield
      }) : () -> ()
    } else {
    }
    return
  }
}

#map = affine_map<(d0, d1) -> (0)>
#map1 = affine_map<(d0, d1) -> (0, 0)>
module attributes {stable_mosaic.version = 14 : i64} {
  func.func @k(%arg0: i32, %arg1: i32, %arg2: memref<20000xf32, #tpu.memory_space<hbm>>, %arg3: memref<640000xi32, #tpu.memory_space<hbm>>, %arg4: memref<20000xf32, #tpu.memory_space<hbm>>, %arg5: memref<2x20000xf32, #tpu.memory_space<hbm>>, %arg6: memref<20000xf32, #tpu.memory_space<vmem>>, %arg7: memref<10000xi32, #tpu.memory_space<vmem>>, %arg8: memref<10000xi32, #tpu.memory_space<vmem>>, %arg9: memref<20000xf32, #tpu.memory_space<vmem>>, %arg10: memref<20000xi32, #tpu.memory_space<vmem>>, %arg11: memref<20000xf32, #tpu.memory_space<vmem_shared>>, %arg12: memref<!tpu.dma_semaphore, #tpu.memory_space<semaphore_mem>>, %arg13: memref<!tpu.dma_semaphore, #tpu.memory_space<semaphore_mem>>, %arg14: memref<!tpu.dma_semaphore, #tpu.memory_space<semaphore_mem>>) attributes {dimension_semantics = [#tpu.dimension_semantics<core_parallel>, #tpu.dimension_semantics<subcore_parallel>], iteration_bounds = array<i64: 2, 16>, scalar_prefetch = 0 : i64, scratch_operands = 9 : i64, tpu.core_type = #tpu.core_type<sc_vector_subcore>, window_params = [{transform_indices = #map}, {transform_indices = #map}, {transform_indices = #map}, {transform_indices = #map1}]} {
    %mul3A = arith.constant 16 : i32
    %mul3A_0 = arith.muli %arg0, %mul3A : i32
    %add3A = arith.addi %mul3A_0, %arg1 : i32
    %mul3A_1 = arith.constant 10000 : i32
    %mul3A_2 = arith.muli %add3A, %mul3A_1 : i32
    %eq3A = arith.constant 0 : i32
    %eq3A_3 = arith.cmpi eq, %arg1, %eq3A : i32
    %convert_element_type3A = arith.extui %eq3A_3 : i1 to i32
    %cond3A = arith.constant 0 : i32
    %cond3A_4 = arith.cmpi ne, %convert_element_type3A, %cond3A : i32
    scf.if %cond3A_4 {
      "tpu.region"() ({
        %run_scoped3A = tpu.sem_alloc : memref<!tpu.dma_semaphore, #tpu.memory_space<semaphore_mem>>
        tpu.enqueue_dma source(%arg4 : memref<20000xf32, #tpu.memory_space<hbm>>) target(%arg11 : memref<20000xf32, #tpu.memory_space<vmem_shared>>) target_semaphore(%run_scoped3A : memref<!tpu.dma_semaphore, #tpu.memory_space<semaphore_mem>>)
        tpu.wait_dma2 semaphore(%run_scoped3A : memref<!tpu.dma_semaphore, #tpu.memory_space<semaphore_mem>>) src(%arg4 : memref<20000xf32, #tpu.memory_space<hbm>>) dst(%arg11 : memref<20000xf32, #tpu.memory_space<vmem_shared>>)
        tpu.yield
      }) : () -> ()
    } else {
    }
    tpu.enqueue_dma source(%arg2 : memref<20000xf32, #tpu.memory_space<hbm>>) target(%arg6 : memref<20000xf32, #tpu.memory_space<vmem>>) target_semaphore(%arg12 : memref<!tpu.dma_semaphore, #tpu.memory_space<semaphore_mem>>)
    %dma_start3A = tpu.memref_slice %arg3[%mul3A_2] : memref<640000xi32, #tpu.memory_space<hbm>> -> memref<10000xi32, #tpu.memory_space<hbm>>
    %dma_start3A_5 = tpu.memref_slice %arg3[%mul3A_2] : memref<640000xi32, #tpu.memory_space<hbm>> -> memref<10000xi32, #tpu.memory_space<hbm>>
    tpu.enqueue_dma source(%dma_start3A_5 : memref<10000xi32, #tpu.memory_space<hbm>>) target(%arg7 : memref<10000xi32, #tpu.memory_space<vmem>>) target_semaphore(%arg13 : memref<!tpu.dma_semaphore, #tpu.memory_space<semaphore_mem>>)
    %add3A_6 = arith.constant 320000 : i32
    %add3A_7 = arith.addi %add3A_6, %mul3A_2 : i32
    %dma_start3A_8 = tpu.memref_slice %arg3[%add3A_7] : memref<640000xi32, #tpu.memory_space<hbm>> -> memref<10000xi32, #tpu.memory_space<hbm>>
    %dma_start3A_9 = tpu.memref_slice %arg3[%add3A_7] : memref<640000xi32, #tpu.memory_space<hbm>> -> memref<10000xi32, #tpu.memory_space<hbm>>
    tpu.enqueue_dma source(%dma_start3A_9 : memref<10000xi32, #tpu.memory_space<hbm>>) target(%arg8 : memref<10000xi32, #tpu.memory_space<vmem>>) target_semaphore(%arg14 : memref<!tpu.dma_semaphore, #tpu.memory_space<semaphore_mem>>)
    tpu.wait_dma2 semaphore(%arg12 : memref<!tpu.dma_semaphore, #tpu.memory_space<semaphore_mem>>) src(%arg2 : memref<20000xf32, #tpu.memory_space<hbm>>) dst(%arg6 : memref<20000xf32, #tpu.memory_space<vmem>>)
    %dma_wait3A = tpu.memref_slice %arg3[%mul3A_2] : memref<640000xi32, #tpu.memory_space<hbm>> -> memref<10000xi32, #tpu.memory_space<hbm>>
    %dma_wait3A_10 = tpu.memref_slice %arg3[%mul3A_2] : memref<640000xi32, #tpu.memory_space<hbm>> -> memref<10000xi32, #tpu.memory_space<hbm>>
    tpu.wait_dma2 semaphore(%arg13 : memref<!tpu.dma_semaphore, #tpu.memory_space<semaphore_mem>>) src(%dma_wait3A_10 : memref<10000xi32, #tpu.memory_space<hbm>>) dst(%arg7 : memref<10000xi32, #tpu.memory_space<vmem>>)
    %dma_wait3A_11 = tpu.memref_slice %arg3[%add3A_7] : memref<640000xi32, #tpu.memory_space<hbm>> -> memref<10000xi32, #tpu.memory_space<hbm>>
    %dma_wait3A_12 = tpu.memref_slice %arg3[%add3A_7] : memref<640000xi32, #tpu.memory_space<hbm>> -> memref<10000xi32, #tpu.memory_space<hbm>>
    tpu.wait_dma2 semaphore(%arg14 : memref<!tpu.dma_semaphore, #tpu.memory_space<semaphore_mem>>) src(%dma_wait3A_12 : memref<10000xi32, #tpu.memory_space<hbm>>) dst(%arg8 : memref<10000xi32, #tpu.memory_space<vmem>>)
    %scan3A = arith.constant 0 : i32
    %scan3A_13 = arith.constant 0 : i32
    %scan3A_14 = arith.constant 625 : i32
    %scan3A_15 = arith.addi %scan3A_13, %scan3A_14 : i32
    %scan3A_16 = arith.constant 1 : i32
    scf.for %scan3A_24 = %scan3A_13 to %scan3A_15 step %scan3A_16  : i32 {
      %mul3A_25 = arith.constant 16 : i32
      %mul3A_26 = arith.muli %scan3A_24, %mul3A_25 : i32
      %get3A = arith.index_cast %mul3A_26 : i32 to index
      %get3A_27 = tpu.vector_load %arg7[%get3A] {strides = array<i32>} : memref<10000xi32, #tpu.memory_space<vmem>>, vector<16xi32>,
      %get3A_28 = arith.index_cast %mul3A_26 : i32 to index
      %get3A_29 = tpu.vector_load %arg8[%get3A_28] {strides = array<i32>} : memref<10000xi32, #tpu.memory_space<vmem>>, vector<16xi32>,
      %gather3A = tpu.vector_load_idx %arg6[%get3A_27] : memref<20000xf32, #tpu.memory_space<vmem>>[vector<16xi32>], vector<16xf32>,
      %add3A_30 = arith.constant 1000 : i32
      %add3A_31 = vector.broadcast %add3A_30 : i32 to vector<16xi32>
      %add3A_32 = arith.addi %get3A_27, %add3A_31 : vector<16xi32>
      %gather3A_33 = tpu.vector_load_idx %arg6[%add3A_32] : memref<20000xf32, #tpu.memory_space<vmem>>[vector<16xi32>], vector<16xf32>,
      %swap3A = arith.index_cast %mul3A_26 : i32 to index
      %swap3A_34 = tpu.vector_load %arg9[%swap3A] {strides = array<i32>} : memref<20000xf32, #tpu.memory_space<vmem>>, vector<16xf32>,
      tpu.vector_store %arg9[%swap3A], %gather3A {strides = array<i32>} : memref<20000xf32, #tpu.memory_space<vmem>>, vector<16xf32>,
      %mul3A_35 = arith.constant 16 : i32
      %mul3A_36 = arith.muli %scan3A_24, %mul3A_35 : i32
      %add3A_37 = arith.constant 10000 : i32
      %add3A_38 = arith.addi %add3A_37, %mul3A_36 : i32
      %swap3A_39 = arith.index_cast %add3A_38 : i32 to index
      %swap3A_40 = tpu.vector_load %arg9[%swap3A_39] {strides = array<i32>} : memref<20000xf32, #tpu.memory_space<vmem>>, vector<16xf32>,
      tpu.vector_store %arg9[%swap3A_39], %gather3A_33 {strides = array<i32>} : memref<20000xf32, #tpu.memory_space<vmem>>, vector<16xf32>,
      %swap3A_41 = arith.index_cast %mul3A_26 : i32 to index
      %swap3A_42 = tpu.vector_load %arg10[%swap3A_41] {strides = array<i32>} : memref<20000xi32, #tpu.memory_space<vmem>>, vector<16xi32>,
      tpu.vector_store %arg10[%swap3A_41], %get3A_29 {strides = array<i32>} : memref<20000xi32, #tpu.memory_space<vmem>>, vector<16xi32>,
      %add3A_43 = arith.constant 1000 : i32
      %add3A_44 = vector.broadcast %add3A_43 : i32 to vector<16xi32>
      %add3A_45 = arith.addi %get3A_29, %add3A_44 : vector<16xi32>
      %mul3A_46 = arith.constant 16 : i32
      %mul3A_47 = arith.muli %scan3A_24, %mul3A_46 : i32
      %add3A_48 = arith.constant 10000 : i32
      %add3A_49 = arith.addi %add3A_48, %mul3A_47 : i32
      %swap3A_50 = arith.index_cast %add3A_49 : i32 to index
      %swap3A_51 = tpu.vector_load %arg10[%swap3A_50] {strides = array<i32>} : memref<20000xi32, #tpu.memory_space<vmem>>, vector<16xi32>,
      tpu.vector_store %arg10[%swap3A_50], %add3A_45 {strides = array<i32>} : memref<20000xi32, #tpu.memory_space<vmem>>, vector<16xi32>,
    }
    %scan3A_17 = arith.constant 625 : i32
    %barrier3A = arith.constant 0 : index
    tpu.barrier barrier_id(%barrier3A)
    "tpu.region"() ({
      %run_scoped3A = tpu.sem_alloc : memref<!tpu.dma_semaphore, #tpu.memory_space<semaphore_mem>>
      %dma_start3A_24 = arith.constant 0 : i32
      %dma_start3A_25 = tpu.memref_slice %arg11[%dma_start3A_24] : memref<20000xf32, #tpu.memory_space<vmem_shared>> -> memref<20000xf32, #tpu.memory_space<vmem_shared>>
      tpu.enqueue_indirect_dma source(%arg9 : memref<20000xf32, #tpu.memory_space<vmem>>) target(%dma_start3A_25 : memref<20000xf32, #tpu.memory_space<vmem_shared>>) offsets(%arg10 : memref<20000xi32, #tpu.memory_space<vmem>>) semaphore(%run_scoped3A : memref<!tpu.dma_semaphore, #tpu.memory_space<semaphore_mem>>) {add = true}
      %dma_wait3A_26 = arith.constant 0 : i32
      %dma_wait3A_27 = tpu.memref_slice %arg11[%dma_wait3A_26] : memref<20000xf32, #tpu.memory_space<vmem_shared>> -> memref<20000xf32, #tpu.memory_space<vmem_shared>>
      tpu.wait_indirect_dma semaphore(%run_scoped3A : memref<!tpu.dma_semaphore, #tpu.memory_space<semaphore_mem>>) src(%arg9 : memref<20000xf32, #tpu.memory_space<vmem>>) dst(%dma_wait3A_27 : memref<20000xf32, #tpu.memory_space<vmem_shared>>)
      tpu.yield
    }) : () -> ()
    %barrier3A_18 = arith.constant 0 : index
    tpu.barrier barrier_id(%barrier3A_18)
    %eq3A_19 = arith.constant 0 : i32
    %eq3A_20 = arith.cmpi eq, %arg1, %eq3A_19 : i32
    %convert_element_type3A_21 = arith.extui %eq3A_20 : i1 to i32
    %cond3A_22 = arith.constant 0 : i32
    %cond3A_23 = arith.cmpi ne, %convert_element_type3A_21, %cond3A_22 : i32
    scf.if %cond3A_23 {
      "tpu.region"() ({
        %run_scoped3A = tpu.sem_alloc : memref<!tpu.dma_semaphore, #tpu.memory_space<semaphore_mem>>
        %dma_start3A_24 = arith.constant 0 : i32
        %dma_start3A_25 = tpu.memref_slice %arg5[%arg0, %dma_start3A_24] : memref<2x20000xf32, #tpu.memory_space<hbm>> -> memref<1x20000xf32, #tpu.memory_space<hbm>>
        %dma_start3A_26 = tpu.memref_squeeze %dma_start3A_25 : memref<1x20000xf32, #tpu.memory_space<hbm>> -> memref<20000xf32, #tpu.memory_space<hbm>>
        tpu.enqueue_dma source(%arg11 : memref<20000xf32, #tpu.memory_space<vmem_shared>>) target(%dma_start3A_26 : memref<20000xf32, #tpu.memory_space<hbm>>) target_semaphore(%run_scoped3A : memref<!tpu.dma_semaphore, #tpu.memory_space<semaphore_mem>>)
        %dma_wait3A_27 = arith.constant 0 : i32
        %dma_wait3A_28 = tpu.memref_slice %arg5[%arg0, %dma_wait3A_27] : memref<2x20000xf32, #tpu.memory_space<hbm>> -> memref<1x20000xf32, #tpu.memory_space<hbm>>
        %dma_wait3A_29 = tpu.memref_squeeze %dma_wait3A_28 : memref<1x20000xf32, #tpu.memory_space<hbm>> -> memref<20000xf32, #tpu.memory_space<hbm>>
        tpu.wait_dma2 semaphore(%run_scoped3A : memref<!tpu.dma_semaphore, #tpu.memory_space<semaphore_mem>>) src(%arg11 : memref<20000xf32, #tpu.memory_space<vmem_shared>>) dst(%dma_wait3A_29 : memref<20000xf32, #tpu.memory_space<hbm>>)
        tpu.yield
      }) : () -> ()
    } else {
    }
    return
  }
}

module attributes {stable_mosaic.version = 14 : i64} {
  func.func @body(%arg0: i32, %arg1: memref<1000x128xf32, #tpu.memory_space<vmem>>, %arg2: memref<128x2xf32, #tpu.memory_space<vmem>>, %arg3: memref<128x2xf32, #tpu.memory_space<vmem>>, %arg4: memref<1x2x1000xf32, #tpu.memory_space<vmem>>, %arg5: memref<1x2x1000xf32, #tpu.memory_space<vmem>>) attributes {dimension_semantics = [#tpu.dimension_semantics<arbitrary>], iteration_bounds = array<i64: 10>, scalar_prefetch = 0 : i64, scratch_operands = 0 : i64, tpu.core_type = #tpu.core_type<tc>, window_params = [{transform_indices = @transform_0, window_bounds = array<i64: 1000, 128>}, {pipeline_mode = #tpu.pipeline_mode<synchronous>, transform_indices = @transform_1, window_bounds = array<i64: 128, 2>}, {pipeline_mode = #tpu.pipeline_mode<synchronous>, transform_indices = @transform_2, window_bounds = array<i64: 128, 2>}, {transform_indices = @transform_3, window_bounds = array<i64: 1, 2, 1000>}, {transform_indices = @transform_4, window_bounds = array<i64: 1, 2, 1000>}]} {
    %get3A = arith.constant 0 : index
    %get3A_0 = arith.constant 0 : index
    %get3A_1 = vector.load %arg1[%get3A, %get3A_0] : memref<1000x128xf32, #tpu.memory_space<vmem>>, vector<1000x128xf32>
    %get3A_2 = arith.constant 0 : index
    %get3A_3 = arith.constant 0 : index
    %get3A_4 = vector.load %arg2[%get3A_2, %get3A_3] : memref<128x2xf32, #tpu.memory_space<vmem>>, vector<128x2xf32>
    %dot_general3A = arith.constant dense<0.000000e+00> : vector<2x1000xf32>
    %dot_general3A_5 = tpu.matmul %get3A_4, %get3A_1, %dot_general3A {dimension_numbers = #tpu.dot_dimension_numbers<[0], [1], [1], [0], [0, 1, 1, 0], [], []>, transpose_lhs_hint = false} : vector<128x2xf32>, vector<1000x128xf32>, vector<2x1000xf32> -> vector<2x1000xf32>
    %reshape3A = vector.shape_cast %dot_general3A_5 : vector<2x1000xf32> to vector<1x2x1000xf32>
    %swap3A = arith.constant 0 : index
    %swap3A_6 = arith.constant 0 : index
    %swap3A_7 = arith.constant 0 : index
    %swap3A_8 = vector.load %arg4[%swap3A, %swap3A_6, %swap3A_7] : memref<1x2x1000xf32, #tpu.memory_space<vmem>>, vector<1x2x1000xf32>
    tpu.vector_store %arg4[%swap3A, %swap3A_6, %swap3A_7], %reshape3A {strides = array<i32>} : memref<1x2x1000xf32, #tpu.memory_space<vmem>>, vector<1x2x1000xf32>,
    %get3A_9 = arith.constant 0 : index
    %get3A_10 = arith.constant 0 : index
    %get3A_11 = vector.load %arg3[%get3A_9, %get3A_10] : memref<128x2xf32, #tpu.memory_space<vmem>>, vector<128x2xf32>
    %dot_general3A_12 = arith.constant dense<0.000000e+00> : vector<2x1000xf32>
    %dot_general3A_13 = tpu.matmul %get3A_11, %get3A_1, %dot_general3A_12 {dimension_numbers = #tpu.dot_dimension_numbers<[0], [1], [1], [0], [0, 1, 1, 0], [], []>, transpose_lhs_hint = false} : vector<128x2xf32>, vector<1000x128xf32>, vector<2x1000xf32> -> vector<2x1000xf32>
    %reshape3A_14 = vector.shape_cast %dot_general3A_13 : vector<2x1000xf32> to vector<1x2x1000xf32>
    %swap3A_15 = arith.constant 0 : index
    %swap3A_16 = arith.constant 0 : index
    %swap3A_17 = arith.constant 0 : index
    %swap3A_18 = vector.load %arg5[%swap3A_15, %swap3A_16, %swap3A_17] : memref<1x2x1000xf32, #tpu.memory_space<vmem>>, vector<1x2x1000xf32>
    tpu.vector_store %arg5[%swap3A_15, %swap3A_16, %swap3A_17], %reshape3A_14 {strides = array<i32>} : memref<1x2x1000xf32, #tpu.memory_space<vmem>>, vector<1x2x1000xf32>,
    return
  }
  func.func @transform_0(%arg0: i32) -> (i32, i32) {
    %c0_i32 = arith.constant 0 : i32
    %c0_i32_0 = arith.constant 0 : i32
    return %arg0, %c0_i32 : i32, i32
  }
  func.func @transform_1(%arg0: i32) -> (i32, i32) {
    %c0_i32 = arith.constant 0 : i32
    %c0_i32_0 = arith.constant 0 : i32
    %c0_i32_1 = arith.constant 0 : i32
    return %c0_i32, %c0_i32_0 : i32, i32
  }
  func.func @transform_2(%arg0: i32) -> (i32, i32) {
    %c0_i32 = arith.constant 0 : i32
    %c0_i32_0 = arith.constant 0 : i32
    %c0_i32_1 = arith.constant 0 : i32
    return %c0_i32, %c0_i32_0 : i32, i32
  }
  func.func @transform_3(%arg0: i32) -> (i32, i32, i32) {
    %c0_i32 = arith.constant 0 : i32
    %c0_i32_0 = arith.constant 0 : i32
    %c0_i32_1 = arith.constant 0 : i32
    return %arg0, %c0_i32, %c0_i32_0 : i32, i32, i32
  }
  func.func @transform_4(%arg0: i32) -> (i32, i32, i32) {
    %c0_i32 = arith.constant 0 : i32
    %c0_i32_0 = arith.constant 0 : i32
    %c0_i32_1 = arith.constant 0 : i32
    return %arg0, %c0_i32, %c0_i32_0 : i32, i32, i32
  }
}

module attributes {stable_mosaic.version = 14 : i64} {
  func.func @body(%arg0: memref<10x2x1000xf32, #tpu.memory_space<vmem>>, %arg1: memref<10x2x1000xf32, #tpu.memory_space<vmem>>, %arg2: memref<10x2x1000xf32, #tpu.memory_space<vmem>>, %arg3: memref<2x2xf32, #tpu.memory_space<vmem>>, %arg4: memref<1x2xf32, #tpu.memory_space<vmem>>, %arg5: memref<1x2xf32, #tpu.memory_space<vmem>>, %arg6: memref<1x2xf32, #tpu.memory_space<vmem>>, %arg7: memref<10x2x1000xf32, #tpu.memory_space<vmem>>) attributes {dimension_semantics = [], scalar_prefetch = 0 : i64, scratch_operands = 0 : i64, tpu.core_type = #tpu.core_type<tc>} {
    %get3A = arith.constant 0 : index
    %get3A_0 = arith.constant 0 : index
    %get3A_1 = arith.constant 0 : index
    %get3A_2 = vector.load %arg0[%get3A, %get3A_0, %get3A_1] : memref<10x2x1000xf32, #tpu.memory_space<vmem>>, vector<10x2x1000xf32>
    %get3A_3 = arith.constant 0 : index
    %get3A_4 = arith.constant 0 : index
    %get3A_5 = arith.constant 0 : index
    %get3A_6 = vector.load %arg1[%get3A_3, %get3A_4, %get3A_5] : memref<10x2x1000xf32, #tpu.memory_space<vmem>>, vector<10x2x1000xf32>
    %get3A_7 = arith.constant 0 : index
    %get3A_8 = arith.constant 0 : index
    %get3A_9 = arith.constant 0 : index
    %get3A_10 = vector.load %arg2[%get3A_7, %get3A_8, %get3A_9] : memref<10x2x1000xf32, #tpu.memory_space<vmem>>, vector<10x2x1000xf32>
    %slice3A = vector.extract_strided_slice %get3A_10 {offsets = [0, 0, 0], sizes = [10, 1, 1000], strides = [1, 1, 1]} : vector<10x2x1000xf32> to vector<10x1x1000xf32>
    %max3A = arith.constant 1.000000e+00 : f32
    %max3A_11 = vector.broadcast %max3A : f32 to vector<10x1x1000xf32>
    %max3A_12 = arith.maximumf %slice3A, %max3A_11 : vector<10x1x1000xf32>
    %div3A = arith.constant 1.000000e+00 : f32
    %div3A_13 = vector.broadcast %div3A : f32 to vector<10x1x1000xf32>
    %div3A_14 = arith.divf %div3A_13, %max3A_12 : vector<10x1x1000xf32>
    %slice3A_15 = vector.extract_strided_slice %get3A_6 {offsets = [0, 0, 0], sizes = [10, 1, 1000], strides = [1, 1, 1]} : vector<10x2x1000xf32> to vector<10x1x1000xf32>
    %mul3A = arith.mulf %slice3A_15, %div3A_14 : vector<10x1x1000xf32>
    %slice3A_16 = vector.extract_strided_slice %get3A_6 {offsets = [0, 1, 0], sizes = [10, 1, 1000], strides = [1, 1, 1]} : vector<10x2x1000xf32> to vector<10x1x1000xf32>
    %mul3A_17 = arith.mulf %slice3A_16, %div3A_14 : vector<10x1x1000xf32>
    %slice3A_18 = vector.extract_strided_slice %get3A_2 {offsets = [0, 0, 0], sizes = [10, 1, 1000], strides = [1, 1, 1]} : vector<10x2x1000xf32> to vector<10x1x1000xf32>
    %get3A_19 = arith.constant 0 : index
    %get3A_20 = arith.constant 0 : index
    %get3A_21 = vector.load %arg3[%get3A_19, %get3A_20] : memref<2x2xf32, #tpu.memory_space<vmem>>, vector<1x1xf32>
    %broadcast_in_dim3A = vector.shape_cast %get3A_21 : vector<1x1xf32> to vector<1x1x1xf32>
    %mul3A_22 = vector.broadcast %broadcast_in_dim3A : vector<1x1x1xf32> to vector<10x1x1000xf32>
    %mul3A_23 = arith.mulf %mul3A_22, %mul3A : vector<10x1x1000xf32>
    %add3A = arith.addf %slice3A_18, %mul3A_23 : vector<10x1x1000xf32>
    %get3A_24 = arith.constant 1 : index
    %get3A_25 = arith.constant 0 : index
    %get3A_26 = vector.load %arg3[%get3A_24, %get3A_25] : memref<2x2xf32, #tpu.memory_space<vmem>>, vector<1x1xf32>
    %broadcast_in_dim3A_27 = vector.shape_cast %get3A_26 : vector<1x1xf32> to vector<1x1x1xf32>
    %mul3A_28 = vector.broadcast %broadcast_in_dim3A_27 : vector<1x1x1xf32> to vector<10x1x1000xf32>
    %mul3A_29 = arith.mulf %mul3A_28, %mul3A_17 : vector<10x1x1000xf32>
    %add3A_30 = arith.addf %add3A, %mul3A_29 : vector<10x1x1000xf32>
    %get3A_31 = arith.constant 0 : index
    %get3A_32 = arith.constant 0 : index
    %get3A_33 = vector.load %arg4[%get3A_31, %get3A_32] : memref<1x2xf32, #tpu.memory_space<vmem>>, vector<1x1xf32>
    %broadcast_in_dim3A_34 = vector.shape_cast %get3A_33 : vector<1x1xf32> to vector<1x1x1xf32>
    %add3A_35 = vector.broadcast %broadcast_in_dim3A_34 : vector<1x1x1xf32> to vector<10x1x1000xf32>
    %add3A_36 = arith.addf %add3A_30, %add3A_35 : vector<10x1x1000xf32>
    %reshape3A = vector.shape_cast %add3A_36 : vector<10x1x1000xf32> to vector<10x1000xf32>
    %reduce_sum3A = arith.constant dense<0.000000e+00> : vector<1000xf32>
    %reduce_sum3A_37 = vector.multi_reduction <add>, %reshape3A, %reduce_sum3A [0] : vector<10x1000xf32> to vector<1000xf32>
    %broadcast_in_dim3A_38 = vector.shape_cast %reduce_sum3A_37 : vector<1000xf32> to vector<1x1000xf32>
    %reduce_sum3A_39 = arith.constant dense<0.000000e+00> : vector<1xf32>
    %reduce_sum3A_40 = vector.multi_reduction <add>, %broadcast_in_dim3A_38, %reduce_sum3A_39 [1] : vector<1x1000xf32> to vector<1xf32>
    %broadcast_in_dim3A_41 = vector.shape_cast %reduce_sum3A_40 : vector<1xf32> to vector<1x1xf32>
    %mul3A_42 = arith.mulf %reshape3A, %reshape3A : vector<10x1000xf32>
    %reduce_sum3A_43 = arith.constant dense<0.000000e+00> : vector<1000xf32>
    %reduce_sum3A_44 = vector.multi_reduction <add>, %mul3A_42, %reduce_sum3A_43 [0] : vector<10x1000xf32> to vector<1000xf32>
    %broadcast_in_dim3A_45 = vector.shape_cast %reduce_sum3A_44 : vector<1000xf32> to vector<1x1000xf32>
    %reduce_sum3A_46 = arith.constant dense<0.000000e+00> : vector<1xf32>
    %reduce_sum3A_47 = vector.multi_reduction <add>, %broadcast_in_dim3A_45, %reduce_sum3A_46 [1] : vector<1x1000xf32> to vector<1xf32>
    %broadcast_in_dim3A_48 = vector.shape_cast %reduce_sum3A_47 : vector<1xf32> to vector<1x1xf32>
    %mul3A_49 = arith.constant 9.99999974E-5 : f32
    %mul3A_50 = vector.broadcast %mul3A_49 : f32 to vector<1x1xf32>
    %mul3A_51 = arith.mulf %broadcast_in_dim3A_41, %mul3A_50 : vector<1x1xf32>
    %mul3A_52 = arith.constant 9.99999974E-5 : f32
    %mul3A_53 = vector.broadcast %mul3A_52 : f32 to vector<1x1xf32>
    %mul3A_54 = arith.mulf %broadcast_in_dim3A_48, %mul3A_53 : vector<1x1xf32>
    %mul3A_55 = arith.mulf %mul3A_51, %mul3A_51 : vector<1x1xf32>
    %sub3A = arith.subf %mul3A_54, %mul3A_55 : vector<1x1xf32>
    %get3A_56 = arith.constant 0 : index
    %get3A_57 = arith.constant 0 : index
    %get3A_58 = vector.load %arg5[%get3A_56, %get3A_57] : memref<1x2xf32, #tpu.memory_space<vmem>>, vector<1x1xf32>
    %add3A_59 = arith.constant 9.99999974E-6 : f32
    %add3A_60 = vector.broadcast %add3A_59 : f32 to vector<1x1xf32>
    %add3A_61 = arith.addf %sub3A, %add3A_60 : vector<1x1xf32>
    %rsqrt3A = math.rsqrt %add3A_61 : vector<1x1xf32>
    %mul3A_62 = arith.mulf %get3A_58, %rsqrt3A : vector<1x1xf32>
    %get3A_63 = arith.constant 0 : index
    %get3A_64 = arith.constant 0 : index
    %get3A_65 = vector.load %arg6[%get3A_63, %get3A_64] : memref<1x2xf32, #tpu.memory_space<vmem>>, vector<1x1xf32>
    %mul3A_66 = arith.mulf %mul3A_51, %mul3A_62 : vector<1x1xf32>
    %sub3A_67 = arith.subf %get3A_65, %mul3A_66 : vector<1x1xf32>
    %mul3A_68 = vector.broadcast %mul3A_62 : vector<1x1xf32> to vector<10x1000xf32>
    %mul3A_69 = arith.mulf %reshape3A, %mul3A_68 : vector<10x1000xf32>
    %add3A_70 = vector.broadcast %sub3A_67 : vector<1x1xf32> to vector<10x1000xf32>
    %add3A_71 = arith.addf %mul3A_69, %add3A_70 : vector<10x1000xf32>
    %max3A_72 = arith.constant 0.000000e+00 : f32
    %max3A_73 = vector.broadcast %max3A_72 : f32 to vector<10x1000xf32>
    %max3A_74 = arith.maximumf %add3A_71, %max3A_73 : vector<10x1000xf32>
    %reshape3A_75 = vector.shape_cast %max3A_74 : vector<10x1000xf32> to vector<10x1x1000xf32>
    %slice3A_76 = vector.extract_strided_slice %get3A_2 {offsets = [0, 1, 0], sizes = [10, 1, 1000], strides = [1, 1, 1]} : vector<10x2x1000xf32> to vector<10x1x1000xf32>
    %get3A_77 = arith.constant 0 : index
    %get3A_78 = arith.constant 1 : index
    %get3A_79 = vector.load %arg3[%get3A_77, %get3A_78] : memref<2x2xf32, #tpu.memory_space<vmem>>, vector<1x1xf32>
    %broadcast_in_dim3A_80 = vector.shape_cast %get3A_79 : vector<1x1xf32> to vector<1x1x1xf32>
    %mul3A_81 = vector.broadcast %broadcast_in_dim3A_80 : vector<1x1x1xf32> to vector<10x1x1000xf32>
    %mul3A_82 = arith.mulf %mul3A_81, %mul3A : vector<10x1x1000xf32>
    %add3A_83 = arith.addf %slice3A_76, %mul3A_82 : vector<10x1x1000xf32>
    %get3A_84 = arith.constant 1 : index
    %get3A_85 = arith.constant 1 : index
    %get3A_86 = vector.load %arg3[%get3A_84, %get3A_85] : memref<2x2xf32, #tpu.memory_space<vmem>>, vector<1x1xf32>
    %broadcast_in_dim3A_87 = vector.shape_cast %get3A_86 : vector<1x1xf32> to vector<1x1x1xf32>
    %mul3A_88 = vector.broadcast %broadcast_in_dim3A_87 : vector<1x1x1xf32> to vector<10x1x1000xf32>
    %mul3A_89 = arith.mulf %mul3A_88, %mul3A_17 : vector<10x1x1000xf32>
    %add3A_90 = arith.addf %add3A_83, %mul3A_89 : vector<10x1x1000xf32>
    %get3A_91 = arith.constant 0 : index
    %get3A_92 = arith.constant 1 : index
    %get3A_93 = vector.load %arg4[%get3A_91, %get3A_92] : memref<1x2xf32, #tpu.memory_space<vmem>>, vector<1x1xf32>
    %broadcast_in_dim3A_94 = vector.shape_cast %get3A_93 : vector<1x1xf32> to vector<1x1x1xf32>
    %add3A_95 = vector.broadcast %broadcast_in_dim3A_94 : vector<1x1x1xf32> to vector<10x1x1000xf32>
    %add3A_96 = arith.addf %add3A_90, %add3A_95 : vector<10x1x1000xf32>
    %reshape3A_97 = vector.shape_cast %add3A_96 : vector<10x1x1000xf32> to vector<10x1000xf32>
    %reduce_sum3A_98 = arith.constant dense<0.000000e+00> : vector<1000xf32>
    %reduce_sum3A_99 = vector.multi_reduction <add>, %reshape3A_97, %reduce_sum3A_98 [0] : vector<10x1000xf32> to vector<1000xf32>
    %broadcast_in_dim3A_100 = vector.shape_cast %reduce_sum3A_99 : vector<1000xf32> to vector<1x1000xf32>
    %reduce_sum3A_101 = arith.constant dense<0.000000e+00> : vector<1xf32>
    %reduce_sum3A_102 = vector.multi_reduction <add>, %broadcast_in_dim3A_100, %reduce_sum3A_101 [1] : vector<1x1000xf32> to vector<1xf32>
    %broadcast_in_dim3A_103 = vector.shape_cast %reduce_sum3A_102 : vector<1xf32> to vector<1x1xf32>
    %mul3A_104 = arith.mulf %reshape3A_97, %reshape3A_97 : vector<10x1000xf32>
    %reduce_sum3A_105 = arith.constant dense<0.000000e+00> : vector<1000xf32>
    %reduce_sum3A_106 = vector.multi_reduction <add>, %mul3A_104, %reduce_sum3A_105 [0] : vector<10x1000xf32> to vector<1000xf32>
    %broadcast_in_dim3A_107 = vector.shape_cast %reduce_sum3A_106 : vector<1000xf32> to vector<1x1000xf32>
    %reduce_sum3A_108 = arith.constant dense<0.000000e+00> : vector<1xf32>
    %reduce_sum3A_109 = vector.multi_reduction <add>, %broadcast_in_dim3A_107, %reduce_sum3A_108 [1] : vector<1x1000xf32> to vector<1xf32>
    %broadcast_in_dim3A_110 = vector.shape_cast %reduce_sum3A_109 : vector<1xf32> to vector<1x1xf32>
    %mul3A_111 = arith.constant 9.99999974E-5 : f32
    %mul3A_112 = vector.broadcast %mul3A_111 : f32 to vector<1x1xf32>
    %mul3A_113 = arith.mulf %broadcast_in_dim3A_103, %mul3A_112 : vector<1x1xf32>
    %mul3A_114 = arith.constant 9.99999974E-5 : f32
    %mul3A_115 = vector.broadcast %mul3A_114 : f32 to vector<1x1xf32>
    %mul3A_116 = arith.mulf %broadcast_in_dim3A_110, %mul3A_115 : vector<1x1xf32>
    %mul3A_117 = arith.mulf %mul3A_113, %mul3A_113 : vector<1x1xf32>
    %sub3A_118 = arith.subf %mul3A_116, %mul3A_117 : vector<1x1xf32>
    %get3A_119 = arith.constant 0 : index
    %get3A_120 = arith.constant 1 : index
    %get3A_121 = vector.load %arg5[%get3A_119, %get3A_120] : memref<1x2xf32, #tpu.memory_space<vmem>>, vector<1x1xf32>
    %add3A_122 = arith.constant 9.99999974E-6 : f32
    %add3A_123 = vector.broadcast %add3A_122 : f32 to vector<1x1xf32>
    %add3A_124 = arith.addf %sub3A_118, %add3A_123 : vector<1x1xf32>
    %rsqrt3A_125 = math.rsqrt %add3A_124 : vector<1x1xf32>
    %mul3A_126 = arith.mulf %get3A_121, %rsqrt3A_125 : vector<1x1xf32>
    %get3A_127 = arith.constant 0 : index
    %get3A_128 = arith.constant 1 : index
    %get3A_129 = vector.load %arg6[%get3A_127, %get3A_128] : memref<1x2xf32, #tpu.memory_space<vmem>>, vector<1x1xf32>
    %mul3A_130 = arith.mulf %mul3A_113, %mul3A_126 : vector<1x1xf32>
    %sub3A_131 = arith.subf %get3A_129, %mul3A_130 : vector<1x1xf32>
    %mul3A_132 = vector.broadcast %mul3A_126 : vector<1x1xf32> to vector<10x1000xf32>
    %mul3A_133 = arith.mulf %reshape3A_97, %mul3A_132 : vector<10x1000xf32>
    %add3A_134 = vector.broadcast %sub3A_131 : vector<1x1xf32> to vector<10x1000xf32>
    %add3A_135 = arith.addf %mul3A_133, %add3A_134 : vector<10x1000xf32>
    %max3A_136 = arith.constant 0.000000e+00 : f32
    %max3A_137 = vector.broadcast %max3A_136 : f32 to vector<10x1000xf32>
    %max3A_138 = arith.maximumf %add3A_135, %max3A_137 : vector<10x1000xf32>
    %reshape3A_139 = vector.shape_cast %max3A_138 : vector<10x1000xf32> to vector<10x1x1000xf32>
    %concatenate3A = tpu.concatenate %reshape3A_75, %reshape3A_139 in 1 : vector<10x1x1000xf32>, vector<10x1x1000xf32> -> vector<10x2x1000xf32>
    %swap3A = arith.constant 0 : index
    %swap3A_140 = arith.constant 0 : index
    %swap3A_141 = arith.constant 0 : index
    %swap3A_142 = vector.load %arg7[%swap3A, %swap3A_140, %swap3A_141] : memref<10x2x1000xf32, #tpu.memory_space<vmem>>, vector<10x2x1000xf32>
    tpu.vector_store %arg7[%swap3A, %swap3A_140, %swap3A_141], %concatenate3A {strides = array<i32>} : memref<10x2x1000xf32, #tpu.memory_space<vmem>>, vector<10x2x1000xf32>,
    return
  }
}

module attributes {stable_mosaic.version = 14 : i64} {
  func.func @body(%arg0: i32, %arg1: i32, %arg2: memref<1000x128xf32, #tpu.memory_space<vmem>>, %arg3: memref<1x2x1000xf32, #tpu.memory_space<vmem>>, %arg4: memref<1x2x1000xf32, #tpu.memory_space<vmem>>, %arg5: memref<128x256xf32, #tpu.memory_space<vmem>>, %arg6: memref<2x256xf32, #tpu.memory_space<vmem>>, %arg7: memref<1x256xf32, #tpu.memory_space<vmem>>, %arg8: memref<1x256xf32, #tpu.memory_space<vmem>>, %arg9: memref<1x256xf32, #tpu.memory_space<vmem>>, %arg10: memref<256x2xf32, #tpu.memory_space<vmem>>, %arg11: memref<1000x256xf32, #tpu.memory_space<vmem>>, %arg12: memref<1x2x1000xf32, #tpu.memory_space<vmem>>, %arg13: memref<10000x256xf32, #tpu.memory_space<vmem>>, %arg14: memref<1x256xf32, #tpu.memory_space<vmem>>, %arg15: memref<1x256xf32, #tpu.memory_space<vmem>>) attributes {dimension_semantics = [#tpu.dimension_semantics<arbitrary>, #tpu.dimension_semantics<arbitrary>], iteration_bounds = array<i64: 2, 10>, scalar_prefetch = 0 : i64, scratch_operands = 3 : i64, tpu.core_type = #tpu.core_type<tc>, window_params = [{transform_indices = @transform_0, window_bounds = array<i64: 1000, 128>}, {transform_indices = @transform_1, window_bounds = array<i64: 1, 2, 1000>}, {transform_indices = @transform_2, window_bounds = array<i64: 1, 2, 1000>}, {pipeline_mode = #tpu.pipeline_mode<synchronous>, transform_indices = @transform_3, window_bounds = array<i64: 128, 256>}, {pipeline_mode = #tpu.pipeline_mode<synchronous>, transform_indices = @transform_4, window_bounds = array<i64: 2, 256>}, {pipeline_mode = #tpu.pipeline_mode<synchronous>, transform_indices = @transform_5, window_bounds = array<i64: 1, 256>}, {pipeline_mode = #tpu.pipeline_mode<synchronous>, transform_indices = @transform_6, window_bounds = array<i64: 1, 256>}, {pipeline_mode = #tpu.pipeline_mode<synchronous>, transform_indices = @transform_7, window_bounds = array<i64: 1, 256>}, {pipeline_mode = #tpu.pipeline_mode<synchronous>, transform_indices = @transform_8, window_bounds = array<i64: 256, 2>}, {transform_indices = @transform_9, window_bounds = array<i64: 1000, 256>}, {transform_indices = @transform_10, window_bounds = array<i64: 1, 2, 1000>}]} {
    %eq3A = arith.constant 0 : i32
    %eq3A_0 = arith.cmpi eq, %arg0, %eq3A : i32
    %convert_element_type3A = arith.extui %eq3A_0 : i1 to i32
    %cond3A = arith.constant 0 : i32
    %cond3A_1 = arith.cmpi ne, %convert_element_type3A, %cond3A : i32
    scf.if %cond3A_1 {
      %eq3A_7 = arith.constant 0 : i32
      %eq3A_8 = arith.cmpi eq, %arg1, %eq3A_7 : i32
      %convert_element_type3A_9 = arith.extui %eq3A_8 : i1 to i32
      %cond3A_10 = arith.constant 0 : i32
      %cond3A_11 = arith.cmpi ne, %convert_element_type3A_9, %cond3A_10 : i32
      scf.if %cond3A_11 {
        %broadcast_in_dim3A_65 = arith.constant 0.000000e+00 : f32
        %broadcast_in_dim3A_66 = vector.broadcast %broadcast_in_dim3A_65 : f32 to vector<1x256xf32>
        %swap3A_67 = arith.constant 0 : index
        %swap3A_68 = arith.constant 0 : index
        %swap3A_69 = vector.load %arg14[%swap3A_67, %swap3A_68] : memref<1x256xf32, #tpu.memory_space<vmem>>, vector<1x256xf32>
        tpu.vector_store %arg14[%swap3A_67, %swap3A_68], %broadcast_in_dim3A_66 {strides = array<i32>} : memref<1x256xf32, #tpu.memory_space<vmem>>, vector<1x256xf32>,
        %broadcast_in_dim3A_70 = arith.constant 0.000000e+00 : f32
        %broadcast_in_dim3A_71 = vector.broadcast %broadcast_in_dim3A_70 : f32 to vector<1x256xf32>
        %swap3A_72 = arith.constant 0 : index
        %swap3A_73 = arith.constant 0 : index
        %swap3A_74 = vector.load %arg15[%swap3A_72, %swap3A_73] : memref<1x256xf32, #tpu.memory_space<vmem>>, vector<1x256xf32>
        tpu.vector_store %arg15[%swap3A_72, %swap3A_73], %broadcast_in_dim3A_71 {strides = array<i32>} : memref<1x256xf32, #tpu.memory_space<vmem>>, vector<1x256xf32>,
      } else {
      }
      %get3A = arith.constant 0 : index
      %get3A_12 = arith.constant 0 : index
      %get3A_13 = vector.load %arg2[%get3A, %get3A_12] : memref<1000x128xf32, #tpu.memory_space<vmem>>, vector<1000x128xf32>
      %get3A_14 = arith.constant 0 : index
      %get3A_15 = arith.constant 0 : index
      %get3A_16 = vector.load %arg5[%get3A_14, %get3A_15] : memref<128x256xf32, #tpu.memory_space<vmem>>, vector<128x256xf32>
      %dot_general3A = arith.constant dense<0.000000e+00> : vector<1000x256xf32>
      %dot_general3A_17 = tpu.matmul %get3A_13, %get3A_16, %dot_general3A {dimension_numbers = #tpu.dot_dimension_numbers<[1], [0], [0], [1], [0, 0, 1, 1], [], []>, transpose_lhs_hint = false} : vector<1000x128xf32>, vector<128x256xf32>, vector<1000x256xf32> -> vector<1000x256xf32>
      %get3A_18 = arith.constant 0 : index
      %get3A_19 = arith.constant 0 : index
      %get3A_20 = arith.constant 0 : index
      %get3A_21 = vector.load %arg3[%get3A_18, %get3A_19, %get3A_20] : memref<1x2x1000xf32, #tpu.memory_space<vmem>>, vector<1x2x1000xf32>
      %get3A_22 = arith.constant 0 : index
      %get3A_23 = arith.constant 0 : index
      %get3A_24 = arith.constant 0 : index
      %get3A_25 = vector.load %arg4[%get3A_22, %get3A_23, %get3A_24] : memref<1x2x1000xf32, #tpu.memory_space<vmem>>, vector<1x2x1000xf32>
      %get3A_26 = arith.constant 0 : index
      %get3A_27 = arith.constant 0 : index
      %get3A_28 = vector.load %arg6[%get3A_26, %get3A_27] : memref<2x256xf32, #tpu.memory_space<vmem>>, vector<2x256xf32>
      %squeeze3A = vector.shape_cast %get3A_21 : vector<1x2x1000xf32> to vector<2x1000xf32>
      %squeeze3A_29 = vector.shape_cast %get3A_25 : vector<1x2x1000xf32> to vector<2x1000xf32>
      %slice3A = vector.extract_strided_slice %squeeze3A_29 {offsets = [0, 0], sizes = [1, 1000], strides = [1, 1]} : vector<2x1000xf32> to vector<1x1000xf32>
      %max3A = arith.constant 1.000000e+00 : f32
      %max3A_30 = vector.broadcast %max3A : f32 to vector<1x1000xf32>
      %max3A_31 = arith.maximumf %slice3A, %max3A_30 : vector<1x1000xf32>
      %div3A = arith.constant 1.000000e+00 : f32
      %div3A_32 = vector.broadcast %div3A : f32 to vector<1x1000xf32>
      %div3A_33 = arith.divf %div3A_32, %max3A_31 : vector<1x1000xf32>
      %mul3A = vector.broadcast %div3A_33 : vector<1x1000xf32> to vector<2x1000xf32>
      %mul3A_34 = arith.mulf %squeeze3A, %mul3A : vector<2x1000xf32>
      %dot_general3A_35 = arith.constant dense<0.000000e+00> : vector<1000x256xf32>
      %dot_general3A_36 = tpu.matmul %mul3A_34, %get3A_28, %dot_general3A_35 {dimension_numbers = #tpu.dot_dimension_numbers<[0], [0], [1], [1], [0, 1, 1, 1], [], []>, transpose_lhs_hint = false} : vector<2x1000xf32>, vector<2x256xf32>, vector<1000x256xf32> -> vector<1000x256xf32>
      %add3A = arith.addf %dot_general3A_17, %dot_general3A_36 : vector<1000x256xf32>
      %get3A_37 = arith.constant 0 : index
      %get3A_38 = arith.constant 0 : index
      %get3A_39 = vector.load %arg7[%get3A_37, %get3A_38] : memref<1x256xf32, #tpu.memory_space<vmem>>, vector<1x256xf32>
      %add3A_40 = vector.broadcast %get3A_39 : vector<1x256xf32> to vector<1000x256xf32>
      %add3A_41 = arith.addf %add3A, %add3A_40 : vector<1000x256xf32>
      %mul3A_42 = arith.constant 1000 : i32
      %mul3A_43 = arith.muli %arg1, %mul3A_42 : i32
      %swap3A = arith.index_cast %mul3A_43 : i32 to index
      %swap3A_44 = arith.constant 0 : index
      %swap3A_45 = vector.load %arg13[%swap3A, %swap3A_44] : memref<10000x256xf32, #tpu.memory_space<vmem>>, vector<1000x256xf32>
      tpu.vector_store %arg13[%swap3A, %swap3A_44], %add3A_41 {strides = array<i32>} : memref<10000x256xf32, #tpu.memory_space<vmem>>, vector<1000x256xf32>,
      %get3A_46 = arith.constant 0 : index
      %get3A_47 = arith.constant 0 : index
      %get3A_48 = vector.load %arg14[%get3A_46, %get3A_47] : memref<1x256xf32, #tpu.memory_space<vmem>>, vector<1x256xf32>
      %reduce_sum3A = arith.constant dense<0.000000e+00> : vector<256xf32>
      %reduce_sum3A_49 = vector.multi_reduction <add>, %add3A_41, %reduce_sum3A [0] : vector<1000x256xf32> to vector<256xf32>
      %broadcast_in_dim3A = vector.shape_cast %reduce_sum3A_49 : vector<256xf32> to vector<1x256xf32>
      %add3A_50 = arith.addf %get3A_48, %broadcast_in_dim3A : vector<1x256xf32>
      %swap3A_51 = arith.constant 0 : index
      %swap3A_52 = arith.constant 0 : index
      %swap3A_53 = vector.load %arg14[%swap3A_51, %swap3A_52] : memref<1x256xf32, #tpu.memory_space<vmem>>, vector<1x256xf32>
      tpu.vector_store %arg14[%swap3A_51, %swap3A_52], %add3A_50 {strides = array<i32>} : memref<1x256xf32, #tpu.memory_space<vmem>>, vector<1x256xf32>,
      %get3A_54 = arith.constant 0 : index
      %get3A_55 = arith.constant 0 : index
      %get3A_56 = vector.load %arg15[%get3A_54, %get3A_55] : memref<1x256xf32, #tpu.memory_space<vmem>>, vector<1x256xf32>
      %mul3A_57 = arith.mulf %add3A_41, %add3A_41 : vector<1000x256xf32>
      %reduce_sum3A_58 = arith.constant dense<0.000000e+00> : vector<256xf32>
      %reduce_sum3A_59 = vector.multi_reduction <add>, %mul3A_57, %reduce_sum3A_58 [0] : vector<1000x256xf32> to vector<256xf32>
      %broadcast_in_dim3A_60 = vector.shape_cast %reduce_sum3A_59 : vector<256xf32> to vector<1x256xf32>
      %add3A_61 = arith.addf %get3A_56, %broadcast_in_dim3A_60 : vector<1x256xf32>
      %swap3A_62 = arith.constant 0 : index
      %swap3A_63 = arith.constant 0 : index
      %swap3A_64 = vector.load %arg15[%swap3A_62, %swap3A_63] : memref<1x256xf32, #tpu.memory_space<vmem>>, vector<1x256xf32>
      tpu.vector_store %arg15[%swap3A_62, %swap3A_63], %add3A_61 {strides = array<i32>} : memref<1x256xf32, #tpu.memory_space<vmem>>, vector<1x256xf32>,
    } else {
    }
    %eq3A_2 = arith.constant 1 : i32
    %eq3A_3 = arith.cmpi eq, %arg0, %eq3A_2 : i32
    %convert_element_type3A_4 = arith.extui %eq3A_3 : i1 to i32
    %cond3A_5 = arith.constant 0 : i32
    %cond3A_6 = arith.cmpi ne, %convert_element_type3A_4, %cond3A_5 : i32
    scf.if %cond3A_6 {
      %mul3A = arith.constant 1000 : i32
      %mul3A_7 = arith.muli %arg1, %mul3A : i32
      %get3A = arith.index_cast %mul3A_7 : i32 to index
      %get3A_8 = arith.constant 0 : index
      %get3A_9 = vector.load %arg13[%get3A, %get3A_8] : memref<10000x256xf32, #tpu.memory_space<vmem>>, vector<1000x256xf32>
      %get3A_10 = arith.constant 0 : index
      %get3A_11 = arith.constant 0 : index
      %get3A_12 = vector.load %arg14[%get3A_10, %get3A_11] : memref<1x256xf32, #tpu.memory_space<vmem>>, vector<1x256xf32>
      %mul3A_13 = arith.constant 9.99999974E-5 : f32
      %mul3A_14 = vector.broadcast %mul3A_13 : f32 to vector<1x256xf32>
      %mul3A_15 = arith.mulf %get3A_12, %mul3A_14 : vector<1x256xf32>
      %get3A_16 = arith.constant 0 : index
      %get3A_17 = arith.constant 0 : index
      %get3A_18 = vector.load %arg15[%get3A_16, %get3A_17] : memref<1x256xf32, #tpu.memory_space<vmem>>, vector<1x256xf32>
      %mul3A_19 = arith.constant 9.99999974E-5 : f32
      %mul3A_20 = vector.broadcast %mul3A_19 : f32 to vector<1x256xf32>
      %mul3A_21 = arith.mulf %get3A_18, %mul3A_20 : vector<1x256xf32>
      %mul3A_22 = arith.mulf %mul3A_15, %mul3A_15 : vector<1x256xf32>
      %sub3A = arith.subf %mul3A_21, %mul3A_22 : vector<1x256xf32>
      %get3A_23 = arith.constant 0 : index
      %get3A_24 = arith.constant 0 : index
      %get3A_25 = vector.load %arg8[%get3A_23, %get3A_24] : memref<1x256xf32, #tpu.memory_space<vmem>>, vector<1x256xf32>
      %add3A = arith.constant 9.99999974E-6 : f32
      %add3A_26 = vector.broadcast %add3A : f32 to vector<1x256xf32>
      %add3A_27 = arith.addf %sub3A, %add3A_26 : vector<1x256xf32>
      %rsqrt3A = math.rsqrt %add3A_27 : vector<1x256xf32>
      %mul3A_28 = arith.mulf %get3A_25, %rsqrt3A : vector<1x256xf32>
      %get3A_29 = arith.constant 0 : index
      %get3A_30 = arith.constant 0 : index
      %get3A_31 = vector.load %arg9[%get3A_29, %get3A_30] : memref<1x256xf32, #tpu.memory_space<vmem>>, vector<1x256xf32>
      %mul3A_32 = arith.mulf %mul3A_15, %mul3A_28 : vector<1x256xf32>
      %sub3A_33 = arith.subf %get3A_31, %mul3A_32 : vector<1x256xf32>
      %mul3A_34 = vector.broadcast %mul3A_28 : vector<1x256xf32> to vector<1000x256xf32>
      %mul3A_35 = arith.mulf %get3A_9, %mul3A_34 : vector<1000x256xf32>
      %add3A_36 = vector.broadcast %sub3A_33 : vector<1x256xf32> to vector<1000x256xf32>
      %add3A_37 = arith.addf %mul3A_35, %add3A_36 : vector<1000x256xf32>
      %max3A = arith.constant 0.000000e+00 : f32
      %max3A_38 = vector.broadcast %max3A : f32 to vector<1000x256xf32>
      %max3A_39 = arith.maximumf %add3A_37, %max3A_38 : vector<1000x256xf32>
      %swap3A = arith.constant 0 : index
      %swap3A_40 = arith.constant 0 : index
      %swap3A_41 = vector.load %arg11[%swap3A, %swap3A_40] : memref<1000x256xf32, #tpu.memory_space<vmem>>, vector<1000x256xf32>
      tpu.vector_store %arg11[%swap3A, %swap3A_40], %max3A_39 {strides = array<i32>} : memref<1000x256xf32, #tpu.memory_space<vmem>>, vector<1000x256xf32>,
      %get3A_42 = arith.constant 0 : index
      %get3A_43 = arith.constant 0 : index
      %get3A_44 = vector.load %arg10[%get3A_42, %get3A_43] : memref<256x2xf32, #tpu.memory_space<vmem>>, vector<256x2xf32>
      %dot_general3A = arith.constant dense<0.000000e+00> : vector<2x1000xf32>
      %dot_general3A_45 = tpu.matmul %get3A_44, %max3A_39, %dot_general3A {dimension_numbers = #tpu.dot_dimension_numbers<[0], [1], [1], [0], [0, 1, 1, 0], [], []>, transpose_lhs_hint = false} : vector<256x2xf32>, vector<1000x256xf32>, vector<2x1000xf32> -> vector<2x1000xf32>
      %reshape3A = vector.shape_cast %dot_general3A_45 : vector<2x1000xf32> to vector<1x2x1000xf32>
      %swap3A_46 = arith.constant 0 : index
      %swap3A_47 = arith.constant 0 : index
      %swap3A_48 = arith.constant 0 : index
      %swap3A_49 = vector.load %arg12[%swap3A_46, %swap3A_47, %swap3A_48] : memref<1x2x1000xf32, #tpu.memory_space<vmem>>, vector<1x2x1000xf32>
      tpu.vector_store %arg12[%swap3A_46, %swap3A_47, %swap3A_48], %reshape3A {strides = array<i32>} : memref<1x2x1000xf32, #tpu.memory_space<vmem>>, vector<1x2x1000xf32>,
    } else {
    }
    return
  }
  func.func @transform_0(%arg0: i32, %arg1: i32) -> (i32, i32) {
    %eq3A = arith.constant 0 : i32
    %eq3A_0 = arith.cmpi eq, %arg0, %eq3A : i32
    %jit3A = arith.constant 0 : i32
    %select_n3A = arith.select %eq3A_0, %arg1, %jit3A : i32
    %c0_i32 = arith.constant 0 : i32
    %c0_i32_1 = arith.constant 0 : i32
    return %select_n3A, %c0_i32 : i32, i32
  }
  func.func @transform_1(%arg0: i32, %arg1: i32) -> (i32, i32, i32) {
    %eq3A = arith.constant 0 : i32
    %eq3A_0 = arith.cmpi eq, %arg0, %eq3A : i32
    %jit3A = arith.constant 0 : i32
    %select_n3A = arith.select %eq3A_0, %arg1, %jit3A : i32
    %c0_i32 = arith.constant 0 : i32
    %c0_i32_1 = arith.constant 0 : i32
    %c0_i32_2 = arith.constant 0 : i32
    return %select_n3A, %c0_i32, %c0_i32_1 : i32, i32, i32
  }
  func.func @transform_2(%arg0: i32, %arg1: i32) -> (i32, i32, i32) {
    %eq3A = arith.constant 0 : i32
    %eq3A_0 = arith.cmpi eq, %arg0, %eq3A : i32
    %jit3A = arith.constant 0 : i32
    %select_n3A = arith.select %eq3A_0, %arg1, %jit3A : i32
    %c0_i32 = arith.constant 0 : i32
    %c0_i32_1 = arith.constant 0 : i32
    %c0_i32_2 = arith.constant 0 : i32
    return %select_n3A, %c0_i32, %c0_i32_1 : i32, i32, i32
  }
  func.func @transform_3(%arg0: i32, %arg1: i32) -> (i32, i32) {
    %c0_i32 = arith.constant 0 : i32
    %c0_i32_0 = arith.constant 0 : i32
    %c0_i32_1 = arith.constant 0 : i32
    return %c0_i32, %c0_i32_0 : i32, i32
  }
  func.func @transform_4(%arg0: i32, %arg1: i32) -> (i32, i32) {
    %c0_i32 = arith.constant 0 : i32
    %c0_i32_0 = arith.constant 0 : i32
    %c0_i32_1 = arith.constant 0 : i32
    return %c0_i32, %c0_i32_0 : i32, i32
  }
  func.func @transform_5(%arg0: i32, %arg1: i32) -> (i32, i32) {
    %c0_i32 = arith.constant 0 : i32
    %c0_i32_0 = arith.constant 0 : i32
    %c0_i32_1 = arith.constant 0 : i32
    return %c0_i32, %c0_i32_0 : i32, i32
  }
  func.func @transform_6(%arg0: i32, %arg1: i32) -> (i32, i32) {
    %c0_i32 = arith.constant 0 : i32
    %c0_i32_0 = arith.constant 0 : i32
    %c0_i32_1 = arith.constant 0 : i32
    return %c0_i32, %c0_i32_0 : i32, i32
  }
  func.func @transform_7(%arg0: i32, %arg1: i32) -> (i32, i32) {
    %c0_i32 = arith.constant 0 : i32
    %c0_i32_0 = arith.constant 0 : i32
    %c0_i32_1 = arith.constant 0 : i32
    return %c0_i32, %c0_i32_0 : i32, i32
  }
  func.func @transform_8(%arg0: i32, %arg1: i32) -> (i32, i32) {
    %c0_i32 = arith.constant 0 : i32
    %c0_i32_0 = arith.constant 0 : i32
    %c0_i32_1 = arith.constant 0 : i32
    return %c0_i32, %c0_i32_0 : i32, i32
  }
  func.func @transform_9(%arg0: i32, %arg1: i32) -> (i32, i32) {
    %eq3A = arith.constant 1 : i32
    %eq3A_0 = arith.cmpi eq, %arg0, %eq3A : i32
    %jit3A = arith.constant 0 : i32
    %select_n3A = arith.select %eq3A_0, %arg1, %jit3A : i32
    %c0_i32 = arith.constant 0 : i32
    %c0_i32_1 = arith.constant 0 : i32
    return %select_n3A, %c0_i32 : i32, i32
  }
  func.func @transform_10(%arg0: i32, %arg1: i32) -> (i32, i32, i32) {
    %eq3A = arith.constant 1 : i32
    %eq3A_0 = arith.cmpi eq, %arg0, %eq3A : i32
    %jit3A = arith.constant 0 : i32
    %select_n3A = arith.select %eq3A_0, %arg1, %jit3A : i32
    %c0_i32 = arith.constant 0 : i32
    %c0_i32_1 = arith.constant 0 : i32
    %c0_i32_2 = arith.constant 0 : i32
    return %select_n3A, %c0_i32, %c0_i32_1 : i32, i32, i32
  }
}

module attributes {stable_mosaic.version = 14 : i64} {
  func.func @body(%arg0: i32, %arg1: i32, %arg2: memref<1000x256xf32, #tpu.memory_space<vmem>>, %arg3: memref<1x2x1000xf32, #tpu.memory_space<vmem>>, %arg4: memref<1x2x1000xf32, #tpu.memory_space<vmem>>, %arg5: memref<256x256xf32, #tpu.memory_space<vmem>>, %arg6: memref<2x256xf32, #tpu.memory_space<vmem>>, %arg7: memref<1x256xf32, #tpu.memory_space<vmem>>, %arg8: memref<1x256xf32, #tpu.memory_space<vmem>>, %arg9: memref<1x256xf32, #tpu.memory_space<vmem>>, %arg10: memref<256x2xf32, #tpu.memory_space<vmem>>, %arg11: memref<1000x256xf32, #tpu.memory_space<vmem>>, %arg12: memref<1x2x1000xf32, #tpu.memory_space<vmem>>, %arg13: memref<10000x256xf32, #tpu.memory_space<vmem>>, %arg14: memref<1x256xf32, #tpu.memory_space<vmem>>, %arg15: memref<1x256xf32, #tpu.memory_space<vmem>>) attributes {dimension_semantics = [#tpu.dimension_semantics<arbitrary>, #tpu.dimension_semantics<arbitrary>], iteration_bounds = array<i64: 2, 10>, scalar_prefetch = 0 : i64, scratch_operands = 3 : i64, tpu.core_type = #tpu.core_type<tc>, window_params = [{transform_indices = @transform_0, window_bounds = array<i64: 1000, 256>}, {transform_indices = @transform_1, window_bounds = array<i64: 1, 2, 1000>}, {transform_indices = @transform_2, window_bounds = array<i64: 1, 2, 1000>}, {pipeline_mode = #tpu.pipeline_mode<synchronous>, transform_indices = @transform_3, window_bounds = array<i64: 256, 256>}, {pipeline_mode = #tpu.pipeline_mode<synchronous>, transform_indices = @transform_4, window_bounds = array<i64: 2, 256>}, {pipeline_mode = #tpu.pipeline_mode<synchronous>, transform_indices = @transform_5, window_bounds = array<i64: 1, 256>}, {pipeline_mode = #tpu.pipeline_mode<synchronous>, transform_indices = @transform_6, window_bounds = array<i64: 1, 256>}, {pipeline_mode = #tpu.pipeline_mode<synchronous>, transform_indices = @transform_7, window_bounds = array<i64: 1, 256>}, {pipeline_mode = #tpu.pipeline_mode<synchronous>, transform_indices = @transform_8, window_bounds = array<i64: 256, 2>}, {transform_indices = @transform_9, window_bounds = array<i64: 1000, 256>}, {transform_indices = @transform_10, window_bounds = array<i64: 1, 2, 1000>}]} {
    %eq3A = arith.constant 0 : i32
    %eq3A_0 = arith.cmpi eq, %arg0, %eq3A : i32
    %convert_element_type3A = arith.extui %eq3A_0 : i1 to i32
    %cond3A = arith.constant 0 : i32
    %cond3A_1 = arith.cmpi ne, %convert_element_type3A, %cond3A : i32
    scf.if %cond3A_1 {
      %eq3A_7 = arith.constant 0 : i32
      %eq3A_8 = arith.cmpi eq, %arg1, %eq3A_7 : i32
      %convert_element_type3A_9 = arith.extui %eq3A_8 : i1 to i32
      %cond3A_10 = arith.constant 0 : i32
      %cond3A_11 = arith.cmpi ne, %convert_element_type3A_9, %cond3A_10 : i32
      scf.if %cond3A_11 {
        %broadcast_in_dim3A_65 = arith.constant 0.000000e+00 : f32
        %broadcast_in_dim3A_66 = vector.broadcast %broadcast_in_dim3A_65 : f32 to vector<1x256xf32>
        %swap3A_67 = arith.constant 0 : index
        %swap3A_68 = arith.constant 0 : index
        %swap3A_69 = vector.load %arg14[%swap3A_67, %swap3A_68] : memref<1x256xf32, #tpu.memory_space<vmem>>, vector<1x256xf32>
        tpu.vector_store %arg14[%swap3A_67, %swap3A_68], %broadcast_in_dim3A_66 {strides = array<i32>} : memref<1x256xf32, #tpu.memory_space<vmem>>, vector<1x256xf32>,
        %broadcast_in_dim3A_70 = arith.constant 0.000000e+00 : f32
        %broadcast_in_dim3A_71 = vector.broadcast %broadcast_in_dim3A_70 : f32 to vector<1x256xf32>
        %swap3A_72 = arith.constant 0 : index
        %swap3A_73 = arith.constant 0 : index
        %swap3A_74 = vector.load %arg15[%swap3A_72, %swap3A_73] : memref<1x256xf32, #tpu.memory_space<vmem>>, vector<1x256xf32>
        tpu.vector_store %arg15[%swap3A_72, %swap3A_73], %broadcast_in_dim3A_71 {strides = array<i32>} : memref<1x256xf32, #tpu.memory_space<vmem>>, vector<1x256xf32>,
      } else {
      }
      %get3A = arith.constant 0 : index
      %get3A_12 = arith.constant 0 : index
      %get3A_13 = vector.load %arg2[%get3A, %get3A_12] : memref<1000x256xf32, #tpu.memory_space<vmem>>, vector<1000x256xf32>
      %get3A_14 = arith.constant 0 : index
      %get3A_15 = arith.constant 0 : index
      %get3A_16 = vector.load %arg5[%get3A_14, %get3A_15] : memref<256x256xf32, #tpu.memory_space<vmem>>, vector<256x256xf32>
      %dot_general3A = arith.constant dense<0.000000e+00> : vector<1000x256xf32>
      %dot_general3A_17 = tpu.matmul %get3A_13, %get3A_16, %dot_general3A {dimension_numbers = #tpu.dot_dimension_numbers<[1], [0], [0], [1], [0, 0, 1, 1], [], []>, transpose_lhs_hint = false} : vector<1000x256xf32>, vector<256x256xf32>, vector<1000x256xf32> -> vector<1000x256xf32>
      %get3A_18 = arith.constant 0 : index
      %get3A_19 = arith.constant 0 : index
      %get3A_20 = arith.constant 0 : index
      %get3A_21 = vector.load %arg3[%get3A_18, %get3A_19, %get3A_20] : memref<1x2x1000xf32, #tpu.memory_space<vmem>>, vector<1x2x1000xf32>
      %get3A_22 = arith.constant 0 : index
      %get3A_23 = arith.constant 0 : index
      %get3A_24 = arith.constant 0 : index
      %get3A_25 = vector.load %arg4[%get3A_22, %get3A_23, %get3A_24] : memref<1x2x1000xf32, #tpu.memory_space<vmem>>, vector<1x2x1000xf32>
      %get3A_26 = arith.constant 0 : index
      %get3A_27 = arith.constant 0 : index
      %get3A_28 = vector.load %arg6[%get3A_26, %get3A_27] : memref<2x256xf32, #tpu.memory_space<vmem>>, vector<2x256xf32>
      %squeeze3A = vector.shape_cast %get3A_21 : vector<1x2x1000xf32> to vector<2x1000xf32>
      %squeeze3A_29 = vector.shape_cast %get3A_25 : vector<1x2x1000xf32> to vector<2x1000xf32>
      %slice3A = vector.extract_strided_slice %squeeze3A_29 {offsets = [0, 0], sizes = [1, 1000], strides = [1, 1]} : vector<2x1000xf32> to vector<1x1000xf32>
      %max3A = arith.constant 1.000000e+00 : f32
      %max3A_30 = vector.broadcast %max3A : f32 to vector<1x1000xf32>
      %max3A_31 = arith.maximumf %slice3A, %max3A_30 : vector<1x1000xf32>
      %div3A = arith.constant 1.000000e+00 : f32
      %div3A_32 = vector.broadcast %div3A : f32 to vector<1x1000xf32>
      %div3A_33 = arith.divf %div3A_32, %max3A_31 : vector<1x1000xf32>
      %mul3A = vector.broadcast %div3A_33 : vector<1x1000xf32> to vector<2x1000xf32>
      %mul3A_34 = arith.mulf %squeeze3A, %mul3A : vector<2x1000xf32>
      %dot_general3A_35 = arith.constant dense<0.000000e+00> : vector<1000x256xf32>
      %dot_general3A_36 = tpu.matmul %mul3A_34, %get3A_28, %dot_general3A_35 {dimension_numbers = #tpu.dot_dimension_numbers<[0], [0], [1], [1], [0, 1, 1, 1], [], []>, transpose_lhs_hint = false} : vector<2x1000xf32>, vector<2x256xf32>, vector<1000x256xf32> -> vector<1000x256xf32>
      %add3A = arith.addf %dot_general3A_17, %dot_general3A_36 : vector<1000x256xf32>
      %get3A_37 = arith.constant 0 : index
      %get3A_38 = arith.constant 0 : index
      %get3A_39 = vector.load %arg7[%get3A_37, %get3A_38] : memref<1x256xf32, #tpu.memory_space<vmem>>, vector<1x256xf32>
      %add3A_40 = vector.broadcast %get3A_39 : vector<1x256xf32> to vector<1000x256xf32>
      %add3A_41 = arith.addf %add3A, %add3A_40 : vector<1000x256xf32>
      %mul3A_42 = arith.constant 1000 : i32
      %mul3A_43 = arith.muli %arg1, %mul3A_42 : i32
      %swap3A = arith.index_cast %mul3A_43 : i32 to index
      %swap3A_44 = arith.constant 0 : index
      %swap3A_45 = vector.load %arg13[%swap3A, %swap3A_44] : memref<10000x256xf32, #tpu.memory_space<vmem>>, vector<1000x256xf32>
      tpu.vector_store %arg13[%swap3A, %swap3A_44], %add3A_41 {strides = array<i32>} : memref<10000x256xf32, #tpu.memory_space<vmem>>, vector<1000x256xf32>,
      %get3A_46 = arith.constant 0 : index
      %get3A_47 = arith.constant 0 : index
      %get3A_48 = vector.load %arg14[%get3A_46, %get3A_47] : memref<1x256xf32, #tpu.memory_space<vmem>>, vector<1x256xf32>
      %reduce_sum3A = arith.constant dense<0.000000e+00> : vector<256xf32>
      %reduce_sum3A_49 = vector.multi_reduction <add>, %add3A_41, %reduce_sum3A [0] : vector<1000x256xf32> to vector<256xf32>
      %broadcast_in_dim3A = vector.shape_cast %reduce_sum3A_49 : vector<256xf32> to vector<1x256xf32>
      %add3A_50 = arith.addf %get3A_48, %broadcast_in_dim3A : vector<1x256xf32>
      %swap3A_51 = arith.constant 0 : index
      %swap3A_52 = arith.constant 0 : index
      %swap3A_53 = vector.load %arg14[%swap3A_51, %swap3A_52] : memref<1x256xf32, #tpu.memory_space<vmem>>, vector<1x256xf32>
      tpu.vector_store %arg14[%swap3A_51, %swap3A_52], %add3A_50 {strides = array<i32>} : memref<1x256xf32, #tpu.memory_space<vmem>>, vector<1x256xf32>,
      %get3A_54 = arith.constant 0 : index
      %get3A_55 = arith.constant 0 : index
      %get3A_56 = vector.load %arg15[%get3A_54, %get3A_55] : memref<1x256xf32, #tpu.memory_space<vmem>>, vector<1x256xf32>
      %mul3A_57 = arith.mulf %add3A_41, %add3A_41 : vector<1000x256xf32>
      %reduce_sum3A_58 = arith.constant dense<0.000000e+00> : vector<256xf32>
      %reduce_sum3A_59 = vector.multi_reduction <add>, %mul3A_57, %reduce_sum3A_58 [0] : vector<1000x256xf32> to vector<256xf32>
      %broadcast_in_dim3A_60 = vector.shape_cast %reduce_sum3A_59 : vector<256xf32> to vector<1x256xf32>
      %add3A_61 = arith.addf %get3A_56, %broadcast_in_dim3A_60 : vector<1x256xf32>
      %swap3A_62 = arith.constant 0 : index
      %swap3A_63 = arith.constant 0 : index
      %swap3A_64 = vector.load %arg15[%swap3A_62, %swap3A_63] : memref<1x256xf32, #tpu.memory_space<vmem>>, vector<1x256xf32>
      tpu.vector_store %arg15[%swap3A_62, %swap3A_63], %add3A_61 {strides = array<i32>} : memref<1x256xf32, #tpu.memory_space<vmem>>, vector<1x256xf32>,
    } else {
    }
    %eq3A_2 = arith.constant 1 : i32
    %eq3A_3 = arith.cmpi eq, %arg0, %eq3A_2 : i32
    %convert_element_type3A_4 = arith.extui %eq3A_3 : i1 to i32
    %cond3A_5 = arith.constant 0 : i32
    %cond3A_6 = arith.cmpi ne, %convert_element_type3A_4, %cond3A_5 : i32
    scf.if %cond3A_6 {
      %mul3A = arith.constant 1000 : i32
      %mul3A_7 = arith.muli %arg1, %mul3A : i32
      %get3A = arith.index_cast %mul3A_7 : i32 to index
      %get3A_8 = arith.constant 0 : index
      %get3A_9 = vector.load %arg13[%get3A, %get3A_8] : memref<10000x256xf32, #tpu.memory_space<vmem>>, vector<1000x256xf32>
      %get3A_10 = arith.constant 0 : index
      %get3A_11 = arith.constant 0 : index
      %get3A_12 = vector.load %arg14[%get3A_10, %get3A_11] : memref<1x256xf32, #tpu.memory_space<vmem>>, vector<1x256xf32>
      %mul3A_13 = arith.constant 9.99999974E-5 : f32
      %mul3A_14 = vector.broadcast %mul3A_13 : f32 to vector<1x256xf32>
      %mul3A_15 = arith.mulf %get3A_12, %mul3A_14 : vector<1x256xf32>
      %get3A_16 = arith.constant 0 : index
      %get3A_17 = arith.constant 0 : index
      %get3A_18 = vector.load %arg15[%get3A_16, %get3A_17] : memref<1x256xf32, #tpu.memory_space<vmem>>, vector<1x256xf32>
      %mul3A_19 = arith.constant 9.99999974E-5 : f32
      %mul3A_20 = vector.broadcast %mul3A_19 : f32 to vector<1x256xf32>
      %mul3A_21 = arith.mulf %get3A_18, %mul3A_20 : vector<1x256xf32>
      %mul3A_22 = arith.mulf %mul3A_15, %mul3A_15 : vector<1x256xf32>
      %sub3A = arith.subf %mul3A_21, %mul3A_22 : vector<1x256xf32>
      %get3A_23 = arith.constant 0 : index
      %get3A_24 = arith.constant 0 : index
      %get3A_25 = vector.load %arg8[%get3A_23, %get3A_24] : memref<1x256xf32, #tpu.memory_space<vmem>>, vector<1x256xf32>
      %add3A = arith.constant 9.99999974E-6 : f32
      %add3A_26 = vector.broadcast %add3A : f32 to vector<1x256xf32>
      %add3A_27 = arith.addf %sub3A, %add3A_26 : vector<1x256xf32>
      %rsqrt3A = math.rsqrt %add3A_27 : vector<1x256xf32>
      %mul3A_28 = arith.mulf %get3A_25, %rsqrt3A : vector<1x256xf32>
      %get3A_29 = arith.constant 0 : index
      %get3A_30 = arith.constant 0 : index
      %get3A_31 = vector.load %arg9[%get3A_29, %get3A_30] : memref<1x256xf32, #tpu.memory_space<vmem>>, vector<1x256xf32>
      %mul3A_32 = arith.mulf %mul3A_15, %mul3A_28 : vector<1x256xf32>
      %sub3A_33 = arith.subf %get3A_31, %mul3A_32 : vector<1x256xf32>
      %mul3A_34 = vector.broadcast %mul3A_28 : vector<1x256xf32> to vector<1000x256xf32>
      %mul3A_35 = arith.mulf %get3A_9, %mul3A_34 : vector<1000x256xf32>
      %add3A_36 = vector.broadcast %sub3A_33 : vector<1x256xf32> to vector<1000x256xf32>
      %add3A_37 = arith.addf %mul3A_35, %add3A_36 : vector<1000x256xf32>
      %max3A = arith.constant 0.000000e+00 : f32
      %max3A_38 = vector.broadcast %max3A : f32 to vector<1000x256xf32>
      %max3A_39 = arith.maximumf %add3A_37, %max3A_38 : vector<1000x256xf32>
      %swap3A = arith.constant 0 : index
      %swap3A_40 = arith.constant 0 : index
      %swap3A_41 = vector.load %arg11[%swap3A, %swap3A_40] : memref<1000x256xf32, #tpu.memory_space<vmem>>, vector<1000x256xf32>
      tpu.vector_store %arg11[%swap3A, %swap3A_40], %max3A_39 {strides = array<i32>} : memref<1000x256xf32, #tpu.memory_space<vmem>>, vector<1000x256xf32>,
      %get3A_42 = arith.constant 0 : index
      %get3A_43 = arith.constant 0 : index
      %get3A_44 = vector.load %arg10[%get3A_42, %get3A_43] : memref<256x2xf32, #tpu.memory_space<vmem>>, vector<256x2xf32>
      %dot_general3A = arith.constant dense<0.000000e+00> : vector<2x1000xf32>
      %dot_general3A_45 = tpu.matmul %get3A_44, %max3A_39, %dot_general3A {dimension_numbers = #tpu.dot_dimension_numbers<[0], [1], [1], [0], [0, 1, 1, 0], [], []>, transpose_lhs_hint = false} : vector<256x2xf32>, vector<1000x256xf32>, vector<2x1000xf32> -> vector<2x1000xf32>
      %reshape3A = vector.shape_cast %dot_general3A_45 : vector<2x1000xf32> to vector<1x2x1000xf32>
      %swap3A_46 = arith.constant 0 : index
      %swap3A_47 = arith.constant 0 : index
      %swap3A_48 = arith.constant 0 : index
      %swap3A_49 = vector.load %arg12[%swap3A_46, %swap3A_47, %swap3A_48] : memref<1x2x1000xf32, #tpu.memory_space<vmem>>, vector<1x2x1000xf32>
      tpu.vector_store %arg12[%swap3A_46, %swap3A_47, %swap3A_48], %reshape3A {strides = array<i32>} : memref<1x2x1000xf32, #tpu.memory_space<vmem>>, vector<1x2x1000xf32>,
    } else {
    }
    return
  }
  func.func @transform_0(%arg0: i32, %arg1: i32) -> (i32, i32) {
    %eq3A = arith.constant 0 : i32
    %eq3A_0 = arith.cmpi eq, %arg0, %eq3A : i32
    %jit3A = arith.constant 0 : i32
    %select_n3A = arith.select %eq3A_0, %arg1, %jit3A : i32
    %c0_i32 = arith.constant 0 : i32
    %c0_i32_1 = arith.constant 0 : i32
    return %select_n3A, %c0_i32 : i32, i32
  }
  func.func @transform_1(%arg0: i32, %arg1: i32) -> (i32, i32, i32) {
    %eq3A = arith.constant 0 : i32
    %eq3A_0 = arith.cmpi eq, %arg0, %eq3A : i32
    %jit3A = arith.constant 0 : i32
    %select_n3A = arith.select %eq3A_0, %arg1, %jit3A : i32
    %c0_i32 = arith.constant 0 : i32
    %c0_i32_1 = arith.constant 0 : i32
    %c0_i32_2 = arith.constant 0 : i32
    return %select_n3A, %c0_i32, %c0_i32_1 : i32, i32, i32
  }
  func.func @transform_2(%arg0: i32, %arg1: i32) -> (i32, i32, i32) {
    %eq3A = arith.constant 0 : i32
    %eq3A_0 = arith.cmpi eq, %arg0, %eq3A : i32
    %jit3A = arith.constant 0 : i32
    %select_n3A = arith.select %eq3A_0, %arg1, %jit3A : i32
    %c0_i32 = arith.constant 0 : i32
    %c0_i32_1 = arith.constant 0 : i32
    %c0_i32_2 = arith.constant 0 : i32
    return %select_n3A, %c0_i32, %c0_i32_1 : i32, i32, i32
  }
  func.func @transform_3(%arg0: i32, %arg1: i32) -> (i32, i32) {
    %c0_i32 = arith.constant 0 : i32
    %c0_i32_0 = arith.constant 0 : i32
    %c0_i32_1 = arith.constant 0 : i32
    return %c0_i32, %c0_i32_0 : i32, i32
  }
  func.func @transform_4(%arg0: i32, %arg1: i32) -> (i32, i32) {
    %c0_i32 = arith.constant 0 : i32
    %c0_i32_0 = arith.constant 0 : i32
    %c0_i32_1 = arith.constant 0 : i32
    return %c0_i32, %c0_i32_0 : i32, i32
  }
  func.func @transform_5(%arg0: i32, %arg1: i32) -> (i32, i32) {
    %c0_i32 = arith.constant 0 : i32
    %c0_i32_0 = arith.constant 0 : i32
    %c0_i32_1 = arith.constant 0 : i32
    return %c0_i32, %c0_i32_0 : i32, i32
  }
  func.func @transform_6(%arg0: i32, %arg1: i32) -> (i32, i32) {
    %c0_i32 = arith.constant 0 : i32
    %c0_i32_0 = arith.constant 0 : i32
    %c0_i32_1 = arith.constant 0 : i32
    return %c0_i32, %c0_i32_0 : i32, i32
  }
  func.func @transform_7(%arg0: i32, %arg1: i32) -> (i32, i32) {
    %c0_i32 = arith.constant 0 : i32
    %c0_i32_0 = arith.constant 0 : i32
    %c0_i32_1 = arith.constant 0 : i32
    return %c0_i32, %c0_i32_0 : i32, i32
  }
  func.func @transform_8(%arg0: i32, %arg1: i32) -> (i32, i32) {
    %c0_i32 = arith.constant 0 : i32
    %c0_i32_0 = arith.constant 0 : i32
    %c0_i32_1 = arith.constant 0 : i32
    return %c0_i32, %c0_i32_0 : i32, i32
  }
  func.func @transform_9(%arg0: i32, %arg1: i32) -> (i32, i32) {
    %eq3A = arith.constant 1 : i32
    %eq3A_0 = arith.cmpi eq, %arg0, %eq3A : i32
    %jit3A = arith.constant 0 : i32
    %select_n3A = arith.select %eq3A_0, %arg1, %jit3A : i32
    %c0_i32 = arith.constant 0 : i32
    %c0_i32_1 = arith.constant 0 : i32
    return %select_n3A, %c0_i32 : i32, i32
  }
  func.func @transform_10(%arg0: i32, %arg1: i32) -> (i32, i32, i32) {
    %eq3A = arith.constant 1 : i32
    %eq3A_0 = arith.cmpi eq, %arg0, %eq3A : i32
    %jit3A = arith.constant 0 : i32
    %select_n3A = arith.select %eq3A_0, %arg1, %jit3A : i32
    %c0_i32 = arith.constant 0 : i32
    %c0_i32_1 = arith.constant 0 : i32
    %c0_i32_2 = arith.constant 0 : i32
    return %select_n3A, %c0_i32, %c0_i32_1 : i32, i32, i32
  }
}

module attributes {stable_mosaic.version = 14 : i64} {
  func.func @body(%arg0: i32, %arg1: i32, %arg2: memref<1000x256xf32, #tpu.memory_space<vmem>>, %arg3: memref<1x2x1000xf32, #tpu.memory_space<vmem>>, %arg4: memref<1x2x1000xf32, #tpu.memory_space<vmem>>, %arg5: memref<256x256xf32, #tpu.memory_space<vmem>>, %arg6: memref<2x256xf32, #tpu.memory_space<vmem>>, %arg7: memref<1x256xf32, #tpu.memory_space<vmem>>, %arg8: memref<1x256xf32, #tpu.memory_space<vmem>>, %arg9: memref<1x256xf32, #tpu.memory_space<vmem>>, %arg10: memref<256x2xf32, #tpu.memory_space<vmem>>, %arg11: memref<1000x256xf32, #tpu.memory_space<vmem>>, %arg12: memref<1x2x1000xf32, #tpu.memory_space<vmem>>, %arg13: memref<10000x256xf32, #tpu.memory_space<vmem>>, %arg14: memref<1x256xf32, #tpu.memory_space<vmem>>, %arg15: memref<1x256xf32, #tpu.memory_space<vmem>>) attributes {dimension_semantics = [#tpu.dimension_semantics<arbitrary>, #tpu.dimension_semantics<arbitrary>], iteration_bounds = array<i64: 2, 10>, scalar_prefetch = 0 : i64, scratch_operands = 3 : i64, tpu.core_type = #tpu.core_type<tc>, window_params = [{transform_indices = @transform_0, window_bounds = array<i64: 1000, 256>}, {transform_indices = @transform_1, window_bounds = array<i64: 1, 2, 1000>}, {transform_indices = @transform_2, window_bounds = array<i64: 1, 2, 1000>}, {pipeline_mode = #tpu.pipeline_mode<synchronous>, transform_indices = @transform_3, window_bounds = array<i64: 256, 256>}, {pipeline_mode = #tpu.pipeline_mode<synchronous>, transform_indices = @transform_4, window_bounds = array<i64: 2, 256>}, {pipeline_mode = #tpu.pipeline_mode<synchronous>, transform_indices = @transform_5, window_bounds = array<i64: 1, 256>}, {pipeline_mode = #tpu.pipeline_mode<synchronous>, transform_indices = @transform_6, window_bounds = array<i64: 1, 256>}, {pipeline_mode = #tpu.pipeline_mode<synchronous>, transform_indices = @transform_7, window_bounds = array<i64: 1, 256>}, {pipeline_mode = #tpu.pipeline_mode<synchronous>, transform_indices = @transform_8, window_bounds = array<i64: 256, 2>}, {transform_indices = @transform_9, window_bounds = array<i64: 1000, 256>}, {transform_indices = @transform_10, window_bounds = array<i64: 1, 2, 1000>}]} {
    %eq3A = arith.constant 0 : i32
    %eq3A_0 = arith.cmpi eq, %arg0, %eq3A : i32
    %convert_element_type3A = arith.extui %eq3A_0 : i1 to i32
    %cond3A = arith.constant 0 : i32
    %cond3A_1 = arith.cmpi ne, %convert_element_type3A, %cond3A : i32
    scf.if %cond3A_1 {
      %eq3A_7 = arith.constant 0 : i32
      %eq3A_8 = arith.cmpi eq, %arg1, %eq3A_7 : i32
      %convert_element_type3A_9 = arith.extui %eq3A_8 : i1 to i32
      %cond3A_10 = arith.constant 0 : i32
      %cond3A_11 = arith.cmpi ne, %convert_element_type3A_9, %cond3A_10 : i32
      scf.if %cond3A_11 {
        %broadcast_in_dim3A_65 = arith.constant 0.000000e+00 : f32
        %broadcast_in_dim3A_66 = vector.broadcast %broadcast_in_dim3A_65 : f32 to vector<1x256xf32>
        %swap3A_67 = arith.constant 0 : index
        %swap3A_68 = arith.constant 0 : index
        %swap3A_69 = vector.load %arg14[%swap3A_67, %swap3A_68] : memref<1x256xf32, #tpu.memory_space<vmem>>, vector<1x256xf32>
        tpu.vector_store %arg14[%swap3A_67, %swap3A_68], %broadcast_in_dim3A_66 {strides = array<i32>} : memref<1x256xf32, #tpu.memory_space<vmem>>, vector<1x256xf32>,
        %broadcast_in_dim3A_70 = arith.constant 0.000000e+00 : f32
        %broadcast_in_dim3A_71 = vector.broadcast %broadcast_in_dim3A_70 : f32 to vector<1x256xf32>
        %swap3A_72 = arith.constant 0 : index
        %swap3A_73 = arith.constant 0 : index
        %swap3A_74 = vector.load %arg15[%swap3A_72, %swap3A_73] : memref<1x256xf32, #tpu.memory_space<vmem>>, vector<1x256xf32>
        tpu.vector_store %arg15[%swap3A_72, %swap3A_73], %broadcast_in_dim3A_71 {strides = array<i32>} : memref<1x256xf32, #tpu.memory_space<vmem>>, vector<1x256xf32>,
      } else {
      }
      %get3A = arith.constant 0 : index
      %get3A_12 = arith.constant 0 : index
      %get3A_13 = vector.load %arg2[%get3A, %get3A_12] : memref<1000x256xf32, #tpu.memory_space<vmem>>, vector<1000x256xf32>
      %get3A_14 = arith.constant 0 : index
      %get3A_15 = arith.constant 0 : index
      %get3A_16 = vector.load %arg5[%get3A_14, %get3A_15] : memref<256x256xf32, #tpu.memory_space<vmem>>, vector<256x256xf32>
      %dot_general3A = arith.constant dense<0.000000e+00> : vector<1000x256xf32>
      %dot_general3A_17 = tpu.matmul %get3A_13, %get3A_16, %dot_general3A {dimension_numbers = #tpu.dot_dimension_numbers<[1], [0], [0], [1], [0, 0, 1, 1], [], []>, transpose_lhs_hint = false} : vector<1000x256xf32>, vector<256x256xf32>, vector<1000x256xf32> -> vector<1000x256xf32>
      %get3A_18 = arith.constant 0 : index
      %get3A_19 = arith.constant 0 : index
      %get3A_20 = arith.constant 0 : index
      %get3A_21 = vector.load %arg3[%get3A_18, %get3A_19, %get3A_20] : memref<1x2x1000xf32, #tpu.memory_space<vmem>>, vector<1x2x1000xf32>
      %get3A_22 = arith.constant 0 : index
      %get3A_23 = arith.constant 0 : index
      %get3A_24 = arith.constant 0 : index
      %get3A_25 = vector.load %arg4[%get3A_22, %get3A_23, %get3A_24] : memref<1x2x1000xf32, #tpu.memory_space<vmem>>, vector<1x2x1000xf32>
      %get3A_26 = arith.constant 0 : index
      %get3A_27 = arith.constant 0 : index
      %get3A_28 = vector.load %arg6[%get3A_26, %get3A_27] : memref<2x256xf32, #tpu.memory_space<vmem>>, vector<2x256xf32>
      %squeeze3A = vector.shape_cast %get3A_21 : vector<1x2x1000xf32> to vector<2x1000xf32>
      %squeeze3A_29 = vector.shape_cast %get3A_25 : vector<1x2x1000xf32> to vector<2x1000xf32>
      %slice3A = vector.extract_strided_slice %squeeze3A_29 {offsets = [0, 0], sizes = [1, 1000], strides = [1, 1]} : vector<2x1000xf32> to vector<1x1000xf32>
      %max3A = arith.constant 1.000000e+00 : f32
      %max3A_30 = vector.broadcast %max3A : f32 to vector<1x1000xf32>
      %max3A_31 = arith.maximumf %slice3A, %max3A_30 : vector<1x1000xf32>
      %div3A = arith.constant 1.000000e+00 : f32
      %div3A_32 = vector.broadcast %div3A : f32 to vector<1x1000xf32>
      %div3A_33 = arith.divf %div3A_32, %max3A_31 : vector<1x1000xf32>
      %mul3A = vector.broadcast %div3A_33 : vector<1x1000xf32> to vector<2x1000xf32>
      %mul3A_34 = arith.mulf %squeeze3A, %mul3A : vector<2x1000xf32>
      %dot_general3A_35 = arith.constant dense<0.000000e+00> : vector<1000x256xf32>
      %dot_general3A_36 = tpu.matmul %mul3A_34, %get3A_28, %dot_general3A_35 {dimension_numbers = #tpu.dot_dimension_numbers<[0], [0], [1], [1], [0, 1, 1, 1], [], []>, transpose_lhs_hint = false} : vector<2x1000xf32>, vector<2x256xf32>, vector<1000x256xf32> -> vector<1000x256xf32>
      %add3A = arith.addf %dot_general3A_17, %dot_general3A_36 : vector<1000x256xf32>
      %get3A_37 = arith.constant 0 : index
      %get3A_38 = arith.constant 0 : index
      %get3A_39 = vector.load %arg7[%get3A_37, %get3A_38] : memref<1x256xf32, #tpu.memory_space<vmem>>, vector<1x256xf32>
      %add3A_40 = vector.broadcast %get3A_39 : vector<1x256xf32> to vector<1000x256xf32>
      %add3A_41 = arith.addf %add3A, %add3A_40 : vector<1000x256xf32>
      %mul3A_42 = arith.constant 1000 : i32
      %mul3A_43 = arith.muli %arg1, %mul3A_42 : i32
      %swap3A = arith.index_cast %mul3A_43 : i32 to index
      %swap3A_44 = arith.constant 0 : index
      %swap3A_45 = vector.load %arg13[%swap3A, %swap3A_44] : memref<10000x256xf32, #tpu.memory_space<vmem>>, vector<1000x256xf32>
      tpu.vector_store %arg13[%swap3A, %swap3A_44], %add3A_41 {strides = array<i32>} : memref<10000x256xf32, #tpu.memory_space<vmem>>, vector<1000x256xf32>,
      %get3A_46 = arith.constant 0 : index
      %get3A_47 = arith.constant 0 : index
      %get3A_48 = vector.load %arg14[%get3A_46, %get3A_47] : memref<1x256xf32, #tpu.memory_space<vmem>>, vector<1x256xf32>
      %reduce_sum3A = arith.constant dense<0.000000e+00> : vector<256xf32>
      %reduce_sum3A_49 = vector.multi_reduction <add>, %add3A_41, %reduce_sum3A [0] : vector<1000x256xf32> to vector<256xf32>
      %broadcast_in_dim3A = vector.shape_cast %reduce_sum3A_49 : vector<256xf32> to vector<1x256xf32>
      %add3A_50 = arith.addf %get3A_48, %broadcast_in_dim3A : vector<1x256xf32>
      %swap3A_51 = arith.constant 0 : index
      %swap3A_52 = arith.constant 0 : index
      %swap3A_53 = vector.load %arg14[%swap3A_51, %swap3A_52] : memref<1x256xf32, #tpu.memory_space<vmem>>, vector<1x256xf32>
      tpu.vector_store %arg14[%swap3A_51, %swap3A_52], %add3A_50 {strides = array<i32>} : memref<1x256xf32, #tpu.memory_space<vmem>>, vector<1x256xf32>,
      %get3A_54 = arith.constant 0 : index
      %get3A_55 = arith.constant 0 : index
      %get3A_56 = vector.load %arg15[%get3A_54, %get3A_55] : memref<1x256xf32, #tpu.memory_space<vmem>>, vector<1x256xf32>
      %mul3A_57 = arith.mulf %add3A_41, %add3A_41 : vector<1000x256xf32>
      %reduce_sum3A_58 = arith.constant dense<0.000000e+00> : vector<256xf32>
      %reduce_sum3A_59 = vector.multi_reduction <add>, %mul3A_57, %reduce_sum3A_58 [0] : vector<1000x256xf32> to vector<256xf32>
      %broadcast_in_dim3A_60 = vector.shape_cast %reduce_sum3A_59 : vector<256xf32> to vector<1x256xf32>
      %add3A_61 = arith.addf %get3A_56, %broadcast_in_dim3A_60 : vector<1x256xf32>
      %swap3A_62 = arith.constant 0 : index
      %swap3A_63 = arith.constant 0 : index
      %swap3A_64 = vector.load %arg15[%swap3A_62, %swap3A_63] : memref<1x256xf32, #tpu.memory_space<vmem>>, vector<1x256xf32>
      tpu.vector_store %arg15[%swap3A_62, %swap3A_63], %add3A_61 {strides = array<i32>} : memref<1x256xf32, #tpu.memory_space<vmem>>, vector<1x256xf32>,
    } else {
    }
    %eq3A_2 = arith.constant 1 : i32
    %eq3A_3 = arith.cmpi eq, %arg0, %eq3A_2 : i32
    %convert_element_type3A_4 = arith.extui %eq3A_3 : i1 to i32
    %cond3A_5 = arith.constant 0 : i32
    %cond3A_6 = arith.cmpi ne, %convert_element_type3A_4, %cond3A_5 : i32
    scf.if %cond3A_6 {
      %mul3A = arith.constant 1000 : i32
      %mul3A_7 = arith.muli %arg1, %mul3A : i32
      %get3A = arith.index_cast %mul3A_7 : i32 to index
      %get3A_8 = arith.constant 0 : index
      %get3A_9 = vector.load %arg13[%get3A, %get3A_8] : memref<10000x256xf32, #tpu.memory_space<vmem>>, vector<1000x256xf32>
      %get3A_10 = arith.constant 0 : index
      %get3A_11 = arith.constant 0 : index
      %get3A_12 = vector.load %arg14[%get3A_10, %get3A_11] : memref<1x256xf32, #tpu.memory_space<vmem>>, vector<1x256xf32>
      %mul3A_13 = arith.constant 9.99999974E-5 : f32
      %mul3A_14 = vector.broadcast %mul3A_13 : f32 to vector<1x256xf32>
      %mul3A_15 = arith.mulf %get3A_12, %mul3A_14 : vector<1x256xf32>
      %get3A_16 = arith.constant 0 : index
      %get3A_17 = arith.constant 0 : index
      %get3A_18 = vector.load %arg15[%get3A_16, %get3A_17] : memref<1x256xf32, #tpu.memory_space<vmem>>, vector<1x256xf32>
      %mul3A_19 = arith.constant 9.99999974E-5 : f32
      %mul3A_20 = vector.broadcast %mul3A_19 : f32 to vector<1x256xf32>
      %mul3A_21 = arith.mulf %get3A_18, %mul3A_20 : vector<1x256xf32>
      %mul3A_22 = arith.mulf %mul3A_15, %mul3A_15 : vector<1x256xf32>
      %sub3A = arith.subf %mul3A_21, %mul3A_22 : vector<1x256xf32>
      %get3A_23 = arith.constant 0 : index
      %get3A_24 = arith.constant 0 : index
      %get3A_25 = vector.load %arg8[%get3A_23, %get3A_24] : memref<1x256xf32, #tpu.memory_space<vmem>>, vector<1x256xf32>
      %add3A = arith.constant 9.99999974E-6 : f32
      %add3A_26 = vector.broadcast %add3A : f32 to vector<1x256xf32>
      %add3A_27 = arith.addf %sub3A, %add3A_26 : vector<1x256xf32>
      %rsqrt3A = math.rsqrt %add3A_27 : vector<1x256xf32>
      %mul3A_28 = arith.mulf %get3A_25, %rsqrt3A : vector<1x256xf32>
      %get3A_29 = arith.constant 0 : index
      %get3A_30 = arith.constant 0 : index
      %get3A_31 = vector.load %arg9[%get3A_29, %get3A_30] : memref<1x256xf32, #tpu.memory_space<vmem>>, vector<1x256xf32>
      %mul3A_32 = arith.mulf %mul3A_15, %mul3A_28 : vector<1x256xf32>
      %sub3A_33 = arith.subf %get3A_31, %mul3A_32 : vector<1x256xf32>
      %mul3A_34 = vector.broadcast %mul3A_28 : vector<1x256xf32> to vector<1000x256xf32>
      %mul3A_35 = arith.mulf %get3A_9, %mul3A_34 : vector<1000x256xf32>
      %add3A_36 = vector.broadcast %sub3A_33 : vector<1x256xf32> to vector<1000x256xf32>
      %add3A_37 = arith.addf %mul3A_35, %add3A_36 : vector<1000x256xf32>
      %max3A = arith.constant 0.000000e+00 : f32
      %max3A_38 = vector.broadcast %max3A : f32 to vector<1000x256xf32>
      %max3A_39 = arith.maximumf %add3A_37, %max3A_38 : vector<1000x256xf32>
      %swap3A = arith.constant 0 : index
      %swap3A_40 = arith.constant 0 : index
      %swap3A_41 = vector.load %arg11[%swap3A, %swap3A_40] : memref<1000x256xf32, #tpu.memory_space<vmem>>, vector<1000x256xf32>
      tpu.vector_store %arg11[%swap3A, %swap3A_40], %max3A_39 {strides = array<i32>} : memref<1000x256xf32, #tpu.memory_space<vmem>>, vector<1000x256xf32>,
      %get3A_42 = arith.constant 0 : index
      %get3A_43 = arith.constant 0 : index
      %get3A_44 = vector.load %arg10[%get3A_42, %get3A_43] : memref<256x2xf32, #tpu.memory_space<vmem>>, vector<256x2xf32>
      %dot_general3A = arith.constant dense<0.000000e+00> : vector<2x1000xf32>
      %dot_general3A_45 = tpu.matmul %get3A_44, %max3A_39, %dot_general3A {dimension_numbers = #tpu.dot_dimension_numbers<[0], [1], [1], [0], [0, 1, 1, 0], [], []>, transpose_lhs_hint = false} : vector<256x2xf32>, vector<1000x256xf32>, vector<2x1000xf32> -> vector<2x1000xf32>
      %reshape3A = vector.shape_cast %dot_general3A_45 : vector<2x1000xf32> to vector<1x2x1000xf32>
      %swap3A_46 = arith.constant 0 : index
      %swap3A_47 = arith.constant 0 : index
      %swap3A_48 = arith.constant 0 : index
      %swap3A_49 = vector.load %arg12[%swap3A_46, %swap3A_47, %swap3A_48] : memref<1x2x1000xf32, #tpu.memory_space<vmem>>, vector<1x2x1000xf32>
      tpu.vector_store %arg12[%swap3A_46, %swap3A_47, %swap3A_48], %reshape3A {strides = array<i32>} : memref<1x2x1000xf32, #tpu.memory_space<vmem>>, vector<1x2x1000xf32>,
    } else {
    }
    return
  }
  func.func @transform_0(%arg0: i32, %arg1: i32) -> (i32, i32) {
    %eq3A = arith.constant 0 : i32
    %eq3A_0 = arith.cmpi eq, %arg0, %eq3A : i32
    %jit3A = arith.constant 0 : i32
    %select_n3A = arith.select %eq3A_0, %arg1, %jit3A : i32
    %c0_i32 = arith.constant 0 : i32
    %c0_i32_1 = arith.constant 0 : i32
    return %select_n3A, %c0_i32 : i32, i32
  }
  func.func @transform_1(%arg0: i32, %arg1: i32) -> (i32, i32, i32) {
    %eq3A = arith.constant 0 : i32
    %eq3A_0 = arith.cmpi eq, %arg0, %eq3A : i32
    %jit3A = arith.constant 0 : i32
    %select_n3A = arith.select %eq3A_0, %arg1, %jit3A : i32
    %c0_i32 = arith.constant 0 : i32
    %c0_i32_1 = arith.constant 0 : i32
    %c0_i32_2 = arith.constant 0 : i32
    return %select_n3A, %c0_i32, %c0_i32_1 : i32, i32, i32
  }
  func.func @transform_2(%arg0: i32, %arg1: i32) -> (i32, i32, i32) {
    %eq3A = arith.constant 0 : i32
    %eq3A_0 = arith.cmpi eq, %arg0, %eq3A : i32
    %jit3A = arith.constant 0 : i32
    %select_n3A = arith.select %eq3A_0, %arg1, %jit3A : i32
    %c0_i32 = arith.constant 0 : i32
    %c0_i32_1 = arith.constant 0 : i32
    %c0_i32_2 = arith.constant 0 : i32
    return %select_n3A, %c0_i32, %c0_i32_1 : i32, i32, i32
  }
  func.func @transform_3(%arg0: i32, %arg1: i32) -> (i32, i32) {
    %c0_i32 = arith.constant 0 : i32
    %c0_i32_0 = arith.constant 0 : i32
    %c0_i32_1 = arith.constant 0 : i32
    return %c0_i32, %c0_i32_0 : i32, i32
  }
  func.func @transform_4(%arg0: i32, %arg1: i32) -> (i32, i32) {
    %c0_i32 = arith.constant 0 : i32
    %c0_i32_0 = arith.constant 0 : i32
    %c0_i32_1 = arith.constant 0 : i32
    return %c0_i32, %c0_i32_0 : i32, i32
  }
  func.func @transform_5(%arg0: i32, %arg1: i32) -> (i32, i32) {
    %c0_i32 = arith.constant 0 : i32
    %c0_i32_0 = arith.constant 0 : i32
    %c0_i32_1 = arith.constant 0 : i32
    return %c0_i32, %c0_i32_0 : i32, i32
  }
  func.func @transform_6(%arg0: i32, %arg1: i32) -> (i32, i32) {
    %c0_i32 = arith.constant 0 : i32
    %c0_i32_0 = arith.constant 0 : i32
    %c0_i32_1 = arith.constant 0 : i32
    return %c0_i32, %c0_i32_0 : i32, i32
  }
  func.func @transform_7(%arg0: i32, %arg1: i32) -> (i32, i32) {
    %c0_i32 = arith.constant 0 : i32
    %c0_i32_0 = arith.constant 0 : i32
    %c0_i32_1 = arith.constant 0 : i32
    return %c0_i32, %c0_i32_0 : i32, i32
  }
  func.func @transform_8(%arg0: i32, %arg1: i32) -> (i32, i32) {
    %c0_i32 = arith.constant 0 : i32
    %c0_i32_0 = arith.constant 0 : i32
    %c0_i32_1 = arith.constant 0 : i32
    return %c0_i32, %c0_i32_0 : i32, i32
  }
  func.func @transform_9(%arg0: i32, %arg1: i32) -> (i32, i32) {
    %eq3A = arith.constant 1 : i32
    %eq3A_0 = arith.cmpi eq, %arg0, %eq3A : i32
    %jit3A = arith.constant 0 : i32
    %select_n3A = arith.select %eq3A_0, %arg1, %jit3A : i32
    %c0_i32 = arith.constant 0 : i32
    %c0_i32_1 = arith.constant 0 : i32
    return %select_n3A, %c0_i32 : i32, i32
  }
  func.func @transform_10(%arg0: i32, %arg1: i32) -> (i32, i32, i32) {
    %eq3A = arith.constant 1 : i32
    %eq3A_0 = arith.cmpi eq, %arg0, %eq3A : i32
    %jit3A = arith.constant 0 : i32
    %select_n3A = arith.select %eq3A_0, %arg1, %jit3A : i32
    %c0_i32 = arith.constant 0 : i32
    %c0_i32_1 = arith.constant 0 : i32
    %c0_i32_2 = arith.constant 0 : i32
    return %select_n3A, %c0_i32, %c0_i32_1 : i32, i32, i32
  }
}

module attributes {stable_mosaic.version = 14 : i64} {
  func.func @body(%arg0: i32, %arg1: memref<1000x256xf32, #tpu.memory_space<vmem>>, %arg2: memref<1x2x1000xf32, #tpu.memory_space<vmem>>, %arg3: memref<1x2x1000xf32, #tpu.memory_space<vmem>>, %arg4: memref<256x128xf32, #tpu.memory_space<vmem>>, %arg5: memref<2x128xf32, #tpu.memory_space<vmem>>, %arg6: memref<1x128xf32, #tpu.memory_space<vmem>>, %arg7: memref<1000x128xf32, #tpu.memory_space<vmem>>) attributes {dimension_semantics = [#tpu.dimension_semantics<arbitrary>], iteration_bounds = array<i64: 10>, scalar_prefetch = 0 : i64, scratch_operands = 0 : i64, tpu.core_type = #tpu.core_type<tc>, window_params = [{transform_indices = @transform_0, window_bounds = array<i64: 1000, 256>}, {transform_indices = @transform_1, window_bounds = array<i64: 1, 2, 1000>}, {transform_indices = @transform_2, window_bounds = array<i64: 1, 2, 1000>}, {pipeline_mode = #tpu.pipeline_mode<synchronous>, transform_indices = @transform_3, window_bounds = array<i64: 256, 128>}, {pipeline_mode = #tpu.pipeline_mode<synchronous>, transform_indices = @transform_4, window_bounds = array<i64: 2, 128>}, {pipeline_mode = #tpu.pipeline_mode<synchronous>, transform_indices = @transform_5, window_bounds = array<i64: 1, 128>}, {transform_indices = @transform_6, window_bounds = array<i64: 1000, 128>}]} {
    %get3A = arith.constant 0 : index
    %get3A_0 = arith.constant 0 : index
    %get3A_1 = vector.load %arg1[%get3A, %get3A_0] : memref<1000x256xf32, #tpu.memory_space<vmem>>, vector<1000x256xf32>
    %get3A_2 = arith.constant 0 : index
    %get3A_3 = arith.constant 0 : index
    %get3A_4 = vector.load %arg4[%get3A_2, %get3A_3] : memref<256x128xf32, #tpu.memory_space<vmem>>, vector<256x128xf32>
    %dot_general3A = arith.constant dense<0.000000e+00> : vector<1000x128xf32>
    %dot_general3A_5 = tpu.matmul %get3A_1, %get3A_4, %dot_general3A {dimension_numbers = #tpu.dot_dimension_numbers<[1], [0], [0], [1], [0, 0, 1, 1], [], []>, transpose_lhs_hint = false} : vector<1000x256xf32>, vector<256x128xf32>, vector<1000x128xf32> -> vector<1000x128xf32>
    %get3A_6 = arith.constant 0 : index
    %get3A_7 = arith.constant 0 : index
    %get3A_8 = arith.constant 0 : index
    %get3A_9 = vector.load %arg2[%get3A_6, %get3A_7, %get3A_8] : memref<1x2x1000xf32, #tpu.memory_space<vmem>>, vector<1x2x1000xf32>
    %get3A_10 = arith.constant 0 : index
    %get3A_11 = arith.constant 0 : index
    %get3A_12 = arith.constant 0 : index
    %get3A_13 = vector.load %arg3[%get3A_10, %get3A_11, %get3A_12] : memref<1x2x1000xf32, #tpu.memory_space<vmem>>, vector<1x2x1000xf32>
    %get3A_14 = arith.constant 0 : index
    %get3A_15 = arith.constant 0 : index
    %get3A_16 = vector.load %arg5[%get3A_14, %get3A_15] : memref<2x128xf32, #tpu.memory_space<vmem>>, vector<2x128xf32>
    %squeeze3A = vector.shape_cast %get3A_9 : vector<1x2x1000xf32> to vector<2x1000xf32>
    %squeeze3A_17 = vector.shape_cast %get3A_13 : vector<1x2x1000xf32> to vector<2x1000xf32>
    %slice3A = vector.extract_strided_slice %squeeze3A_17 {offsets = [0, 0], sizes = [1, 1000], strides = [1, 1]} : vector<2x1000xf32> to vector<1x1000xf32>
    %max3A = arith.constant 1.000000e+00 : f32
    %max3A_18 = vector.broadcast %max3A : f32 to vector<1x1000xf32>
    %max3A_19 = arith.maximumf %slice3A, %max3A_18 : vector<1x1000xf32>
    %div3A = arith.constant 1.000000e+00 : f32
    %div3A_20 = vector.broadcast %div3A : f32 to vector<1x1000xf32>
    %div3A_21 = arith.divf %div3A_20, %max3A_19 : vector<1x1000xf32>
    %mul3A = vector.broadcast %div3A_21 : vector<1x1000xf32> to vector<2x1000xf32>
    %mul3A_22 = arith.mulf %squeeze3A, %mul3A : vector<2x1000xf32>
    %dot_general3A_23 = arith.constant dense<0.000000e+00> : vector<1000x128xf32>
    %dot_general3A_24 = tpu.matmul %mul3A_22, %get3A_16, %dot_general3A_23 {dimension_numbers = #tpu.dot_dimension_numbers<[0], [0], [1], [1], [0, 1, 1, 1], [], []>, transpose_lhs_hint = false} : vector<2x1000xf32>, vector<2x128xf32>, vector<1000x128xf32> -> vector<1000x128xf32>
    %add3A = arith.addf %dot_general3A_5, %dot_general3A_24 : vector<1000x128xf32>
    %get3A_25 = arith.constant 0 : index
    %get3A_26 = arith.constant 0 : index
    %get3A_27 = vector.load %arg6[%get3A_25, %get3A_26] : memref<1x128xf32, #tpu.memory_space<vmem>>, vector<1x128xf32>
    %add3A_28 = vector.broadcast %get3A_27 : vector<1x128xf32> to vector<1000x128xf32>
    %add3A_29 = arith.addf %add3A, %add3A_28 : vector<1000x128xf32>
    %swap3A = arith.constant 0 : index
    %swap3A_30 = arith.constant 0 : index
    %swap3A_31 = vector.load %arg7[%swap3A, %swap3A_30] : memref<1000x128xf32, #tpu.memory_space<vmem>>, vector<1000x128xf32>
    tpu.vector_store %arg7[%swap3A, %swap3A_30], %add3A_29 {strides = array<i32>} : memref<1000x128xf32, #tpu.memory_space<vmem>>, vector<1000x128xf32>,
    return
  }
  func.func @transform_0(%arg0: i32) -> (i32, i32) {
    %c0_i32 = arith.constant 0 : i32
    %c0_i32_0 = arith.constant 0 : i32
    return %arg0, %c0_i32 : i32, i32
  }
  func.func @transform_1(%arg0: i32) -> (i32, i32, i32) {
    %c0_i32 = arith.constant 0 : i32
    %c0_i32_0 = arith.constant 0 : i32
    %c0_i32_1 = arith.constant 0 : i32
    return %arg0, %c0_i32, %c0_i32_0 : i32, i32, i32
  }
  func.func @transform_2(%arg0: i32) -> (i32, i32, i32) {
    %c0_i32 = arith.constant 0 : i32
    %c0_i32_0 = arith.constant 0 : i32
    %c0_i32_1 = arith.constant 0 : i32
    return %arg0, %c0_i32, %c0_i32_0 : i32, i32, i32
  }
  func.func @transform_3(%arg0: i32) -> (i32, i32) {
    %c0_i32 = arith.constant 0 : i32
    %c0_i32_0 = arith.constant 0 : i32
    %c0_i32_1 = arith.constant 0 : i32
    return %c0_i32, %c0_i32_0 : i32, i32
  }
  func.func @transform_4(%arg0: i32) -> (i32, i32) {
    %c0_i32 = arith.constant 0 : i32
    %c0_i32_0 = arith.constant 0 : i32
    %c0_i32_1 = arith.constant 0 : i32
    return %c0_i32, %c0_i32_0 : i32, i32
  }
  func.func @transform_5(%arg0: i32) -> (i32, i32) {
    %c0_i32 = arith.constant 0 : i32
    %c0_i32_0 = arith.constant 0 : i32
    %c0_i32_1 = arith.constant 0 : i32
    return %c0_i32, %c0_i32_0 : i32, i32
  }
  func.func @transform_6(%arg0: i32) -> (i32, i32) {
    %c0_i32 = arith.constant 0 : i32
    %c0_i32_0 = arith.constant 0 : i32
    return %arg0, %c0_i32 : i32, i32
  }
}

</mosaic_0001>

<sc_bundles>
// kernel: kernel.21.cloned.1.call-start
scs
__scs_entry_jumppad:
0x0: {  	(pc) =	sbr.rel $0x88, $3  }
0x1: {  	(tag) =	ssettag $0x0;
	lr =	simm.s32 $0x1  }
0x2: {  	[smem:$0x3F89] =	sst lr;
	_ =	strace $0xD0000000  }
0x3: {  	_ = 	snop  }
0x4: {  	_ = 	snop  }
0x5: {  	_ = 	snop  }
0x6: {  	_ = 	snop  }
0x7: {  	_ = 	snop  }
__scs_overlays_trampoline_lowered:
0x8: {  	[smem:$0x3F98] =	sst s0  }
0x9: {  	[smem:$0x3F99] =	sst s1  }
0xa: {  	[smem:$0x3F9A] =	sst s2  }
0xb: {  	[smem:$0x3F9B] =	sst s3  }
0xc: {  	[smem:$0x3F9C] =	sst s4  }
0xd: {  	[smem:$0x3F9D] =	sst s5  }
0xe: {  	[smem:$0x3F9E] =	sst s6  }
0xf: {  	[smem:$0x3F9F] =	sst s7  }
0x10: {  	[smem:$0x3FA0] =	sst s8  }
0x11: {  	[smem:$0x3FA1] =	sst s9;
	s0 =	simm.s32 @!p0 $0x0  }
0x12: {  	s1 =	sld [smem:$0x3F87];
	s0 =	simm.s32 @p0 $0x1  }
0x13: {  	[smem:$0x3FA2] =	sst s0;
	s0 =	simm.s32 @!p1 $0x0  }
0x14: {  	s2 =	sld [smem:$0x3F86];
	s0 =	simm.s32 @p1 $0x1  }
0x15: {  	[smem:$0x3FA3] =	sst s0;
	s0 =	simm.s32 @!p2 $0x0  }
0x16: {  	s3 =	sld [smem:$0x3FDB];
	s0 =	simm.s32 @p2 $0x1  }
0x17: {  	s4 =	simm.s32 $0x1BF5;
	[smem:$0x3FA5] =	sst s0  }
0x18: {  	s0 =	sld [smem:$0x3F88];
	_ =	swait.ge [sflag:s4], $0x0  }
0x19: {  	s7 =	sld [smem:$0x3F89]  }
0x1a: {  	s8 =	sadd.s32 $0xFFFFE003, lr  }
0x1b: {  	s9 =	sadd.s32 $0xFFFFFEF7, lr;
	s5 =	simm.s32 $0xFFFFFFFF;
	p2 =	slt.u32 s8, $0xFFFFF086  }
0x1c: {  	p1 =	slt.u32 s9, $0xF7A;
	s5 =	simm.s32 @!p2 $0x0  }
0x1d: {  	s5 =	simm.s32 @p1 $0x1;
	p0 =	seq.s32 s7, s2  }
0x1e: {  	s7 =	smul.u32 @!p0 $0xF7A, s2;
	p2 =	seq.s32 @!p0 s5, $0x0  }
0x1f: {  	s9 =	smul.u32 $0xF7A, s1;
	s8 =	simm.s32 @!p0 $0x1BF5;
	p2 =	por !p2, p0  }
0x20: {  	[sflag:s8] =	ssyncset.s32 @!p0 $0xFFFFF086;
	s6 =	sadd.s32 @!p0 s3, s7;
	s7 =	simm.s32 @!p0 $0x108  }
0x21: {  	s3 =	sadd.s32 s3, s9;
	s6 =	sadd.s32 @!p0 $0x88, s6;
	s7 =	simm.s32 @p2 $0x1082  }
0x22: {  	[simem:s7], [sflag:s8] =	dma.local @!p0 [hbm:s6], $0xF7A  }
0x23: {  	s9 =	sor.u32 $0xD0000000, s2;
	s6 =	simm.s32 $0x108;
	_ =	swait.ge @!p0 [sflag:s8], $0x0  }
0x24: {  	s3 =	sadd.s32 $0x88, s3;
	s6 =	simm.s32 @!p1 $0x1082;
	[sflag:s4] =	ssyncset.s32 $0xFFFFF086  }
0x25: {  	[simem:s6], [sflag:s4] =	dma.local [hbm:s3], $0xF7A  }
0x26: {  	[smem:$0x3F89] =	sst s1;
	(tag) =	ssettag s2;
	_ =	strace s9  }
0x27: {  	s1 =	sld [smem:$0x3F99]  }
0x28: {  	s2 =	sld [smem:$0x3F9A]  }
0x29: {  	s4 =	sld [smem:$0x3F9C]  }
0x2a: {  	p0 =	seq.s32 s5, $0x0;
	s5 =	sld [smem:$0x3F9D]  }
0x2b: {  	s6 =	sld [smem:$0x3F9E]  }
0x2c: {  	s7 =	sld [smem:$0x3F9F]  }
0x2d: {  	s3 =	simm.s32 $0x108;
	s8 =	sld [smem:$0x3FA0]  }
0x2e: {  	s3 =	simm.s32 @!p0 $0x1082;
	s9 =	sld [smem:$0x3FA1]  }
0x2f: {  	lr =	sadd.s32 s0, s3;
	s0 =	sld [smem:$0x3F98]  }
0x30: {  	s3 =	sld [smem:$0x3F9B]  }
0x31: {  	[smem:$0x3FA4] =	sst s10  }
0x32: {  	s10 =	sld [smem:$0x3FA2];
	_ =	sdelay $0x3  }
0x33: {  	p0 =	seq.s32 s10, $0x1;
	s10 =	sld [smem:$0x3FA4];
	_ =	sdelay $0x3  }
0x34: {  	[smem:$0x3FA4] =	sst s10  }
0x35: {  	s10 =	sld [smem:$0x3FA3];
	_ =	sdelay $0x3  }
0x36: {  	p1 =	seq.s32 s10, $0x1;
	s10 =	sld [smem:$0x3FA4];
	_ =	sdelay $0x3  }
0x37: {  	[smem:$0x3FA4] =	sst s10  }
0x38: {  	s10 =	sld [smem:$0x3FA5]  }
0x39: {  	_ = 	snop;
	(pc) =	sbr.ind lr, $3  }
0x3a: {  	_ = 	snop  }
0x3b: {  	_ = 	snop  }
0x3c: {  	p2 =	seq.s32 s10, $0x1;
	s10 =	sld [smem:$0x3FA4]  }
0x3d: {  	_ =	shalt  }
0x3e: {  	_ =	shalt  }
0x3f: {  	_ =	shalt  }
0x40: {  	_ =	shalt  }
0x41: {  	_ =	shalt  }
0x42: {  	_ =	shalt  }
0x43: {  	_ =	shalt  }
0x44: {  	_ =	shalt  }
0x45: {  	_ =	shalt  }
0x46: {  	_ =	shalt  }
0x47: {  	_ =	shalt  }
0x48: {  	_ =	shalt  }
0x49: {  	_ =	shalt  }
0x4a: {  	_ =	shalt  }
0x4b: {  	_ =	shalt  }
0x4c: {  	_ =	shalt  }
0x4d: {  	_ =	shalt  }
0x4e: {  	_ =	shalt  }
0x4f: {  	_ =	shalt  }
0x50: {  	_ =	shalt  }
0x51: {  	_ =	shalt  }
0x52: {  	_ =	shalt  }
0x53: {  	_ =	shalt  }
0x54: {  	_ =	shalt  }
0x55: {  	_ =	shalt  }
0x56: {  	_ =	shalt  }
0x57: {  	_ =	shalt  }
0x58: {  	_ =	shalt  }
0x59: {  	_ =	shalt  }
0x5a: {  	_ =	shalt  }
0x5b: {  	_ =	shalt  }
0x5c: {  	_ =	shalt  }
0x5d: {  	_ =	shalt  }
0x5e: {  	_ =	shalt  }
0x5f: {  	_ =	shalt  }
0x60: {  	_ =	shalt  }
0x61: {  	_ =	shalt  }
0x62: {  	_ =	shalt  }
0x63: {  	_ =	shalt  }
0x64: {  	_ =	shalt  }
0x65: {  	_ =	shalt  }
0x66: {  	_ =	shalt  }
0x67: {  	_ =	shalt  }
0x68: {  	_ =	shalt  }
0x69: {  	_ =	shalt  }
0x6a: {  	_ =	shalt  }
0x6b: {  	_ =	shalt  }
0x6c: {  	_ =	shalt  }
0x6d: {  	_ =	shalt  }
0x6e: {  	_ =	shalt  }
0x6f: {  	_ =	shalt  }
0x70: {  	_ =	shalt  }
0x71: {  	_ =	shalt  }
0x72: {  	_ =	shalt  }
0x73: {  	_ =	shalt  }
0x74: {  	_ =	shalt  }
0x75: {  	_ =	shalt  }
0x76: {  	_ =	shalt  }
0x77: {  	_ =	shalt  }
0x78: {  	_ =	shalt  }
0x79: {  	_ =	shalt  }
0x7a: {  	_ =	shalt  }
0x7b: {  	_ =	shalt  }
0x7c: {  	_ =	shalt  }
0x7d: {  	_ =	shalt  }
0x7e: {  	_ =	shalt  }
0x7f: {  	_ =	shalt  }
0x80: {  	_ =	shalt  }
0x81: {  	_ =	shalt  }
0x82: {  	_ =	shalt  }
0x83: {  	_ =	shalt  }
0x84: {  	_ =	shalt  }
0x85: {  	_ =	shalt  }
0x86: {  	_ =	shalt  }
0x87: {  	_ =	shalt  }
.Lfunc_end0:
.L_simem_size_0:
called_computation_lowered:
.L_overlay_start_0:
0x88: {  	s2 =	sld [smem:$0x3FD9]  }
0x89: {  	s3 =	sld [smem:$0x3FFE];
	_ =	sdelay $0x1  }
0x8a: {  	s1 =	srdreg.scid  }
0x8b: {  	s0 =	sand.u32 $0x1, s1  }
0x8c: {  	s17 =	sshll.u32 s0, $0xA;
	s2 =	sadd.s32 s3, s2  }
0x8d: {  	s2 =	sadd.s32 s2, s17  }
0x8e: {  	[smem:$0x3FB0] =	sst s2  }
0x8f: {  	_ = 	snop  }
0x90: {  	s2 =	sld [smem:$0x3FD0];
	(tm) =	ssettm $0x1  }
0x91: {  	s18 =	sld [smem:$0x3FFB];
	_ =	sdelay $0x3  }
0x92: {  	_ =	strace s18  }
0x93: {  	s3 =	sld [smem:$0x3FFC];
	_ =	sdelay $0x3  }
0x94: {  	_ =	strace s3  }
0x95: {  	s3 =	sld [smem:$0x3FFD];
	_ =	sdelay $0x3  }
0x96: {  	_ =	strace s3  }
0x97: {  	_ =	strace $0x8FFFFFFF  }
0x98: {  	s19 =	sld [smem:$0x3FDB];
	_ =	sdelay $0x1  }
0x99: {  	s4 =	simm.s32 $_scs_section_size  }
0x9a: {  	s5 =	simm.s32 $_size__tile_overlayer_lowered;
	s6 =	simm.s32 $_tile_overlayer_lowered  }
0x9b: {  	s22 =	simm.s32 $0x1BFF;
	s21 =	sshll.u32 s6, $0x1;
	s3 =	sadd.s32 s4, s19  }
0x9c: {  	s7 =	simm.s32 $0x0;
	s20 =	sshll.u32 s5, $0x1;
	s5 =	sadd.s32 s21, s3  }
0x9d: {  	[timem:s7], [sflag:s22] =	dma.local [hbm:s5], s20  }
0x9e: {  	_ =	swait.ge [sflag:s22], s20  }
0x9f: {  	s4 =	ssub.s32 $0x0, s20;
	[sflag:s22] =	ssyncset.done $0x0  }
0xa0: {  	[sflag:s22] =	ssyncadd.s32 s4;
	_ =	sdelay $0x1  }
0xa1: {  	s23 =	simm.s32 $0x1B8B  }
0xa2: {  	_ =	swait.ge [sflag:s23], $0x1  }
0xa3: {  	[sflag:s23] =	ssyncset.done $0x0  }
0xa4: {  	s25 =	simm.s32 $0x1B8E;
	s24 =	sld [smem:$0x3FFE];
	[sflag:s23] =	ssyncadd.s32 $0xFFFFFFFF  }
0xa5: {  	s26 =	simm.s32 $execute0_lowered;
	[smem:$0x3FD2] =	sst s25  }
0xa6: {  	s5 =	sshll.u32 s26, $0x1;
	_ =	strace $0x80000046;
	[dreg:$0x1] =	wrdreg $0xFFFFFFFF  }
0xa7: {  	s28 =	simm.s32 $_size_execute0_lowered;
	s3 =	sadd.s32 s3, s5;
	[dreg:$0x0] =	wrdreg $0x0  }
0xa8: {  	s5 =	sshll.u32 s28, $0x1;
	[dreg:$0x2] =	wrdreg s3  }
0xa9: {  	[dreg:$0x3] =	wrdreg s5  }
0xaa: {  	[dreg:$0x4] =	wrdreg $0xC0  }
0xab: {  	_ =	task [dreg:s7], $0x5FFFF  }
0xac: {  	[dreg:$0x1] =	wrdreg $0xFFFFFFFF  }
0xad: {  	[dreg:$0x0] =	wrdreg $0x60  }
0xae: {  	[dreg:$0x2] =	wrdreg s24  }
0xaf: {  	[dreg:$0x3] =	wrdreg s2  }
0xb0: {  	[dreg:$0x4] =	wrdreg $0x13A800  }
0xb1: {  	[dreg:$0x5] =	wrdreg $0x9  }
0xb2: {  	_ =	task.clear_ibuf [dreg:s7], $0x6FFFF;
	_ =	strace $0x90000046  }
0xb3: {  	s29 =	simm.s32 $0x9;
	_ =	strace $0x80000048  }
0xb4: {  	_ =	swait.ge [sflag:s29], $0x1  }
0xb5: {  	[sflag:s29] =	ssyncadd.s32 $0xFFFFFFFF  }
0xb6: {  	_ =	strace $0x90000048  }
0xb7: {  	_ =	sfence  }
0xb8: {  	s30 =	sld [smem:$0x0];
	_ =	sdelay $0x2  }
0xb9: {  	s31 =	sshll.u32 s1, $0xD;
	s1 =	sshrl.u32 s1, $0x2  }
0xba: {  	s3 =	sand.u32 $0x4000, s31;
	s1 =	sadd.s32 s1, s30  }
0xbb: {  	s0 =	sor.u32 s3, s0;
	s1 =	sshll.u32 s1, $0x11  }
0xbc: {  	s0 =	sor.u32 s1, s0  }
0xbd: {  	s0 =	sadd.s32 $0x8F2B, s0  }
0xbe: {  	[sflag:s0] =	ssyncadd.remote.s32 $0x1  }
0xbf: {  	_ =	sfence.sel $0xFFFF  }
0xc0: {  	[dreg:$0x0] =	wrdreg $0xFFFFFFFF;
	(pc) =	sbr.abs _section_cstart, $3  }
0xc1: {  	[dreg:$0x1] =	wrdreg $0xFFFFFFFF  }
0xc2: {  	_ =	task.clear_ibuf [dreg:s7], $0x2FFFF;
	_ =	strace $0x9FFFFFFF  }
0xc3: {  	(tm) =	ssettm $0x7FFFFFFF  }
tec
execute0_lowered:
.L_overlay_start_1:
0x0: {  	(tag) =	ssettag $0x1  }
0x1: {  	s5 =	rddreg [dreg:$0x0]  }
0x2: {  	s0 =	srdreg.scid;
	s6 =	rddreg [dreg:$0x1]  }
0x3: {  	s1 =	rddreg [dreg:$0x2];
	s8 =	stileid.u32;
	s2 =	simm.s32 $0x0  }
0x4: {  	s12 =	simm.s32 $0x1;
	s13 =	simm.s32 $0x2;
	s14 =	simm.s32 $0x3  }
0x5: {  	s15 =	simm.s32 $0x4E20;
	s16 =	simm.s32 $0xEC00;
	s17 =	simm.s32 $0x9D80  }
0x6: {  	s18 =	simm.s32 $0x4;
	s4 =	sand.u32 $0x1, s0;
	s0 =	rddreg [dreg:$0x3]  }
0x7: {  	s19 =	simm.s32 $0x0;
	[smem:$0x7FF] =	sst s2;
	s7 =	sshll.u32 s4, $0x4  }
0x8: {  	p0 =	sne.s32 s8, $0x0;
	_ =	strace $0x80000047;
	s3 =	sor.u32 s8, s7  }
0x9: {  	s10 =	ssub.s32 $0x2, s4;
	s4 =	sadd.s32 $0x4A00, s5;
	s9 =	smul.u32 $0x2710, s3  }
0xa: {  	s11 =	sshrl.u32 s10, $0x1;
	s7 =	sadd.s32 s7, s5;
	s3 =	sadd.s32 $0x5400, s5  }
0xb: {  	s10 =	ssub.s32 s10, s11;
	s7 =	sadd.s32 $0x5E00, s7;
	s9 =	sshrl.u32 s9, $0x3  }
0xc: {  	s11 =	simm.s32 $0x7600;
	s8 =	smax.u32 s10, $0x1;
	s5 =	sadd.s32 s6, s9  }
0xd: {  	s10 =	simm.s32 $0x4E80;
	s9 =	sshrl.u32 @!p0 s1, $0x3;
	s6 =	sadd.s32 $0x9C40, s5  }
.LBB2_1:
0xe: {  	s20 =	simm.s32 @!p0 $0x1C04  }
0xf: {  	[spmem:s9], [sflag:s20] =	dma.local @!p0 [hbm:s4], $0x9D0  }
0x10: {  	s20 =	simm.s32 @!p0 $0x4  }
0x11: {  	_ =	swait.ge @!p0 [sflag:s20], $0x9D0  }
0x12: {  	[sflag:s20] =	ssyncset.done @!p0 $0x0  }
0x13: {  	[sflag:s20] =	ssyncadd.s32 @!p0 $0xFFFFF630  }
0x14: {  	[tilespmem:s2], [sflag:$0x1] =	stream.linear.gather [hbm4b:s3+s2], $0x4E80, $0x38;
	[tilespmem:$0x13F68] =	vst v63  }
0x15: {  	_ = 	snop  }
0x16: {  	[tilespmem:s10], [sflag:$0x2] =	stream.linear.gather [hbm4b:s5+s2], $0x2710, $0x38;
	[tilespmem:$0x13F68] =	vst v63  }
0x17: {  	_ = 	snop  }
0x18: {  	[tilespmem:s11], [sflag:$0x3] =	stream.linear.gather [hbm4b:s6+s2], $0x2710, $0x38;
	[tilespmem:$0x13F68] =	vst v63  }
0x19: {  	_ =	swait.ge [sflag:s12], $0x4E80  }
0x1a: {  	[sflag:s12] =	ssyncset.done $0x0  }
0x1b: {  	[sflag:s12] =	ssyncadd.s32 $0xFFFFB180  }
0x1c: {  	_ =	swait.ge [sflag:s13], $0x2710  }
0x1d: {  	[sflag:s13] =	ssyncset.done $0x0  }
0x1e: {  	[sflag:s13] =	ssyncadd.s32 $0xFFFFD8F0  }
0x1f: {  	_ =	swait.ge [sflag:s14], $0x2710  }
0x20: {  	[sflag:s14] =	ssyncset.done $0x0  }
0x21: {  	s21 =	simm.s32 $0x0;
	[sflag:s14] =	ssyncadd.s32 $0xFFFFD8F0  }
0x22: {  	v0 =	vld [tilespmem:s21+$0x4E80];
	_ =	sdelay $0x5  }
0x23: {  	v1 =	vadd.s32 $0x3E8, v0  }
0x24: {  	v2 =	vld [tilespmem:s21+$0x7600]  }
0x25: {  	s20 =	simm.s32 $0x10;
	v3 =	vld.idx.msk [tilespmem:v0+s2+$0x0], $0xffff  }
0x26: {  	v0 =	vld [tilespmem:s20+$0x4E80];
	_ =	sdelay $0x1  }
0x27: {  	v1 =	vld.idx.msk [tilespmem:v1+s2+$0x0], $0xffff  }
0x28: {  	[tilespmem:s21+$0xEC00] =	vst v2;
	v2 =	vadd.s32 $0x3E8, v2  }
0x29: {  	[tilespmem:s21+$0x11310] =	vst v2  }
0x2a: {  	[tilespmem:s21+$0x9D80] =	vst v3;
	v3 =	vadd.s32 $0x3E8, v0  }
0x2b: {  	s22 =	simm.s32 $0x80;
	v2 =	vld [tilespmem:s20+$0x7600]  }
.LBB2_2:
0x2c: {  	p1 =	sne.s32 s22, $0x9C00;
	[tilespmem:s21+$0xC490] =	vst v1;
	s23 =	smov.u32 s22;
	s22 =	sadd.s32 $0x40, s22  }
0x2d: {  	s21 =	smov.u32 s20;
	v4 =	vld.idx.msk [tilespmem:v0+s2+$0x0], $0xffff;
	s20 =	sshra.s32 s23, $0x2  }
0x2e: {  	v0 =	vld [tilespmem:s20+$0x4E80]  }
0x2f: {  	v1 =	vld.idx.msk [tilespmem:v3+s2+$0x0], $0xffff  }
.Ltmp0:
0x30: {  	[tilespmem:s21+$0xEC00] =	vst v2;
	v2 =	vadd.s32 $0x3E8, v2;
	(pc) =	sbr.rel @p1 .LBB2_2-.Ltmp0, $3  }
0x31: {  	[tilespmem:s21+$0x11310] =	vst v2;
	_ =	sdelay $0x1  }
0x32: {  	v3 =	vadd.s32 $0x3E8, v0;
	[tilespmem:s21+$0x9D80] =	vst v4  }
0x33: {  	v2 =	vld [tilespmem:s20+$0x7600]  }
0x34: {  	_ =	sdelay $0x2  }
0x35: {  	[tilespmem:s21+$0xC490] =	vst v1  }
0x36: {  	v0 =	vld.idx.msk [tilespmem:v0+s2+$0x0], $0xffff  }
0x37: {  	v1 =	vld.idx.msk [tilespmem:v3+s2+$0x0], $0xffff;
	_ =	sdelay $0x1  }
0x38: {  	[tilespmem:s20+$0xEC00] =	vst v2;
	v63 =	vadd.s32 $0x3E8, v2  }
0x39: {  	[tilespmem:s20+$0x11310] =	vst v63  }
0x3a: {  	[tilespmem:s20+$0x9D80] =	vst v0  }
0x3b: {  	[tilespmem:s20+$0xC490] =	vst v1  }
0x3c: {  	[bflag:$0x0] =	sbarrier.arrive $0xFFFF  }
0x3d: {  	[spmem:s1] =	stream.indirect.scatter.add.f32 [tilespmem:s17], [sflag:$0x4], $0x1, s16, s15, $0xb8;
	[tilespmem:$0x13F68] =	vst v63  }
0x3e: {  	_ =	swait.ge [sflag:s18], $0x4E20  }
0x3f: {  	s21 =	simm.s32 @!p0 $0x20;
	s22 =	simm.s32 @!p0 $0x10;
	[sflag:s18] =	ssyncset.done $0x0  }
0x40: {  	s23 =	simm.s32 @!p0 $0x1C04;
	s19 =	sadd.s32 $0x1, s19;
	[sflag:s18] =	ssyncadd.s32 $0xFFFFB1E0  }
0x41: {  	p1 =	sne.s32 s19, s8;
	s20 =	simm.s32 @!p0 $0x1;
	[bflag:$0x0] =	sbarrier.arrive $0xFFFF  }
0x42: {  	[hbm:s7@s21], [sflag:s23] =	dma.strided @!p0 [spmem:s9@s22], $0x9D0, s20, $0x10   }
.Ltmp1:
0x43: {  	_ = 	snop;
	(pc) =	sbr.rel @p1 .LBB2_1-.Ltmp1, $4  }
0x44: {  	s20 =	simm.s32 @!p0 $0x4  }
0x45: {  	_ =	swait.ge @!p0 [sflag:s20], $0x9D0  }
0x46: {  	[sflag:s20] =	ssyncset.done @!p0 $0x0  }
0x47: {  	[sflag:s20] =	ssyncadd.s32 @!p0 $0xFFFFF630  }
0x48: {  	_ =	sfence.sel $0x180000  }
0x49: {  	[bflag:$0x0] =	sbarrier.arrive $0xFFFF  }
0x4a: {  	_ =	strace $0x90000047  }
0x4b: {  	s0 =	sadd.s32 @!p0 $0x100000, s0;
	[bflag:$0x2] =	sbarrier.arrive $0xFFFF  }
0x4c: {  	[sflag:s0] =	ssyncadd.tile.s32 @!p0 $0x1;
	_ =	shalt  }
.Lfunc_end2:
_tile_overlayer_lowered:
.L_overlay_start_2:
0x4d: {  	(tag) =	ssettag $0x2  }
0x4e: {  	s0 =	rddreg [dreg:$0x0];
	s2 =	stileid.u32  }
0x4f: {  	s1 =	rddreg [dreg:$0x1];
	p0 =	sne.s32 s2, $0x0  }
0x50: {  	s3 =	rddreg [dreg:$0x2];
	[bflag:$0x3] =	sbarrier.arrive $0xFFFF;
	s2 =	simm.s32 @!p0 $0x1C04  }
0x51: {  	[timem:s3], [sflag:s2] =	dma.local @!p0 [hbm:s0], s1  }
0x52: {  	s0 =	simm.s32 @!p0 $0x4  }
0x53: {  	_ =	swait.ge @!p0 [sflag:s0], s1  }
0x54: {  	s1 =	ssub.s32 @!p0 $0x0, s1;
	[sflag:s0] =	ssyncset.done @!p0 $0x0  }
0x55: {  	[sflag:s0] =	ssyncadd.s32 @!p0 s1  }
0x56: {  	[bflag:$0x3] =	sbarrier.arrive $0xFFFF  }
0x57: {  	_ =	shalt  }

// kernel: kernel.24.cloned.1.call-start
scs
__scs_entry_jumppad:
0x0: {  	(pc) =	sbr.rel $0x88, $3  }
0x1: {  	(tag) =	ssettag $0x0;
	lr =	simm.s32 $0x1  }
0x2: {  	[smem:$0x3F89] =	sst lr;
	_ =	strace $0xD0000000  }
0x3: {  	_ = 	snop  }
0x4: {  	_ = 	snop  }
0x5: {  	_ = 	snop  }
0x6: {  	_ = 	snop  }
0x7: {  	_ = 	snop  }
__scs_overlays_trampoline_lowered:
0x8: {  	[smem:$0x3F98] =	sst s0  }
0x9: {  	[smem:$0x3F99] =	sst s1  }
0xa: {  	[smem:$0x3F9A] =	sst s2  }
0xb: {  	[smem:$0x3F9B] =	sst s3  }
0xc: {  	[smem:$0x3F9C] =	sst s4  }
0xd: {  	[smem:$0x3F9D] =	sst s5  }
0xe: {  	[smem:$0x3F9E] =	sst s6  }
0xf: {  	[smem:$0x3F9F] =	sst s7  }
0x10: {  	[smem:$0x3FA0] =	sst s8  }
0x11: {  	[smem:$0x3FA1] =	sst s9;
	s0 =	simm.s32 @!p0 $0x0  }
0x12: {  	s1 =	sld [smem:$0x3F87];
	s0 =	simm.s32 @p0 $0x1  }
0x13: {  	[smem:$0x3FA2] =	sst s0;
	s0 =	simm.s32 @!p1 $0x0  }
0x14: {  	s2 =	sld [smem:$0x3F86];
	s0 =	simm.s32 @p1 $0x1  }
0x15: {  	[smem:$0x3FA3] =	sst s0;
	s0 =	simm.s32 @!p2 $0x0  }
0x16: {  	s3 =	sld [smem:$0x3FDB];
	s0 =	simm.s32 @p2 $0x1  }
0x17: {  	s4 =	simm.s32 $0x1BF5;
	[smem:$0x3FA5] =	sst s0  }
0x18: {  	s0 =	sld [smem:$0x3F88];
	_ =	swait.ge [sflag:s4], $0x0  }
0x19: {  	s7 =	sld [smem:$0x3F89]  }
0x1a: {  	s8 =	sadd.s32 $0xFFFFE003, lr  }
0x1b: {  	s9 =	sadd.s32 $0xFFFFFEF7, lr;
	s5 =	simm.s32 $0xFFFFFFFF;
	p2 =	slt.u32 s8, $0xFFFFF086  }
0x1c: {  	p1 =	slt.u32 s9, $0xF7A;
	s5 =	simm.s32 @!p2 $0x0  }
0x1d: {  	s5 =	simm.s32 @p1 $0x1;
	p0 =	seq.s32 s7, s2  }
0x1e: {  	s7 =	smul.u32 @!p0 $0xF7A, s2;
	p2 =	seq.s32 @!p0 s5, $0x0  }
0x1f: {  	s9 =	smul.u32 $0xF7A, s1;
	s8 =	simm.s32 @!p0 $0x1BF5;
	p2 =	por !p2, p0  }
0x20: {  	[sflag:s8] =	ssyncset.s32 @!p0 $0xFFFFF086;
	s6 =	sadd.s32 @!p0 s3, s7;
	s7 =	simm.s32 @!p0 $0x108  }
0x21: {  	s3 =	sadd.s32 s3, s9;
	s6 =	sadd.s32 @!p0 $0x88, s6;
	s7 =	simm.s32 @p2 $0x1082  }
0x22: {  	[simem:s7], [sflag:s8] =	dma.local @!p0 [hbm:s6], $0xF7A  }
0x23: {  	s9 =	sor.u32 $0xD0000000, s2;
	s6 =	simm.s32 $0x108;
	_ =	swait.ge @!p0 [sflag:s8], $0x0  }
0x24: {  	s3 =	sadd.s32 $0x88, s3;
	s6 =	simm.s32 @!p1 $0x1082;
	[sflag:s4] =	ssyncset.s32 $0xFFFFF086  }
0x25: {  	[simem:s6], [sflag:s4] =	dma.local [hbm:s3], $0xF7A  }
0x26: {  	[smem:$0x3F89] =	sst s1;
	(tag) =	ssettag s2;
	_ =	strace s9  }
0x27: {  	s1 =	sld [smem:$0x3F99]  }
0x28: {  	s2 =	sld [smem:$0x3F9A]  }
0x29: {  	s4 =	sld [smem:$0x3F9C]  }
0x2a: {  	p0 =	seq.s32 s5, $0x0;
	s5 =	sld [smem:$0x3F9D]  }
0x2b: {  	s6 =	sld [smem:$0x3F9E]  }
0x2c: {  	s7 =	sld [smem:$0x3F9F]  }
0x2d: {  	s3 =	simm.s32 $0x108;
	s8 =	sld [smem:$0x3FA0]  }
0x2e: {  	s3 =	simm.s32 @!p0 $0x1082;
	s9 =	sld [smem:$0x3FA1]  }
0x2f: {  	lr =	sadd.s32 s0, s3;
	s0 =	sld [smem:$0x3F98]  }
0x30: {  	s3 =	sld [smem:$0x3F9B]  }
0x31: {  	[smem:$0x3FA4] =	sst s10  }
0x32: {  	s10 =	sld [smem:$0x3FA2];
	_ =	sdelay $0x3  }
0x33: {  	p0 =	seq.s32 s10, $0x1;
	s10 =	sld [smem:$0x3FA4];
	_ =	sdelay $0x3  }
0x34: {  	[smem:$0x3FA4] =	sst s10  }
0x35: {  	s10 =	sld [smem:$0x3FA3];
	_ =	sdelay $0x3  }
0x36: {  	p1 =	seq.s32 s10, $0x1;
	s10 =	sld [smem:$0x3FA4];
	_ =	sdelay $0x3  }
0x37: {  	[smem:$0x3FA4] =	sst s10  }
0x38: {  	s10 =	sld [smem:$0x3FA5]  }
0x39: {  	_ = 	snop;
	(pc) =	sbr.ind lr, $3  }
0x3a: {  	_ = 	snop  }
0x3b: {  	_ = 	snop  }
0x3c: {  	p2 =	seq.s32 s10, $0x1;
	s10 =	sld [smem:$0x3FA4]  }
0x3d: {  	_ =	shalt  }
0x3e: {  	_ =	shalt  }
0x3f: {  	_ =	shalt  }
0x40: {  	_ =	shalt  }
0x41: {  	_ =	shalt  }
0x42: {  	_ =	shalt  }
0x43: {  	_ =	shalt  }
0x44: {  	_ =	shalt  }
0x45: {  	_ =	shalt  }
0x46: {  	_ =	shalt  }
0x47: {  	_ =	shalt  }
0x48: {  	_ =	shalt  }
0x49: {  	_ =	shalt  }
0x4a: {  	_ =	shalt  }
0x4b: {  	_ =	shalt  }
0x4c: {  	_ =	shalt  }
0x4d: {  	_ =	shalt  }
0x4e: {  	_ =	shalt  }
0x4f: {  	_ =	shalt  }
0x50: {  	_ =	shalt  }
0x51: {  	_ =	shalt  }
0x52: {  	_ =	shalt  }
0x53: {  	_ =	shalt  }
0x54: {  	_ =	shalt  }
0x55: {  	_ =	shalt  }
0x56: {  	_ =	shalt  }
0x57: {  	_ =	shalt  }
0x58: {  	_ =	shalt  }
0x59: {  	_ =	shalt  }
0x5a: {  	_ =	shalt  }
0x5b: {  	_ =	shalt  }
0x5c: {  	_ =	shalt  }
0x5d: {  	_ =	shalt  }
0x5e: {  	_ =	shalt  }
0x5f: {  	_ =	shalt  }
0x60: {  	_ =	shalt  }
0x61: {  	_ =	shalt  }
0x62: {  	_ =	shalt  }
0x63: {  	_ =	shalt  }
0x64: {  	_ =	shalt  }
0x65: {  	_ =	shalt  }
0x66: {  	_ =	shalt  }
0x67: {  	_ =	shalt  }
0x68: {  	_ =	shalt  }
0x69: {  	_ =	shalt  }
0x6a: {  	_ =	shalt  }
0x6b: {  	_ =	shalt  }
0x6c: {  	_ =	shalt  }
0x6d: {  	_ =	shalt  }
0x6e: {  	_ =	shalt  }
0x6f: {  	_ =	shalt  }
0x70: {  	_ =	shalt  }
0x71: {  	_ =	shalt  }
0x72: {  	_ =	shalt  }
0x73: {  	_ =	shalt  }
0x74: {  	_ =	shalt  }
0x75: {  	_ =	shalt  }
0x76: {  	_ =	shalt  }
0x77: {  	_ =	shalt  }
0x78: {  	_ =	shalt  }
0x79: {  	_ =	shalt  }
0x7a: {  	_ =	shalt  }
0x7b: {  	_ =	shalt  }
0x7c: {  	_ =	shalt  }
0x7d: {  	_ =	shalt  }
0x7e: {  	_ =	shalt  }
0x7f: {  	_ =	shalt  }
0x80: {  	_ =	shalt  }
0x81: {  	_ =	shalt  }
0x82: {  	_ =	shalt  }
0x83: {  	_ =	shalt  }
0x84: {  	_ =	shalt  }
0x85: {  	_ =	shalt  }
0x86: {  	_ =	shalt  }
0x87: {  	_ =	shalt  }
.Lfunc_end0:
.L_simem_size_0:
called_computation.1_lowered:
.L_overlay_start_0:
0x88: {  	s2 =	sld [smem:$0x3FD9]  }
0x89: {  	s3 =	sld [smem:$0x3FFE];
	_ =	sdelay $0x1  }
0x8a: {  	s1 =	srdreg.scid  }
0x8b: {  	s0 =	sand.u32 $0x1, s1  }
0x8c: {  	s17 =	sshll.u32 s0, $0xA;
	s2 =	sadd.s32 s3, s2  }
0x8d: {  	s2 =	sadd.s32 s2, s17  }
0x8e: {  	[smem:$0x3FB0] =	sst s2  }
0x8f: {  	_ = 	snop  }
0x90: {  	s18 =	sld [smem:$0x3FD0];
	(tm) =	ssettm $0x1  }
0x91: {  	s19 =	sld [smem:$0x3FFB];
	_ =	sdelay $0x3  }
0x92: {  	_ =	strace s19  }
0x93: {  	s2 =	sld [smem:$0x3FFC];
	_ =	sdelay $0x3  }
0x94: {  	_ =	strace s2  }
0x95: {  	s2 =	sld [smem:$0x3FFD];
	_ =	sdelay $0x3  }
0x96: {  	_ =	strace s2  }
0x97: {  	_ =	strace $0x8FFFFFFF  }
0x98: {  	s20 =	sld [smem:$0x3FDB];
	_ =	sdelay $0x1  }
0x99: {  	s4 =	simm.s32 $_scs_section_size  }
0x9a: {  	s5 =	simm.s32 $_size__tile_overlayer_lowered;
	s6 =	simm.s32 $_tile_overlayer_lowered  }
0x9b: {  	s7 =	simm.s32 $0x1BFF;
	s21 =	sshll.u32 s6, $0x1;
	s4 =	sadd.s32 s4, s20  }
0x9c: {  	s22 =	simm.s32 $0x0;
	s5 =	sshll.u32 s5, $0x1;
	s6 =	sadd.s32 s21, s4  }
0x9d: {  	[timem:s22], [sflag:s7] =	dma.local [hbm:s6], s5  }
0x9e: {  	_ =	swait.ge [sflag:s7], s5  }
0x9f: {  	s5 =	ssub.s32 $0x0, s5;
	[sflag:s7] =	ssyncset.done $0x0  }
0xa0: {  	[sflag:s7] =	ssyncadd.s32 s5;
	_ =	sdelay $0x1  }
0xa1: {  	s23 =	simm.s32 $0x1B8B  }
0xa2: {  	_ =	swait.ge [sflag:s23], $0x1  }
0xa3: {  	[sflag:s23] =	ssyncset.done $0x0  }
0xa4: {  	[sflag:s23] =	ssyncadd.s32 $0xFFFFFFFF  }
0xa5: {  	s5 =	sld [smem:$0x0]  }
0xa6: {  	s6 =	sand.u32 $0xFFFFFFFE, s1  }
0xa7: {  	p0 =	sne.s32 s1, s6  }
0xa8: {  	s6 =	sshll.u32 @p0 s6, $0xE  }
0xa9: {  	s6 =	sadd.s32 @p0 $0x11B8D, s6;
	s7 =	sshll.u32 @p0 s5, $0x11  }
0xaa: {  	s6 =	sor.u32 @p0 s7, s6  }
0xab: {  	[sflag:s6] =	ssyncadd.remote.s32 @p0 $0x1;
	_ =	sdelay $0x1  }
0xac: {  	s6 =	simm.s32 @p0 $0x1B8D  }
0xad: {  	_ =	swait.eq @p0 [sflag:s6], $0x1  }
0xae: {  	[sflag:s6] =	ssyncadd.s32 @p0 $0xFFFFFFFF  }
0xaf: {  	s7 =	sshll.u32 @!p0 s1, $0xE  }
0xb0: {  	s7 =	sor.u32 @!p0 $0x4000, s7;
	s6 =	simm.s32 @!p0 $0x1B8D  }
0xb1: {  	s5 =	sshll.u32 @!p0 s5, $0x11;
	s7 =	sadd.s32 @!p0 $0x11B8D, s7;
	_ =	swait.eq @!p0 [sflag:s6], $0x1  }
0xb2: {  	s5 =	sor.u32 @!p0 s5, s7;
	[sflag:s6] =	ssyncadd.s32 @!p0 $0xFFFFFFFF  }
0xb3: {  	s25 =	simm.s32 $0x1B8E;
	s24 =	sld [smem:$0x3FFE];
	[sflag:s5] =	ssyncadd.remote.s32 @!p0 $0x1  }
0xb4: {  	s26 =	simm.s32 $execute0_lowered;
	[smem:$0x3FD2] =	sst s25  }
0xb5: {  	s6 =	sshll.u32 s26, $0x1;
	_ =	strace $0x80000049;
	[dreg:$0x1] =	wrdreg $0xFFFFFFFF  }
0xb6: {  	s28 =	simm.s32 $_size_execute0_lowered;
	s4 =	sadd.s32 s4, s6;
	[dreg:$0x0] =	wrdreg $0x0  }
0xb7: {  	s6 =	sshll.u32 s28, $0x1;
	[dreg:$0x2] =	wrdreg s4  }
0xb8: {  	[dreg:$0x3] =	wrdreg s6  }
0xb9: {  	[dreg:$0x4] =	wrdreg $0xC0  }
0xba: {  	_ =	task [dreg:s22], $0x5FFFF  }
0xbb: {  	[dreg:$0x1] =	wrdreg $0xFFFFFFFF  }
0xbc: {  	[dreg:$0x0] =	wrdreg $0x60  }
0xbd: {  	[dreg:$0x2] =	wrdreg s24  }
0xbe: {  	[dreg:$0x3] =	wrdreg s18  }
0xbf: {  	[dreg:$0x4] =	wrdreg $0x13A800  }
0xc0: {  	[dreg:$0x5] =	wrdreg $0xA  }
0xc1: {  	_ =	task.clear_ibuf [dreg:s22], $0x6FFFF;
	_ =	strace $0x90000049  }
0xc2: {  	s29 =	simm.s32 $0xA;
	_ =	strace $0x8000004B  }
0xc3: {  	_ =	swait.ge [sflag:s29], $0x1  }
0xc4: {  	[sflag:s29] =	ssyncadd.s32 $0xFFFFFFFF  }
0xc5: {  	_ =	strace $0x9000004B  }
0xc6: {  	_ =	sfence  }
0xc7: {  	s30 =	sld [smem:$0x0];
	_ =	sdelay $0x2  }
0xc8: {  	s31 =	sshll.u32 s1, $0xD;
	s1 =	sshrl.u32 s1, $0x2  }
0xc9: {  	s4 =	sand.u32 $0x4000, s31;
	s1 =	sadd.s32 s1, s30  }
0xca: {  	s0 =	sor.u32 s4, s0;
	s1 =	sshll.u32 s1, $0x11  }
0xcb: {  	s0 =	sor.u32 s1, s0  }
0xcc: {  	s0 =	sadd.s32 $0x8F2B, s0  }
0xcd: {  	[sflag:s0] =	ssyncadd.remote.s32 $0x1  }
0xce: {  	_ =	sfence.sel $0xFFFF  }
0xcf: {  	[dreg:$0x0] =	wrdreg $0xFFFFFFFF;
	(pc) =	sbr.abs _section_cstart, $3  }
0xd0: {  	[dreg:$0x1] =	wrdreg $0xFFFFFFFF  }
0xd1: {  	_ =	task.clear_ibuf [dreg:s22], $0x2FFFF;
	_ =	strace $0x9FFFFFFF  }
0xd2: {  	(tm) =	ssettm $0x7FFFFFFF  }
0xd3: {  	_ =	shalt  }
tec
execute0_lowered:
.L_overlay_start_1:
0x0: {  	(tag) =	ssettag $0x1  }
0x1: {  	s5 =	rddreg [dreg:$0x0]  }
0x2: {  	s0 =	srdreg.scid;
	s6 =	rddreg [dreg:$0x1]  }
0x3: {  	s1 =	rddreg [dreg:$0x2];
	s8 =	stileid.u32;
	s2 =	simm.s32 $0x0  }
0x4: {  	s12 =	simm.s32 $0x1;
	s13 =	simm.s32 $0x2;
	s14 =	simm.s32 $0x3  }
0x5: {  	s15 =	simm.s32 $0x4E20;
	s16 =	simm.s32 $0xEC00;
	s17 =	simm.s32 $0x9D80  }
0x6: {  	s18 =	simm.s32 $0x4;
	s4 =	sand.u32 $0x1, s0;
	s0 =	rddreg [dreg:$0x3]  }
0x7: {  	s19 =	simm.s32 $0x0;
	[smem:$0x7FF] =	sst s2;
	s7 =	sshll.u32 s4, $0x4  }
0x8: {  	p0 =	sne.s32 s8, $0x0;
	_ =	strace $0x8000004A;
	s3 =	sor.u32 s8, s7  }
0x9: {  	s10 =	ssub.s32 $0x2, s4;
	s4 =	sadd.s32 $0x4A00, s5;
	s9 =	smul.u32 $0x2710, s3  }
0xa: {  	s11 =	sshrl.u32 s10, $0x1;
	s7 =	sadd.s32 s7, s5;
	s3 =	sadd.s32 $0x7200, s5  }
0xb: {  	s10 =	ssub.s32 s10, s11;
	s7 =	sadd.s32 $0x7C00, s7;
	s9 =	sshrl.u32 s9, $0x3  }
0xc: {  	s11 =	simm.s32 $0x7600;
	s8 =	smax.u32 s10, $0x1;
	s5 =	sadd.s32 s6, s9  }
0xd: {  	s10 =	simm.s32 $0x4E80;
	s9 =	sshrl.u32 @!p0 s1, $0x3;
	s6 =	sadd.s32 $0x9C40, s5  }
.LBB2_1:
0xe: {  	s20 =	simm.s32 @!p0 $0x1C04  }
0xf: {  	[spmem:s9], [sflag:s20] =	dma.local @!p0 [hbm:s4], $0x9D0  }
0x10: {  	s20 =	simm.s32 @!p0 $0x4  }
0x11: {  	_ =	swait.ge @!p0 [sflag:s20], $0x9D0  }
0x12: {  	[sflag:s20] =	ssyncset.done @!p0 $0x0  }
0x13: {  	[sflag:s20] =	ssyncadd.s32 @!p0 $0xFFFFF630  }
0x14: {  	[tilespmem:s2], [sflag:$0x1] =	stream.linear.gather [hbm4b:s3+s2], $0x4E80, $0x38;
	[tilespmem:$0x13F68] =	vst v63  }
0x15: {  	_ = 	snop  }
0x16: {  	[tilespmem:s10], [sflag:$0x2] =	stream.linear.gather [hbm4b:s5+s2], $0x2710, $0x38;
	[tilespmem:$0x13F68] =	vst v63  }
0x17: {  	_ = 	snop  }
0x18: {  	[tilespmem:s11], [sflag:$0x3] =	stream.linear.gather [hbm4b:s6+s2], $0x2710, $0x38;
	[tilespmem:$0x13F68] =	vst v63  }
0x19: {  	_ =	swait.ge [sflag:s12], $0x4E80  }
0x1a: {  	[sflag:s12] =	ssyncset.done $0x0  }
0x1b: {  	[sflag:s12] =	ssyncadd.s32 $0xFFFFB180  }
0x1c: {  	_ =	swait.ge [sflag:s13], $0x2710  }
0x1d: {  	[sflag:s13] =	ssyncset.done $0x0  }
0x1e: {  	[sflag:s13] =	ssyncadd.s32 $0xFFFFD8F0  }
0x1f: {  	_ =	swait.ge [sflag:s14], $0x2710  }
0x20: {  	[sflag:s14] =	ssyncset.done $0x0  }
0x21: {  	s21 =	simm.s32 $0x0;
	[sflag:s14] =	ssyncadd.s32 $0xFFFFD8F0  }
0x22: {  	v0 =	vld [tilespmem:s21+$0x4E80];
	_ =	sdelay $0x5  }
0x23: {  	v1 =	vadd.s32 $0x3E8, v0  }
0x24: {  	v2 =	vld [tilespmem:s21+$0x7600]  }
0x25: {  	s20 =	simm.s32 $0x10;
	v3 =	vld.idx.msk [tilespmem:v0+s2+$0x0], $0xffff  }
0x26: {  	v0 =	vld [tilespmem:s20+$0x4E80];
	_ =	sdelay $0x1  }
0x27: {  	v1 =	vld.idx.msk [tilespmem:v1+s2+$0x0], $0xffff  }
0x28: {  	[tilespmem:s21+$0xEC00] =	vst v2;
	v2 =	vadd.s32 $0x3E8, v2  }
0x29: {  	[tilespmem:s21+$0x11310] =	vst v2  }
0x2a: {  	[tilespmem:s21+$0x9D80] =	vst v3;
	v3 =	vadd.s32 $0x3E8, v0  }
0x2b: {  	s22 =	simm.s32 $0x80;
	v2 =	vld [tilespmem:s20+$0x7600]  }
.LBB2_2:
0x2c: {  	p1 =	sne.s32 s22, $0x9C00;
	[tilespmem:s21+$0xC490] =	vst v1;
	s23 =	smov.u32 s22;
	s22 =	sadd.s32 $0x40, s22  }
0x2d: {  	s21 =	smov.u32 s20;
	v4 =	vld.idx.msk [tilespmem:v0+s2+$0x0], $0xffff;
	s20 =	sshra.s32 s23, $0x2  }
0x2e: {  	v0 =	vld [tilespmem:s20+$0x4E80]  }
0x2f: {  	v1 =	vld.idx.msk [tilespmem:v3+s2+$0x0], $0xffff  }
.Ltmp0:
0x30: {  	[tilespmem:s21+$0xEC00] =	vst v2;
	v2 =	vadd.s32 $0x3E8, v2;
	(pc) =	sbr.rel @p1 .LBB2_2-.Ltmp0, $3  }
0x31: {  	[tilespmem:s21+$0x11310] =	vst v2;
	_ =	sdelay $0x1  }
0x32: {  	v3 =	vadd.s32 $0x3E8, v0;
	[tilespmem:s21+$0x9D80] =	vst v4  }
0x33: {  	v2 =	vld [tilespmem:s20+$0x7600]  }
0x34: {  	_ =	sdelay $0x2  }
0x35: {  	[tilespmem:s21+$0xC490] =	vst v1  }
0x36: {  	v0 =	vld.idx.msk [tilespmem:v0+s2+$0x0], $0xffff  }
0x37: {  	v1 =	vld.idx.msk [tilespmem:v3+s2+$0x0], $0xffff;
	_ =	sdelay $0x1  }
0x38: {  	[tilespmem:s20+$0xEC00] =	vst v2;
	v63 =	vadd.s32 $0x3E8, v2  }
0x39: {  	[tilespmem:s20+$0x11310] =	vst v63  }
0x3a: {  	[tilespmem:s20+$0x9D80] =	vst v0  }
0x3b: {  	[tilespmem:s20+$0xC490] =	vst v1  }
0x3c: {  	[bflag:$0x0] =	sbarrier.arrive $0xFFFF  }
0x3d: {  	[spmem:s1] =	stream.indirect.scatter.add.f32 [tilespmem:s17], [sflag:$0x4], $0x1, s16, s15, $0xb8;
	[tilespmem:$0x13F68] =	vst v63  }
0x3e: {  	_ =	swait.ge [sflag:s18], $0x4E20  }
0x3f: {  	s21 =	simm.s32 @!p0 $0x20;
	s22 =	simm.s32 @!p0 $0x10;
	[sflag:s18] =	ssyncset.done $0x0  }
0x40: {  	s23 =	simm.s32 @!p0 $0x1C04;
	s19 =	sadd.s32 $0x1, s19;
	[sflag:s18] =	ssyncadd.s32 $0xFFFFB1E0  }
0x41: {  	p1 =	sne.s32 s19, s8;
	s20 =	simm.s32 @!p0 $0x1;
	[bflag:$0x0] =	sbarrier.arrive $0xFFFF  }
0x42: {  	[hbm:s7@s21], [sflag:s23] =	dma.strided @!p0 [spmem:s9@s22], $0x9D0, s20, $0x10   }
.Ltmp1:
0x43: {  	_ = 	snop;
	(pc) =	sbr.rel @p1 .LBB2_1-.Ltmp1, $4  }
0x44: {  	s20 =	simm.s32 @!p0 $0x4  }
0x45: {  	_ =	swait.ge @!p0 [sflag:s20], $0x9D0  }
0x46: {  	[sflag:s20] =	ssyncset.done @!p0 $0x0  }
0x47: {  	[sflag:s20] =	ssyncadd.s32 @!p0 $0xFFFFF630  }
0x48: {  	_ =	sfence.sel $0x180000  }
0x49: {  	[bflag:$0x0] =	sbarrier.arrive $0xFFFF  }
0x4a: {  	_ =	strace $0x9000004A  }
0x4b: {  	s0 =	sadd.s32 @!p0 $0x100000, s0;
	[bflag:$0x2] =	sbarrier.arrive $0xFFFF  }
0x4c: {  	[sflag:s0] =	ssyncadd.tile.s32 @!p0 $0x1;
	_ =	shalt  }
.Lfunc_end2:
_tile_overlayer_lowered:
.L_overlay_start_2:
0x4d: {  	(tag) =	ssettag $0x2  }
0x4e: {  	s0 =	rddreg [dreg:$0x0];
	s2 =	stileid.u32  }
0x4f: {  	s1 =	rddreg [dreg:$0x1];
	p0 =	sne.s32 s2, $0x0  }
0x50: {  	s3 =	rddreg [dreg:$0x2];
	[bflag:$0x3] =	sbarrier.arrive $0xFFFF;
	s2 =	simm.s32 @!p0 $0x1C04  }
0x51: {  	[timem:s3], [sflag:s2] =	dma.local @!p0 [hbm:s0], s1  }
0x52: {  	s0 =	simm.s32 @!p0 $0x4  }
0x53: {  	_ =	swait.ge @!p0 [sflag:s0], s1  }
0x54: {  	s1 =	ssub.s32 @!p0 $0x0, s1;
	[sflag:s0] =	ssyncset.done @!p0 $0x0  }
0x55: {  	[sflag:s0] =	ssyncadd.s32 @!p0 s1  }
0x56: {  	[bflag:$0x3] =	sbarrier.arrive $0xFFFF  }
0x57: {  	_ =	shalt  }

// kernel: kernel.27.cloned.1.call-start
scs
__scs_entry_jumppad:
0x0: {  	(pc) =	sbr.rel $0x88, $3  }
0x1: {  	(tag) =	ssettag $0x0;
	lr =	simm.s32 $0x1  }
0x2: {  	[smem:$0x3F89] =	sst lr;
	_ =	strace $0xD0000000  }
0x3: {  	_ = 	snop  }
0x4: {  	_ = 	snop  }
0x5: {  	_ = 	snop  }
0x6: {  	_ = 	snop  }
0x7: {  	_ = 	snop  }
__scs_overlays_trampoline_lowered:
0x8: {  	[smem:$0x3F98] =	sst s0  }
0x9: {  	[smem:$0x3F99] =	sst s1  }
0xa: {  	[smem:$0x3F9A] =	sst s2  }
0xb: {  	[smem:$0x3F9B] =	sst s3  }
0xc: {  	[smem:$0x3F9C] =	sst s4  }
0xd: {  	[smem:$0x3F9D] =	sst s5  }
0xe: {  	[smem:$0x3F9E] =	sst s6  }
0xf: {  	[smem:$0x3F9F] =	sst s7  }
0x10: {  	[smem:$0x3FA0] =	sst s8  }
0x11: {  	[smem:$0x3FA1] =	sst s9;
	s0 =	simm.s32 @!p0 $0x0  }
0x12: {  	s1 =	sld [smem:$0x3F87];
	s0 =	simm.s32 @p0 $0x1  }
0x13: {  	[smem:$0x3FA2] =	sst s0;
	s0 =	simm.s32 @!p1 $0x0  }
0x14: {  	s2 =	sld [smem:$0x3F86];
	s0 =	simm.s32 @p1 $0x1  }
0x15: {  	[smem:$0x3FA3] =	sst s0;
	s0 =	simm.s32 @!p2 $0x0  }
0x16: {  	s3 =	sld [smem:$0x3FDB];
	s0 =	simm.s32 @p2 $0x1  }
0x17: {  	s4 =	simm.s32 $0x1BF5;
	[smem:$0x3FA5] =	sst s0  }
0x18: {  	s0 =	sld [smem:$0x3F88];
	_ =	swait.ge [sflag:s4], $0x0  }
0x19: {  	s7 =	sld [smem:$0x3F89]  }
0x1a: {  	s8 =	sadd.s32 $0xFFFFE003, lr  }
0x1b: {  	s9 =	sadd.s32 $0xFFFFFEF7, lr;
	s5 =	simm.s32 $0xFFFFFFFF;
	p2 =	slt.u32 s8, $0xFFFFF086  }
0x1c: {  	p1 =	slt.u32 s9, $0xF7A;
	s5 =	simm.s32 @!p2 $0x0  }
0x1d: {  	s5 =	simm.s32 @p1 $0x1;
	p0 =	seq.s32 s7, s2  }
0x1e: {  	s7 =	smul.u32 @!p0 $0xF7A, s2;
	p2 =	seq.s32 @!p0 s5, $0x0  }
0x1f: {  	s9 =	smul.u32 $0xF7A, s1;
	s8 =	simm.s32 @!p0 $0x1BF5;
	p2 =	por !p2, p0  }
0x20: {  	[sflag:s8] =	ssyncset.s32 @!p0 $0xFFFFF086;
	s6 =	sadd.s32 @!p0 s3, s7;
	s7 =	simm.s32 @!p0 $0x108  }
0x21: {  	s3 =	sadd.s32 s3, s9;
	s6 =	sadd.s32 @!p0 $0x88, s6;
	s7 =	simm.s32 @p2 $0x1082  }
0x22: {  	[simem:s7], [sflag:s8] =	dma.local @!p0 [hbm:s6], $0xF7A  }
0x23: {  	s9 =	sor.u32 $0xD0000000, s2;
	s6 =	simm.s32 $0x108;
	_ =	swait.ge @!p0 [sflag:s8], $0x0  }
0x24: {  	s3 =	sadd.s32 $0x88, s3;
	s6 =	simm.s32 @!p1 $0x1082;
	[sflag:s4] =	ssyncset.s32 $0xFFFFF086  }
0x25: {  	[simem:s6], [sflag:s4] =	dma.local [hbm:s3], $0xF7A  }
0x26: {  	[smem:$0x3F89] =	sst s1;
	(tag) =	ssettag s2;
	_ =	strace s9  }
0x27: {  	s1 =	sld [smem:$0x3F99]  }
0x28: {  	s2 =	sld [smem:$0x3F9A]  }
0x29: {  	s4 =	sld [smem:$0x3F9C]  }
0x2a: {  	p0 =	seq.s32 s5, $0x0;
	s5 =	sld [smem:$0x3F9D]  }
0x2b: {  	s6 =	sld [smem:$0x3F9E]  }
0x2c: {  	s7 =	sld [smem:$0x3F9F]  }
0x2d: {  	s3 =	simm.s32 $0x108;
	s8 =	sld [smem:$0x3FA0]  }
0x2e: {  	s3 =	simm.s32 @!p0 $0x1082;
	s9 =	sld [smem:$0x3FA1]  }
0x2f: {  	lr =	sadd.s32 s0, s3;
	s0 =	sld [smem:$0x3F98]  }
0x30: {  	s3 =	sld [smem:$0x3F9B]  }
0x31: {  	[smem:$0x3FA4] =	sst s10  }
0x32: {  	s10 =	sld [smem:$0x3FA2];
	_ =	sdelay $0x3  }
0x33: {  	p0 =	seq.s32 s10, $0x1;
	s10 =	sld [smem:$0x3FA4];
	_ =	sdelay $0x3  }
0x34: {  	[smem:$0x3FA4] =	sst s10  }
0x35: {  	s10 =	sld [smem:$0x3FA3];
	_ =	sdelay $0x3  }
0x36: {  	p1 =	seq.s32 s10, $0x1;
	s10 =	sld [smem:$0x3FA4];
	_ =	sdelay $0x3  }
0x37: {  	[smem:$0x3FA4] =	sst s10  }
0x38: {  	s10 =	sld [smem:$0x3FA5]  }
0x39: {  	_ = 	snop;
	(pc) =	sbr.ind lr, $3  }
0x3a: {  	_ = 	snop  }
0x3b: {  	_ = 	snop  }
0x3c: {  	p2 =	seq.s32 s10, $0x1;
	s10 =	sld [smem:$0x3FA4]  }
0x3d: {  	_ =	shalt  }
0x3e: {  	_ =	shalt  }
0x3f: {  	_ =	shalt  }
0x40: {  	_ =	shalt  }
0x41: {  	_ =	shalt  }
0x42: {  	_ =	shalt  }
0x43: {  	_ =	shalt  }
0x44: {  	_ =	shalt  }
0x45: {  	_ =	shalt  }
0x46: {  	_ =	shalt  }
0x47: {  	_ =	shalt  }
0x48: {  	_ =	shalt  }
0x49: {  	_ =	shalt  }
0x4a: {  	_ =	shalt  }
0x4b: {  	_ =	shalt  }
0x4c: {  	_ =	shalt  }
0x4d: {  	_ =	shalt  }
0x4e: {  	_ =	shalt  }
0x4f: {  	_ =	shalt  }
0x50: {  	_ =	shalt  }
0x51: {  	_ =	shalt  }
0x52: {  	_ =	shalt  }
0x53: {  	_ =	shalt  }
0x54: {  	_ =	shalt  }
0x55: {  	_ =	shalt  }
0x56: {  	_ =	shalt  }
0x57: {  	_ =	shalt  }
0x58: {  	_ =	shalt  }
0x59: {  	_ =	shalt  }
0x5a: {  	_ =	shalt  }
0x5b: {  	_ =	shalt  }
0x5c: {  	_ =	shalt  }
0x5d: {  	_ =	shalt  }
0x5e: {  	_ =	shalt  }
0x5f: {  	_ =	shalt  }
0x60: {  	_ =	shalt  }
0x61: {  	_ =	shalt  }
0x62: {  	_ =	shalt  }
0x63: {  	_ =	shalt  }
0x64: {  	_ =	shalt  }
0x65: {  	_ =	shalt  }
0x66: {  	_ =	shalt  }
0x67: {  	_ =	shalt  }
0x68: {  	_ =	shalt  }
0x69: {  	_ =	shalt  }
0x6a: {  	_ =	shalt  }
0x6b: {  	_ =	shalt  }
0x6c: {  	_ =	shalt  }
0x6d: {  	_ =	shalt  }
0x6e: {  	_ =	shalt  }
0x6f: {  	_ =	shalt  }
0x70: {  	_ =	shalt  }
0x71: {  	_ =	shalt  }
0x72: {  	_ =	shalt  }
0x73: {  	_ =	shalt  }
0x74: {  	_ =	shalt  }
0x75: {  	_ =	shalt  }
0x76: {  	_ =	shalt  }
0x77: {  	_ =	shalt  }
0x78: {  	_ =	shalt  }
0x79: {  	_ =	shalt  }
0x7a: {  	_ =	shalt  }
0x7b: {  	_ =	shalt  }
0x7c: {  	_ =	shalt  }
0x7d: {  	_ =	shalt  }
0x7e: {  	_ =	shalt  }
0x7f: {  	_ =	shalt  }
0x80: {  	_ =	shalt  }
0x81: {  	_ =	shalt  }
0x82: {  	_ =	shalt  }
0x83: {  	_ =	shalt  }
0x84: {  	_ =	shalt  }
0x85: {  	_ =	shalt  }
0x86: {  	_ =	shalt  }
0x87: {  	_ =	shalt  }
.Lfunc_end0:
.L_simem_size_0:
called_computation.2_lowered:
.L_overlay_start_0:
0x88: {  	s2 =	sld [smem:$0x3FD9]  }
0x89: {  	s3 =	sld [smem:$0x3FFE];
	_ =	sdelay $0x1  }
0x8a: {  	s1 =	srdreg.scid  }
0x8b: {  	s0 =	sand.u32 $0x1, s1  }
0x8c: {  	s17 =	sshll.u32 s0, $0xA;
	s2 =	sadd.s32 s3, s2  }
0x8d: {  	s2 =	sadd.s32 s2, s17  }
0x8e: {  	[smem:$0x3FB0] =	sst s2  }
0x8f: {  	_ = 	snop  }
0x90: {  	s2 =	sld [smem:$0x3FD0];
	(tm) =	ssettm $0x1  }
0x91: {  	s18 =	sld [smem:$0x3FFB];
	_ =	sdelay $0x3  }
0x92: {  	_ =	strace s18  }
0x93: {  	s3 =	sld [smem:$0x3FFC];
	_ =	sdelay $0x3  }
0x94: {  	_ =	strace s3  }
0x95: {  	s3 =	sld [smem:$0x3FFD];
	_ =	sdelay $0x3  }
0x96: {  	_ =	strace s3  }
0x97: {  	_ =	strace $0x8FFFFFFF  }
0x98: {  	s19 =	sld [smem:$0x3FDB];
	_ =	sdelay $0x1  }
0x99: {  	s4 =	simm.s32 $_scs_section_size  }
0x9a: {  	s5 =	simm.s32 $_size__tile_overlayer_lowered;
	s6 =	simm.s32 $_tile_overlayer_lowered  }
0x9b: {  	s22 =	simm.s32 $0x1BFF;
	s21 =	sshll.u32 s6, $0x1;
	s3 =	sadd.s32 s4, s19  }
0x9c: {  	s7 =	simm.s32 $0x0;
	s20 =	sshll.u32 s5, $0x1;
	s5 =	sadd.s32 s21, s3  }
0x9d: {  	[timem:s7], [sflag:s22] =	dma.local [hbm:s5], s20  }
0x9e: {  	_ =	swait.ge [sflag:s22], s20  }
0x9f: {  	s4 =	ssub.s32 $0x0, s20;
	[sflag:s22] =	ssyncset.done $0x0  }
0xa0: {  	[sflag:s22] =	ssyncadd.s32 s4;
	_ =	sdelay $0x1  }
0xa1: {  	s23 =	simm.s32 $0x1B8B  }
0xa2: {  	_ =	swait.ge [sflag:s23], $0x1  }
0xa3: {  	[sflag:s23] =	ssyncset.done $0x0  }
0xa4: {  	s25 =	simm.s32 $0x1B8E;
	s24 =	sld [smem:$0x3FFE];
	[sflag:s23] =	ssyncadd.s32 $0xFFFFFFFF  }
0xa5: {  	s26 =	simm.s32 $execute0_lowered;
	[smem:$0x3FD2] =	sst s25  }
0xa6: {  	s5 =	sshll.u32 s26, $0x1;
	_ =	strace $0x8000004C;
	[dreg:$0x1] =	wrdreg $0xFFFFFFFF  }
0xa7: {  	s28 =	simm.s32 $_size_execute0_lowered;
	s3 =	sadd.s32 s3, s5;
	[dreg:$0x0] =	wrdreg $0x0  }
0xa8: {  	s5 =	sshll.u32 s28, $0x1;
	[dreg:$0x2] =	wrdreg s3  }
0xa9: {  	[dreg:$0x3] =	wrdreg s5  }
0xaa: {  	[dreg:$0x4] =	wrdreg $0xC0  }
0xab: {  	_ =	task [dreg:s7], $0x5FFFF  }
0xac: {  	[dreg:$0x1] =	wrdreg $0xFFFFFFFF  }
0xad: {  	[dreg:$0x0] =	wrdreg $0x60  }
0xae: {  	[dreg:$0x2] =	wrdreg s24  }
0xaf: {  	[dreg:$0x3] =	wrdreg s2  }
0xb0: {  	[dreg:$0x4] =	wrdreg $0x13A800  }
0xb1: {  	[dreg:$0x5] =	wrdreg $0x9  }
0xb2: {  	_ =	task.clear_ibuf [dreg:s7], $0x6FFFF;
	_ =	strace $0x9000004C  }
0xb3: {  	s29 =	simm.s32 $0x9;
	_ =	strace $0x8000004E  }
0xb4: {  	_ =	swait.ge [sflag:s29], $0x1  }
0xb5: {  	[sflag:s29] =	ssyncadd.s32 $0xFFFFFFFF  }
0xb6: {  	_ =	strace $0x9000004E  }
0xb7: {  	_ =	sfence  }
0xb8: {  	s30 =	sld [smem:$0x0];
	_ =	sdelay $0x2  }
0xb9: {  	s31 =	sshll.u32 s1, $0xD;
	s1 =	sshrl.u32 s1, $0x2  }
0xba: {  	s3 =	sand.u32 $0x4000, s31;
	s1 =	sadd.s32 s1, s30  }
0xbb: {  	s0 =	sor.u32 s3, s0;
	s1 =	sshll.u32 s1, $0x11  }
0xbc: {  	s0 =	sor.u32 s1, s0  }
0xbd: {  	s0 =	sadd.s32 $0x8F2B, s0  }
0xbe: {  	[sflag:s0] =	ssyncadd.remote.s32 $0x1  }
0xbf: {  	_ =	sfence.sel $0xFFFF  }
0xc0: {  	[dreg:$0x0] =	wrdreg $0xFFFFFFFF;
	(pc) =	sbr.abs _section_cstart, $3  }
0xc1: {  	[dreg:$0x1] =	wrdreg $0xFFFFFFFF  }
0xc2: {  	_ =	task.clear_ibuf [dreg:s7], $0x2FFFF;
	_ =	strace $0x9FFFFFFF  }
0xc3: {  	(tm) =	ssettm $0x7FFFFFFF  }
tec
execute0_lowered:
.L_overlay_start_1:
0x0: {  	(tag) =	ssettag $0x1  }
0x1: {  	s5 =	rddreg [dreg:$0x0]  }
0x2: {  	s0 =	srdreg.scid;
	s6 =	rddreg [dreg:$0x1]  }
0x3: {  	s1 =	rddreg [dreg:$0x2];
	s8 =	stileid.u32;
	s2 =	simm.s32 $0x0  }
0x4: {  	s12 =	simm.s32 $0x1;
	s13 =	simm.s32 $0x2;
	s14 =	simm.s32 $0x3  }
0x5: {  	s15 =	simm.s32 $0x4E20;
	s16 =	simm.s32 $0xEC00;
	s17 =	simm.s32 $0x9D80  }
0x6: {  	s18 =	simm.s32 $0x4;
	s4 =	sand.u32 $0x1, s0;
	s0 =	rddreg [dreg:$0x3]  }
0x7: {  	s19 =	simm.s32 $0x0;
	[smem:$0x7FF] =	sst s2;
	s7 =	sshll.u32 s4, $0x4  }
0x8: {  	p0 =	sne.s32 s8, $0x0;
	_ =	strace $0x8000004D;
	s3 =	sor.u32 s8, s7  }
0x9: {  	s10 =	ssub.s32 $0x2, s4;
	s4 =	sadd.s32 $0x4A00, s5;
	s9 =	smul.u32 $0x2710, s3  }
0xa: {  	s11 =	sshrl.u32 s10, $0x1;
	s7 =	sadd.s32 s7, s5;
	s3 =	sadd.s32 $0x5400, s5  }
0xb: {  	s10 =	ssub.s32 s10, s11;
	s7 =	sadd.s32 $0x5E00, s7;
	s9 =	sshrl.u32 s9, $0x3  }
0xc: {  	s11 =	simm.s32 $0x7600;
	s8 =	smax.u32 s10, $0x1;
	s5 =	sadd.s32 s6, s9  }
0xd: {  	s10 =	simm.s32 $0x4E80;
	s9 =	sshrl.u32 @!p0 s1, $0x3;
	s6 =	sadd.s32 $0x9C40, s5  }
.LBB2_1:
0xe: {  	s20 =	simm.s32 @!p0 $0x1C04  }
0xf: {  	[spmem:s9], [sflag:s20] =	dma.local @!p0 [hbm:s4], $0x9D0  }
0x10: {  	s20 =	simm.s32 @!p0 $0x4  }
0x11: {  	_ =	swait.ge @!p0 [sflag:s20], $0x9D0  }
0x12: {  	[sflag:s20] =	ssyncset.done @!p0 $0x0  }
0x13: {  	[sflag:s20] =	ssyncadd.s32 @!p0 $0xFFFFF630  }
0x14: {  	[tilespmem:s2], [sflag:$0x1] =	stream.linear.gather [hbm4b:s3+s2], $0x4E80, $0x38;
	[tilespmem:$0x13F68] =	vst v63  }
0x15: {  	_ = 	snop  }
0x16: {  	[tilespmem:s10], [sflag:$0x2] =	stream.linear.gather [hbm4b:s5+s2], $0x2710, $0x38;
	[tilespmem:$0x13F68] =	vst v63  }
0x17: {  	_ = 	snop  }
0x18: {  	[tilespmem:s11], [sflag:$0x3] =	stream.linear.gather [hbm4b:s6+s2], $0x2710, $0x38;
	[tilespmem:$0x13F68] =	vst v63  }
0x19: {  	_ =	swait.ge [sflag:s12], $0x4E80  }
0x1a: {  	[sflag:s12] =	ssyncset.done $0x0  }
0x1b: {  	[sflag:s12] =	ssyncadd.s32 $0xFFFFB180  }
0x1c: {  	_ =	swait.ge [sflag:s13], $0x2710  }
0x1d: {  	[sflag:s13] =	ssyncset.done $0x0  }
0x1e: {  	[sflag:s13] =	ssyncadd.s32 $0xFFFFD8F0  }
0x1f: {  	_ =	swait.ge [sflag:s14], $0x2710  }
0x20: {  	[sflag:s14] =	ssyncset.done $0x0  }
0x21: {  	s21 =	simm.s32 $0x0;
	[sflag:s14] =	ssyncadd.s32 $0xFFFFD8F0  }
0x22: {  	v0 =	vld [tilespmem:s21+$0x4E80];
	_ =	sdelay $0x5  }
0x23: {  	v1 =	vadd.s32 $0x3E8, v0  }
0x24: {  	v2 =	vld [tilespmem:s21+$0x7600]  }
0x25: {  	s20 =	simm.s32 $0x10;
	v3 =	vld.idx.msk [tilespmem:v0+s2+$0x0], $0xffff  }
0x26: {  	v0 =	vld [tilespmem:s20+$0x4E80];
	_ =	sdelay $0x1  }
0x27: {  	v1 =	vld.idx.msk [tilespmem:v1+s2+$0x0], $0xffff  }
0x28: {  	[tilespmem:s21+$0xEC00] =	vst v2;
	v2 =	vadd.s32 $0x3E8, v2  }
0x29: {  	[tilespmem:s21+$0x11310] =	vst v2  }
0x2a: {  	[tilespmem:s21+$0x9D80] =	vst v3;
	v3 =	vadd.s32 $0x3E8, v0  }
0x2b: {  	s22 =	simm.s32 $0x80;
	v2 =	vld [tilespmem:s20+$0x7600]  }
.LBB2_2:
0x2c: {  	p1 =	sne.s32 s22, $0x9C00;
	[tilespmem:s21+$0xC490] =	vst v1;
	s23 =	smov.u32 s22;
	s22 =	sadd.s32 $0x40, s22  }
0x2d: {  	s21 =	smov.u32 s20;
	v4 =	vld.idx.msk [tilespmem:v0+s2+$0x0], $0xffff;
	s20 =	sshra.s32 s23, $0x2  }
0x2e: {  	v0 =	vld [tilespmem:s20+$0x4E80]  }
0x2f: {  	v1 =	vld.idx.msk [tilespmem:v3+s2+$0x0], $0xffff  }
.Ltmp0:
0x30: {  	[tilespmem:s21+$0xEC00] =	vst v2;
	v2 =	vadd.s32 $0x3E8, v2;
	(pc) =	sbr.rel @p1 .LBB2_2-.Ltmp0, $3  }
0x31: {  	[tilespmem:s21+$0x11310] =	vst v2;
	_ =	sdelay $0x1  }
0x32: {  	v3 =	vadd.s32 $0x3E8, v0;
	[tilespmem:s21+$0x9D80] =	vst v4  }
0x33: {  	v2 =	vld [tilespmem:s20+$0x7600]  }
0x34: {  	_ =	sdelay $0x2  }
0x35: {  	[tilespmem:s21+$0xC490] =	vst v1  }
0x36: {  	v0 =	vld.idx.msk [tilespmem:v0+s2+$0x0], $0xffff  }
0x37: {  	v1 =	vld.idx.msk [tilespmem:v3+s2+$0x0], $0xffff;
	_ =	sdelay $0x1  }
0x38: {  	[tilespmem:s20+$0xEC00] =	vst v2;
	v63 =	vadd.s32 $0x3E8, v2  }
0x39: {  	[tilespmem:s20+$0x11310] =	vst v63  }
0x3a: {  	[tilespmem:s20+$0x9D80] =	vst v0  }
0x3b: {  	[tilespmem:s20+$0xC490] =	vst v1  }
0x3c: {  	[bflag:$0x0] =	sbarrier.arrive $0xFFFF  }
0x3d: {  	[spmem:s1] =	stream.indirect.scatter.add.f32 [tilespmem:s17], [sflag:$0x4], $0x1, s16, s15, $0xb8;
	[tilespmem:$0x13F68] =	vst v63  }
0x3e: {  	_ =	swait.ge [sflag:s18], $0x4E20  }
0x3f: {  	s21 =	simm.s32 @!p0 $0x20;
	s22 =	simm.s32 @!p0 $0x10;
	[sflag:s18] =	ssyncset.done $0x0  }
0x40: {  	s23 =	simm.s32 @!p0 $0x1C04;
	s19 =	sadd.s32 $0x1, s19;
	[sflag:s18] =	ssyncadd.s32 $0xFFFFB1E0  }
0x41: {  	p1 =	sne.s32 s19, s8;
	s20 =	simm.s32 @!p0 $0x1;
	[bflag:$0x0] =	sbarrier.arrive $0xFFFF  }
0x42: {  	[hbm:s7@s21], [sflag:s23] =	dma.strided @!p0 [spmem:s9@s22], $0x9D0, s20, $0x10   }
.Ltmp1:
0x43: {  	_ = 	snop;
	(pc) =	sbr.rel @p1 .LBB2_1-.Ltmp1, $4  }
0x44: {  	s20 =	simm.s32 @!p0 $0x4  }
0x45: {  	_ =	swait.ge @!p0 [sflag:s20], $0x9D0  }
0x46: {  	[sflag:s20] =	ssyncset.done @!p0 $0x0  }
0x47: {  	[sflag:s20] =	ssyncadd.s32 @!p0 $0xFFFFF630  }
0x48: {  	_ =	sfence.sel $0x180000  }
0x49: {  	[bflag:$0x0] =	sbarrier.arrive $0xFFFF  }
0x4a: {  	_ =	strace $0x9000004D  }
0x4b: {  	s0 =	sadd.s32 @!p0 $0x100000, s0;
	[bflag:$0x2] =	sbarrier.arrive $0xFFFF  }
0x4c: {  	[sflag:s0] =	ssyncadd.tile.s32 @!p0 $0x1;
	_ =	shalt  }
.Lfunc_end2:
_tile_overlayer_lowered:
.L_overlay_start_2:
0x4d: {  	(tag) =	ssettag $0x2  }
0x4e: {  	s0 =	rddreg [dreg:$0x0];
	s2 =	stileid.u32  }
0x4f: {  	s1 =	rddreg [dreg:$0x1];
	p0 =	sne.s32 s2, $0x0  }
0x50: {  	s3 =	rddreg [dreg:$0x2];
	[bflag:$0x3] =	sbarrier.arrive $0xFFFF;
	s2 =	simm.s32 @!p0 $0x1C04  }
0x51: {  	[timem:s3], [sflag:s2] =	dma.local @!p0 [hbm:s0], s1  }
0x52: {  	s0 =	simm.s32 @!p0 $0x4  }
0x53: {  	_ =	swait.ge @!p0 [sflag:s0], s1  }
0x54: {  	s1 =	ssub.s32 @!p0 $0x0, s1;
	[sflag:s0] =	ssyncset.done @!p0 $0x0  }
0x55: {  	[sflag:s0] =	ssyncadd.s32 @!p0 s1  }
0x56: {  	[bflag:$0x3] =	sbarrier.arrive $0xFFFF  }
0x57: {  	_ =	shalt  }

// kernel: kernel.30.cloned.1.call-start
scs
__scs_entry_jumppad:
0x0: {  	(pc) =	sbr.rel $0x88, $3  }
0x1: {  	(tag) =	ssettag $0x0;
	lr =	simm.s32 $0x1  }
0x2: {  	[smem:$0x3F89] =	sst lr;
	_ =	strace $0xD0000000  }
0x3: {  	_ = 	snop  }
0x4: {  	_ = 	snop  }
0x5: {  	_ = 	snop  }
0x6: {  	_ = 	snop  }
0x7: {  	_ = 	snop  }
__scs_overlays_trampoline_lowered:
0x8: {  	[smem:$0x3F98] =	sst s0  }
0x9: {  	[smem:$0x3F99] =	sst s1  }
0xa: {  	[smem:$0x3F9A] =	sst s2  }
0xb: {  	[smem:$0x3F9B] =	sst s3  }
0xc: {  	[smem:$0x3F9C] =	sst s4  }
0xd: {  	[smem:$0x3F9D] =	sst s5  }
0xe: {  	[smem:$0x3F9E] =	sst s6  }
0xf: {  	[smem:$0x3F9F] =	sst s7  }
0x10: {  	[smem:$0x3FA0] =	sst s8  }
0x11: {  	[smem:$0x3FA1] =	sst s9;
	s0 =	simm.s32 @!p0 $0x0  }
0x12: {  	s1 =	sld [smem:$0x3F87];
	s0 =	simm.s32 @p0 $0x1  }
0x13: {  	[smem:$0x3FA2] =	sst s0;
	s0 =	simm.s32 @!p1 $0x0  }
0x14: {  	s2 =	sld [smem:$0x3F86];
	s0 =	simm.s32 @p1 $0x1  }
0x15: {  	[smem:$0x3FA3] =	sst s0;
	s0 =	simm.s32 @!p2 $0x0  }
0x16: {  	s3 =	sld [smem:$0x3FDB];
	s0 =	simm.s32 @p2 $0x1  }
0x17: {  	s4 =	simm.s32 $0x1BF5;
	[smem:$0x3FA5] =	sst s0  }
0x18: {  	s0 =	sld [smem:$0x3F88];
	_ =	swait.ge [sflag:s4], $0x0  }
0x19: {  	s7 =	sld [smem:$0x3F89]  }
0x1a: {  	s8 =	sadd.s32 $0xFFFFE003, lr  }
0x1b: {  	s9 =	sadd.s32 $0xFFFFFEF7, lr;
	s5 =	simm.s32 $0xFFFFFFFF;
	p2 =	slt.u32 s8, $0xFFFFF086  }
0x1c: {  	p1 =	slt.u32 s9, $0xF7A;
	s5 =	simm.s32 @!p2 $0x0  }
0x1d: {  	s5 =	simm.s32 @p1 $0x1;
	p0 =	seq.s32 s7, s2  }
0x1e: {  	s7 =	smul.u32 @!p0 $0xF7A, s2;
	p2 =	seq.s32 @!p0 s5, $0x0  }
0x1f: {  	s9 =	smul.u32 $0xF7A, s1;
	s8 =	simm.s32 @!p0 $0x1BF5;
	p2 =	por !p2, p0  }
0x20: {  	[sflag:s8] =	ssyncset.s32 @!p0 $0xFFFFF086;
	s6 =	sadd.s32 @!p0 s3, s7;
	s7 =	simm.s32 @!p0 $0x108  }
0x21: {  	s3 =	sadd.s32 s3, s9;
	s6 =	sadd.s32 @!p0 $0x88, s6;
	s7 =	simm.s32 @p2 $0x1082  }
0x22: {  	[simem:s7], [sflag:s8] =	dma.local @!p0 [hbm:s6], $0xF7A  }
0x23: {  	s9 =	sor.u32 $0xD0000000, s2;
	s6 =	simm.s32 $0x108;
	_ =	swait.ge @!p0 [sflag:s8], $0x0  }
0x24: {  	s3 =	sadd.s32 $0x88, s3;
	s6 =	simm.s32 @!p1 $0x1082;
	[sflag:s4] =	ssyncset.s32 $0xFFFFF086  }
0x25: {  	[simem:s6], [sflag:s4] =	dma.local [hbm:s3], $0xF7A  }
0x26: {  	[smem:$0x3F89] =	sst s1;
	(tag) =	ssettag s2;
	_ =	strace s9  }
0x27: {  	s1 =	sld [smem:$0x3F99]  }
0x28: {  	s2 =	sld [smem:$0x3F9A]  }
0x29: {  	s4 =	sld [smem:$0x3F9C]  }
0x2a: {  	p0 =	seq.s32 s5, $0x0;
	s5 =	sld [smem:$0x3F9D]  }
0x2b: {  	s6 =	sld [smem:$0x3F9E]  }
0x2c: {  	s7 =	sld [smem:$0x3F9F]  }
0x2d: {  	s3 =	simm.s32 $0x108;
	s8 =	sld [smem:$0x3FA0]  }
0x2e: {  	s3 =	simm.s32 @!p0 $0x1082;
	s9 =	sld [smem:$0x3FA1]  }
0x2f: {  	lr =	sadd.s32 s0, s3;
	s0 =	sld [smem:$0x3F98]  }
0x30: {  	s3 =	sld [smem:$0x3F9B]  }
0x31: {  	[smem:$0x3FA4] =	sst s10  }
0x32: {  	s10 =	sld [smem:$0x3FA2];
	_ =	sdelay $0x3  }
0x33: {  	p0 =	seq.s32 s10, $0x1;
	s10 =	sld [smem:$0x3FA4];
	_ =	sdelay $0x3  }
0x34: {  	[smem:$0x3FA4] =	sst s10  }
0x35: {  	s10 =	sld [smem:$0x3FA3];
	_ =	sdelay $0x3  }
0x36: {  	p1 =	seq.s32 s10, $0x1;
	s10 =	sld [smem:$0x3FA4];
	_ =	sdelay $0x3  }
0x37: {  	[smem:$0x3FA4] =	sst s10  }
0x38: {  	s10 =	sld [smem:$0x3FA5]  }
0x39: {  	_ = 	snop;
	(pc) =	sbr.ind lr, $3  }
0x3a: {  	_ = 	snop  }
0x3b: {  	_ = 	snop  }
0x3c: {  	p2 =	seq.s32 s10, $0x1;
	s10 =	sld [smem:$0x3FA4]  }
0x3d: {  	_ =	shalt  }
0x3e: {  	_ =	shalt  }
0x3f: {  	_ =	shalt  }
0x40: {  	_ =	shalt  }
0x41: {  	_ =	shalt  }
0x42: {  	_ =	shalt  }
0x43: {  	_ =	shalt  }
0x44: {  	_ =	shalt  }
0x45: {  	_ =	shalt  }
0x46: {  	_ =	shalt  }
0x47: {  	_ =	shalt  }
0x48: {  	_ =	shalt  }
0x49: {  	_ =	shalt  }
0x4a: {  	_ =	shalt  }
0x4b: {  	_ =	shalt  }
0x4c: {  	_ =	shalt  }
0x4d: {  	_ =	shalt  }
0x4e: {  	_ =	shalt  }
0x4f: {  	_ =	shalt  }
0x50: {  	_ =	shalt  }
0x51: {  	_ =	shalt  }
0x52: {  	_ =	shalt  }
0x53: {  	_ =	shalt  }
0x54: {  	_ =	shalt  }
0x55: {  	_ =	shalt  }
0x56: {  	_ =	shalt  }
0x57: {  	_ =	shalt  }
0x58: {  	_ =	shalt  }
0x59: {  	_ =	shalt  }
0x5a: {  	_ =	shalt  }
0x5b: {  	_ =	shalt  }
0x5c: {  	_ =	shalt  }
0x5d: {  	_ =	shalt  }
0x5e: {  	_ =	shalt  }
0x5f: {  	_ =	shalt  }
0x60: {  	_ =	shalt  }
0x61: {  	_ =	shalt  }
0x62: {  	_ =	shalt  }
0x63: {  	_ =	shalt  }
0x64: {  	_ =	shalt  }
0x65: {  	_ =	shalt  }
0x66: {  	_ =	shalt  }
0x67: {  	_ =	shalt  }
0x68: {  	_ =	shalt  }
0x69: {  	_ =	shalt  }
0x6a: {  	_ =	shalt  }
0x6b: {  	_ =	shalt  }
0x6c: {  	_ =	shalt  }
0x6d: {  	_ =	shalt  }
0x6e: {  	_ =	shalt  }
0x6f: {  	_ =	shalt  }
0x70: {  	_ =	shalt  }
0x71: {  	_ =	shalt  }
0x72: {  	_ =	shalt  }
0x73: {  	_ =	shalt  }
0x74: {  	_ =	shalt  }
0x75: {  	_ =	shalt  }
0x76: {  	_ =	shalt  }
0x77: {  	_ =	shalt  }
0x78: {  	_ =	shalt  }
0x79: {  	_ =	shalt  }
0x7a: {  	_ =	shalt  }
0x7b: {  	_ =	shalt  }
0x7c: {  	_ =	shalt  }
0x7d: {  	_ =	shalt  }
0x7e: {  	_ =	shalt  }
0x7f: {  	_ =	shalt  }
0x80: {  	_ =	shalt  }
0x81: {  	_ =	shalt  }
0x82: {  	_ =	shalt  }
0x83: {  	_ =	shalt  }
0x84: {  	_ =	shalt  }
0x85: {  	_ =	shalt  }
0x86: {  	_ =	shalt  }
0x87: {  	_ =	shalt  }
.Lfunc_end0:
.L_simem_size_0:
called_computation.3_lowered:
.L_overlay_start_0:
0x88: {  	s2 =	sld [smem:$0x3FD9]  }
0x89: {  	s3 =	sld [smem:$0x3FFE];
	_ =	sdelay $0x1  }
0x8a: {  	s1 =	srdreg.scid  }
0x8b: {  	s0 =	sand.u32 $0x1, s1  }
0x8c: {  	s17 =	sshll.u32 s0, $0xA;
	s2 =	sadd.s32 s3, s2  }
0x8d: {  	s2 =	sadd.s32 s2, s17  }
0x8e: {  	[smem:$0x3FB0] =	sst s2  }
0x8f: {  	_ = 	snop  }
0x90: {  	s2 =	sld [smem:$0x3FD0];
	(tm) =	ssettm $0x1  }
0x91: {  	s18 =	sld [smem:$0x3FFB];
	_ =	sdelay $0x3  }
0x92: {  	_ =	strace s18  }
0x93: {  	s3 =	sld [smem:$0x3FFC];
	_ =	sdelay $0x3  }
0x94: {  	_ =	strace s3  }
0x95: {  	s3 =	sld [smem:$0x3FFD];
	_ =	sdelay $0x3  }
0x96: {  	_ =	strace s3  }
0x97: {  	_ =	strace $0x8FFFFFFF  }
0x98: {  	s19 =	sld [smem:$0x3FDB];
	_ =	sdelay $0x1  }
0x99: {  	s4 =	simm.s32 $_scs_section_size  }
0x9a: {  	s5 =	simm.s32 $_size__tile_overlayer_lowered;
	s6 =	simm.s32 $_tile_overlayer_lowered  }
0x9b: {  	s22 =	simm.s32 $0x1BFF;
	s21 =	sshll.u32 s6, $0x1;
	s3 =	sadd.s32 s4, s19  }
0x9c: {  	s7 =	simm.s32 $0x0;
	s20 =	sshll.u32 s5, $0x1;
	s5 =	sadd.s32 s21, s3  }
0x9d: {  	[timem:s7], [sflag:s22] =	dma.local [hbm:s5], s20  }
0x9e: {  	_ =	swait.ge [sflag:s22], s20  }
0x9f: {  	s4 =	ssub.s32 $0x0, s20;
	[sflag:s22] =	ssyncset.done $0x0  }
0xa0: {  	[sflag:s22] =	ssyncadd.s32 s4;
	_ =	sdelay $0x1  }
0xa1: {  	s23 =	simm.s32 $0x1B8B  }
0xa2: {  	_ =	swait.ge [sflag:s23], $0x1  }
0xa3: {  	[sflag:s23] =	ssyncset.done $0x0  }
0xa4: {  	s25 =	simm.s32 $0x1B8E;
	s24 =	sld [smem:$0x3FFE];
	[sflag:s23] =	ssyncadd.s32 $0xFFFFFFFF  }
0xa5: {  	s26 =	simm.s32 $execute0_lowered;
	[smem:$0x3FD2] =	sst s25  }
0xa6: {  	s5 =	sshll.u32 s26, $0x1;
	_ =	strace $0x8000004F;
	[dreg:$0x1] =	wrdreg $0xFFFFFFFF  }
0xa7: {  	s28 =	simm.s32 $_size_execute0_lowered;
	s3 =	sadd.s32 s3, s5;
	[dreg:$0x0] =	wrdreg $0x0  }
0xa8: {  	s5 =	sshll.u32 s28, $0x1;
	[dreg:$0x2] =	wrdreg s3  }
0xa9: {  	[dreg:$0x3] =	wrdreg s5  }
0xaa: {  	[dreg:$0x4] =	wrdreg $0xC0  }
0xab: {  	_ =	task [dreg:s7], $0x5FFFF  }
0xac: {  	[dreg:$0x1] =	wrdreg $0xFFFFFFFF  }
0xad: {  	[dreg:$0x0] =	wrdreg $0x60  }
0xae: {  	[dreg:$0x2] =	wrdreg s24  }
0xaf: {  	[dreg:$0x3] =	wrdreg s2  }
0xb0: {  	[dreg:$0x4] =	wrdreg $0x13A800  }
0xb1: {  	[dreg:$0x5] =	wrdreg $0x9  }
0xb2: {  	_ =	task.clear_ibuf [dreg:s7], $0x6FFFF;
	_ =	strace $0x9000004F  }
0xb3: {  	s29 =	simm.s32 $0x9;
	_ =	strace $0x80000051  }
0xb4: {  	_ =	swait.ge [sflag:s29], $0x1  }
0xb5: {  	[sflag:s29] =	ssyncadd.s32 $0xFFFFFFFF  }
0xb6: {  	_ =	strace $0x90000051  }
0xb7: {  	_ =	sfence  }
0xb8: {  	s30 =	sld [smem:$0x0];
	_ =	sdelay $0x2  }
0xb9: {  	s31 =	sshll.u32 s1, $0xD;
	s1 =	sshrl.u32 s1, $0x2  }
0xba: {  	s3 =	sand.u32 $0x4000, s31;
	s1 =	sadd.s32 s1, s30  }
0xbb: {  	s0 =	sor.u32 s3, s0;
	s1 =	sshll.u32 s1, $0x11  }
0xbc: {  	s0 =	sor.u32 s1, s0  }
0xbd: {  	s0 =	sadd.s32 $0x8F2B, s0  }
0xbe: {  	[sflag:s0] =	ssyncadd.remote.s32 $0x1  }
0xbf: {  	_ =	sfence.sel $0xFFFF  }
0xc0: {  	[dreg:$0x0] =	wrdreg $0xFFFFFFFF;
	(pc) =	sbr.abs _section_cstart, $3  }
0xc1: {  	[dreg:$0x1] =	wrdreg $0xFFFFFFFF  }
0xc2: {  	_ =	task.clear_ibuf [dreg:s7], $0x2FFFF;
	_ =	strace $0x9FFFFFFF  }
0xc3: {  	(tm) =	ssettm $0x7FFFFFFF  }
tec
execute0_lowered:
.L_overlay_start_1:
0x0: {  	(tag) =	ssettag $0x1  }
0x1: {  	s5 =	rddreg [dreg:$0x0]  }
0x2: {  	s0 =	srdreg.scid;
	s6 =	rddreg [dreg:$0x1]  }
0x3: {  	s1 =	rddreg [dreg:$0x2];
	s8 =	stileid.u32;
	s2 =	simm.s32 $0x0  }
0x4: {  	s12 =	simm.s32 $0x1;
	s13 =	simm.s32 $0x2;
	s14 =	simm.s32 $0x3  }
0x5: {  	s15 =	simm.s32 $0x4E20;
	s16 =	simm.s32 $0xEC00;
	s17 =	simm.s32 $0x9D80  }
0x6: {  	s18 =	simm.s32 $0x4;
	s4 =	sand.u32 $0x1, s0;
	s0 =	rddreg [dreg:$0x3]  }
0x7: {  	s19 =	simm.s32 $0x0;
	[smem:$0x7FF] =	sst s2;
	s7 =	sshll.u32 s4, $0x4  }
0x8: {  	p0 =	sne.s32 s8, $0x0;
	_ =	strace $0x80000050;
	s3 =	sor.u32 s8, s7  }
0x9: {  	s10 =	ssub.s32 $0x2, s4;
	s4 =	sadd.s32 $0x4A00, s5;
	s9 =	smul.u32 $0x2710, s3  }
0xa: {  	s11 =	sshrl.u32 s10, $0x1;
	s7 =	sadd.s32 s7, s5;
	s3 =	sadd.s32 $0x5400, s5  }
0xb: {  	s10 =	ssub.s32 s10, s11;
	s7 =	sadd.s32 $0x5E00, s7;
	s9 =	sshrl.u32 s9, $0x3  }
0xc: {  	s11 =	simm.s32 $0x7600;
	s8 =	smax.u32 s10, $0x1;
	s5 =	sadd.s32 s6, s9  }
0xd: {  	s10 =	simm.s32 $0x4E80;
	s9 =	sshrl.u32 @!p0 s1, $0x3;
	s6 =	sadd.s32 $0x9C40, s5  }
.LBB2_1:
0xe: {  	s20 =	simm.s32 @!p0 $0x1C04  }
0xf: {  	[spmem:s9], [sflag:s20] =	dma.local @!p0 [hbm:s4], $0x9D0  }
0x10: {  	s20 =	simm.s32 @!p0 $0x4  }
0x11: {  	_ =	swait.ge @!p0 [sflag:s20], $0x9D0  }
0x12: {  	[sflag:s20] =	ssyncset.done @!p0 $0x0  }
0x13: {  	[sflag:s20] =	ssyncadd.s32 @!p0 $0xFFFFF630  }
0x14: {  	[tilespmem:s2], [sflag:$0x1] =	stream.linear.gather [hbm4b:s3+s2], $0x4E80, $0x38;
	[tilespmem:$0x13F68] =	vst v63  }
0x15: {  	_ = 	snop  }
0x16: {  	[tilespmem:s10], [sflag:$0x2] =	stream.linear.gather [hbm4b:s5+s2], $0x2710, $0x38;
	[tilespmem:$0x13F68] =	vst v63  }
0x17: {  	_ = 	snop  }
0x18: {  	[tilespmem:s11], [sflag:$0x3] =	stream.linear.gather [hbm4b:s6+s2], $0x2710, $0x38;
	[tilespmem:$0x13F68] =	vst v63  }
0x19: {  	_ =	swait.ge [sflag:s12], $0x4E80  }
0x1a: {  	[sflag:s12] =	ssyncset.done $0x0  }
0x1b: {  	[sflag:s12] =	ssyncadd.s32 $0xFFFFB180  }
0x1c: {  	_ =	swait.ge [sflag:s13], $0x2710  }
0x1d: {  	[sflag:s13] =	ssyncset.done $0x0  }
0x1e: {  	[sflag:s13] =	ssyncadd.s32 $0xFFFFD8F0  }
0x1f: {  	_ =	swait.ge [sflag:s14], $0x2710  }
0x20: {  	[sflag:s14] =	ssyncset.done $0x0  }
0x21: {  	s21 =	simm.s32 $0x0;
	[sflag:s14] =	ssyncadd.s32 $0xFFFFD8F0  }
0x22: {  	v0 =	vld [tilespmem:s21+$0x4E80];
	_ =	sdelay $0x5  }
0x23: {  	v1 =	vadd.s32 $0x3E8, v0  }
0x24: {  	v2 =	vld [tilespmem:s21+$0x7600]  }
0x25: {  	s20 =	simm.s32 $0x10;
	v3 =	vld.idx.msk [tilespmem:v0+s2+$0x0], $0xffff  }
0x26: {  	v0 =	vld [tilespmem:s20+$0x4E80];
	_ =	sdelay $0x1  }
0x27: {  	v1 =	vld.idx.msk [tilespmem:v1+s2+$0x0], $0xffff  }
0x28: {  	[tilespmem:s21+$0xEC00] =	vst v2;
	v2 =	vadd.s32 $0x3E8, v2  }
0x29: {  	[tilespmem:s21+$0x11310] =	vst v2  }
0x2a: {  	[tilespmem:s21+$0x9D80] =	vst v3;
	v3 =	vadd.s32 $0x3E8, v0  }
0x2b: {  	s22 =	simm.s32 $0x80;
	v2 =	vld [tilespmem:s20+$0x7600]  }
.LBB2_2:
0x2c: {  	p1 =	sne.s32 s22, $0x9C00;
	[tilespmem:s21+$0xC490] =	vst v1;
	s23 =	smov.u32 s22;
	s22 =	sadd.s32 $0x40, s22  }
0x2d: {  	s21 =	smov.u32 s20;
	v4 =	vld.idx.msk [tilespmem:v0+s2+$0x0], $0xffff;
	s20 =	sshra.s32 s23, $0x2  }
0x2e: {  	v0 =	vld [tilespmem:s20+$0x4E80]  }
0x2f: {  	v1 =	vld.idx.msk [tilespmem:v3+s2+$0x0], $0xffff  }
.Ltmp0:
0x30: {  	[tilespmem:s21+$0xEC00] =	vst v2;
	v2 =	vadd.s32 $0x3E8, v2;
	(pc) =	sbr.rel @p1 .LBB2_2-.Ltmp0, $3  }
0x31: {  	[tilespmem:s21+$0x11310] =	vst v2;
	_ =	sdelay $0x1  }
0x32: {  	v3 =	vadd.s32 $0x3E8, v0;
	[tilespmem:s21+$0x9D80] =	vst v4  }
0x33: {  	v2 =	vld [tilespmem:s20+$0x7600]  }
0x34: {  	_ =	sdelay $0x2  }
0x35: {  	[tilespmem:s21+$0xC490] =	vst v1  }
0x36: {  	v0 =	vld.idx.msk [tilespmem:v0+s2+$0x0], $0xffff  }
0x37: {  	v1 =	vld.idx.msk [tilespmem:v3+s2+$0x0], $0xffff;
	_ =	sdelay $0x1  }
0x38: {  	[tilespmem:s20+$0xEC00] =	vst v2;
	v63 =	vadd.s32 $0x3E8, v2  }
0x39: {  	[tilespmem:s20+$0x11310] =	vst v63  }
0x3a: {  	[tilespmem:s20+$0x9D80] =	vst v0  }
0x3b: {  	[tilespmem:s20+$0xC490] =	vst v1  }
0x3c: {  	[bflag:$0x0] =	sbarrier.arrive $0xFFFF  }
0x3d: {  	[spmem:s1] =	stream.indirect.scatter.add.f32 [tilespmem:s17], [sflag:$0x4], $0x1, s16, s15, $0xb8;
	[tilespmem:$0x13F68] =	vst v63  }
0x3e: {  	_ =	swait.ge [sflag:s18], $0x4E20  }
0x3f: {  	s21 =	simm.s32 @!p0 $0x20;
	s22 =	simm.s32 @!p0 $0x10;
	[sflag:s18] =	ssyncset.done $0x0  }
0x40: {  	s23 =	simm.s32 @!p0 $0x1C04;
	s19 =	sadd.s32 $0x1, s19;
	[sflag:s18] =	ssyncadd.s32 $0xFFFFB1E0  }
0x41: {  	p1 =	sne.s32 s19, s8;
	s20 =	simm.s32 @!p0 $0x1;
	[bflag:$0x0] =	sbarrier.arrive $0xFFFF  }
0x42: {  	[hbm:s7@s21], [sflag:s23] =	dma.strided @!p0 [spmem:s9@s22], $0x9D0, s20, $0x10   }
.Ltmp1:
0x43: {  	_ = 	snop;
	(pc) =	sbr.rel @p1 .LBB2_1-.Ltmp1, $4  }
0x44: {  	s20 =	simm.s32 @!p0 $0x4  }
0x45: {  	_ =	swait.ge @!p0 [sflag:s20], $0x9D0  }
0x46: {  	[sflag:s20] =	ssyncset.done @!p0 $0x0  }
0x47: {  	[sflag:s20] =	ssyncadd.s32 @!p0 $0xFFFFF630  }
0x48: {  	_ =	sfence.sel $0x180000  }
0x49: {  	[bflag:$0x0] =	sbarrier.arrive $0xFFFF  }
0x4a: {  	_ =	strace $0x90000050  }
0x4b: {  	s0 =	sadd.s32 @!p0 $0x100000, s0;
	[bflag:$0x2] =	sbarrier.arrive $0xFFFF  }
0x4c: {  	[sflag:s0] =	ssyncadd.tile.s32 @!p0 $0x1;
	_ =	shalt  }
.Lfunc_end2:
_tile_overlayer_lowered:
.L_overlay_start_2:
0x4d: {  	(tag) =	ssettag $0x2  }
0x4e: {  	s0 =	rddreg [dreg:$0x0];
	s2 =	stileid.u32  }
0x4f: {  	s1 =	rddreg [dreg:$0x1];
	p0 =	sne.s32 s2, $0x0  }
0x50: {  	s3 =	rddreg [dreg:$0x2];
	[bflag:$0x3] =	sbarrier.arrive $0xFFFF;
	s2 =	simm.s32 @!p0 $0x1C04  }
0x51: {  	[timem:s3], [sflag:s2] =	dma.local @!p0 [hbm:s0], s1  }
0x52: {  	s0 =	simm.s32 @!p0 $0x4  }
0x53: {  	_ =	swait.ge @!p0 [sflag:s0], s1  }
0x54: {  	s1 =	ssub.s32 @!p0 $0x0, s1;
	[sflag:s0] =	ssyncset.done @!p0 $0x0  }
0x55: {  	[sflag:s0] =	ssyncadd.s32 @!p0 s1  }
0x56: {  	[bflag:$0x3] =	sbarrier.arrive $0xFFFF  }
0x57: {  	_ =	shalt  }

// kernel: kernel.33.cloned.1.call-start
scs
__scs_entry_jumppad:
0x0: {  	(pc) =	sbr.rel $0x88, $3  }
0x1: {  	(tag) =	ssettag $0x0;
	lr =	simm.s32 $0x1  }
0x2: {  	[smem:$0x3F89] =	sst lr;
	_ =	strace $0xD0000000  }
0x3: {  	_ = 	snop  }
0x4: {  	_ = 	snop  }
0x5: {  	_ = 	snop  }
0x6: {  	_ = 	snop  }
0x7: {  	_ = 	snop  }
__scs_overlays_trampoline_lowered:
0x8: {  	[smem:$0x3F98] =	sst s0  }
0x9: {  	[smem:$0x3F99] =	sst s1  }
0xa: {  	[smem:$0x3F9A] =	sst s2  }
0xb: {  	[smem:$0x3F9B] =	sst s3  }
0xc: {  	[smem:$0x3F9C] =	sst s4  }
0xd: {  	[smem:$0x3F9D] =	sst s5  }
0xe: {  	[smem:$0x3F9E] =	sst s6  }
0xf: {  	[smem:$0x3F9F] =	sst s7  }
0x10: {  	[smem:$0x3FA0] =	sst s8  }
0x11: {  	[smem:$0x3FA1] =	sst s9;
	s0 =	simm.s32 @!p0 $0x0  }
0x12: {  	s1 =	sld [smem:$0x3F87];
	s0 =	simm.s32 @p0 $0x1  }
0x13: {  	[smem:$0x3FA2] =	sst s0;
	s0 =	simm.s32 @!p1 $0x0  }
0x14: {  	s2 =	sld [smem:$0x3F86];
	s0 =	simm.s32 @p1 $0x1  }
0x15: {  	[smem:$0x3FA3] =	sst s0;
	s0 =	simm.s32 @!p2 $0x0  }
0x16: {  	s3 =	sld [smem:$0x3FDB];
	s0 =	simm.s32 @p2 $0x1  }
0x17: {  	s4 =	simm.s32 $0x1BF5;
	[smem:$0x3FA5] =	sst s0  }
0x18: {  	s0 =	sld [smem:$0x3F88];
	_ =	swait.ge [sflag:s4], $0x0  }
0x19: {  	s7 =	sld [smem:$0x3F89]  }
0x1a: {  	s8 =	sadd.s32 $0xFFFFE003, lr  }
0x1b: {  	s9 =	sadd.s32 $0xFFFFFEF7, lr;
	s5 =	simm.s32 $0xFFFFFFFF;
	p2 =	slt.u32 s8, $0xFFFFF086  }
0x1c: {  	p1 =	slt.u32 s9, $0xF7A;
	s5 =	simm.s32 @!p2 $0x0  }
0x1d: {  	s5 =	simm.s32 @p1 $0x1;
	p0 =	seq.s32 s7, s2  }
0x1e: {  	s7 =	smul.u32 @!p0 $0xF7A, s2;
	p2 =	seq.s32 @!p0 s5, $0x0  }
0x1f: {  	s9 =	smul.u32 $0xF7A, s1;
	s8 =	simm.s32 @!p0 $0x1BF5;
	p2 =	por !p2, p0  }
0x20: {  	[sflag:s8] =	ssyncset.s32 @!p0 $0xFFFFF086;
	s6 =	sadd.s32 @!p0 s3, s7;
	s7 =	simm.s32 @!p0 $0x108  }
0x21: {  	s3 =	sadd.s32 s3, s9;
	s6 =	sadd.s32 @!p0 $0x88, s6;
	s7 =	simm.s32 @p2 $0x1082  }
0x22: {  	[simem:s7], [sflag:s8] =	dma.local @!p0 [hbm:s6], $0xF7A  }
0x23: {  	s9 =	sor.u32 $0xD0000000, s2;
	s6 =	simm.s32 $0x108;
	_ =	swait.ge @!p0 [sflag:s8], $0x0  }
0x24: {  	s3 =	sadd.s32 $0x88, s3;
	s6 =	simm.s32 @!p1 $0x1082;
	[sflag:s4] =	ssyncset.s32 $0xFFFFF086  }
0x25: {  	[simem:s6], [sflag:s4] =	dma.local [hbm:s3], $0xF7A  }
0x26: {  	[smem:$0x3F89] =	sst s1;
	(tag) =	ssettag s2;
	_ =	strace s9  }
0x27: {  	s1 =	sld [smem:$0x3F99]  }
0x28: {  	s2 =	sld [smem:$0x3F9A]  }
0x29: {  	s4 =	sld [smem:$0x3F9C]  }
0x2a: {  	p0 =	seq.s32 s5, $0x0;
	s5 =	sld [smem:$0x3F9D]  }
0x2b: {  	s6 =	sld [smem:$0x3F9E]  }
0x2c: {  	s7 =	sld [smem:$0x3F9F]  }
0x2d: {  	s3 =	simm.s32 $0x108;
	s8 =	sld [smem:$0x3FA0]  }
0x2e: {  	s3 =	simm.s32 @!p0 $0x1082;
	s9 =	sld [smem:$0x3FA1]  }
0x2f: {  	lr =	sadd.s32 s0, s3;
	s0 =	sld [smem:$0x3F98]  }
0x30: {  	s3 =	sld [smem:$0x3F9B]  }
0x31: {  	[smem:$0x3FA4] =	sst s10  }
0x32: {  	s10 =	sld [smem:$0x3FA2];
	_ =	sdelay $0x3  }
0x33: {  	p0 =	seq.s32 s10, $0x1;
	s10 =	sld [smem:$0x3FA4];
	_ =	sdelay $0x3  }
0x34: {  	[smem:$0x3FA4] =	sst s10  }
0x35: {  	s10 =	sld [smem:$0x3FA3];
	_ =	sdelay $0x3  }
0x36: {  	p1 =	seq.s32 s10, $0x1;
	s10 =	sld [smem:$0x3FA4];
	_ =	sdelay $0x3  }
0x37: {  	[smem:$0x3FA4] =	sst s10  }
0x38: {  	s10 =	sld [smem:$0x3FA5]  }
0x39: {  	_ = 	snop;
	(pc) =	sbr.ind lr, $3  }
0x3a: {  	_ = 	snop  }
0x3b: {  	_ = 	snop  }
0x3c: {  	p2 =	seq.s32 s10, $0x1;
	s10 =	sld [smem:$0x3FA4]  }
0x3d: {  	_ =	shalt  }
0x3e: {  	_ =	shalt  }
0x3f: {  	_ =	shalt  }
0x40: {  	_ =	shalt  }
0x41: {  	_ =	shalt  }
0x42: {  	_ =	shalt  }
0x43: {  	_ =	shalt  }
0x44: {  	_ =	shalt  }
0x45: {  	_ =	shalt  }
0x46: {  	_ =	shalt  }
0x47: {  	_ =	shalt  }
0x48: {  	_ =	shalt  }
0x49: {  	_ =	shalt  }
0x4a: {  	_ =	shalt  }
0x4b: {  	_ =	shalt  }
0x4c: {  	_ =	shalt  }
0x4d: {  	_ =	shalt  }
0x4e: {  	_ =	shalt  }
0x4f: {  	_ =	shalt  }
0x50: {  	_ =	shalt  }
0x51: {  	_ =	shalt  }
0x52: {  	_ =	shalt  }
0x53: {  	_ =	shalt  }
0x54: {  	_ =	shalt  }
0x55: {  	_ =	shalt  }
0x56: {  	_ =	shalt  }
0x57: {  	_ =	shalt  }
0x58: {  	_ =	shalt  }
0x59: {  	_ =	shalt  }
0x5a: {  	_ =	shalt  }
0x5b: {  	_ =	shalt  }
0x5c: {  	_ =	shalt  }
0x5d: {  	_ =	shalt  }
0x5e: {  	_ =	shalt  }
0x5f: {  	_ =	shalt  }
0x60: {  	_ =	shalt  }
0x61: {  	_ =	shalt  }
0x62: {  	_ =	shalt  }
0x63: {  	_ =	shalt  }
0x64: {  	_ =	shalt  }
0x65: {  	_ =	shalt  }
0x66: {  	_ =	shalt  }
0x67: {  	_ =	shalt  }
0x68: {  	_ =	shalt  }
0x69: {  	_ =	shalt  }
0x6a: {  	_ =	shalt  }
0x6b: {  	_ =	shalt  }
0x6c: {  	_ =	shalt  }
0x6d: {  	_ =	shalt  }
0x6e: {  	_ =	shalt  }
0x6f: {  	_ =	shalt  }
0x70: {  	_ =	shalt  }
0x71: {  	_ =	shalt  }
0x72: {  	_ =	shalt  }
0x73: {  	_ =	shalt  }
0x74: {  	_ =	shalt  }
0x75: {  	_ =	shalt  }
0x76: {  	_ =	shalt  }
0x77: {  	_ =	shalt  }
0x78: {  	_ =	shalt  }
0x79: {  	_ =	shalt  }
0x7a: {  	_ =	shalt  }
0x7b: {  	_ =	shalt  }
0x7c: {  	_ =	shalt  }
0x7d: {  	_ =	shalt  }
0x7e: {  	_ =	shalt  }
0x7f: {  	_ =	shalt  }
0x80: {  	_ =	shalt  }
0x81: {  	_ =	shalt  }
0x82: {  	_ =	shalt  }
0x83: {  	_ =	shalt  }
0x84: {  	_ =	shalt  }
0x85: {  	_ =	shalt  }
0x86: {  	_ =	shalt  }
0x87: {  	_ =	shalt  }
.Lfunc_end0:
.L_simem_size_0:
called_computation.4_lowered:
.L_overlay_start_0:
0x88: {  	s2 =	sld [smem:$0x3FD9]  }
0x89: {  	s3 =	sld [smem:$0x3FFE];
	_ =	sdelay $0x1  }
0x8a: {  	s1 =	srdreg.scid  }
0x8b: {  	s0 =	sand.u32 $0x1, s1  }
0x8c: {  	s17 =	sshll.u32 s0, $0xA;
	s2 =	sadd.s32 s3, s2  }
0x8d: {  	s2 =	sadd.s32 s2, s17  }
0x8e: {  	[smem:$0x3FB0] =	sst s2  }
0x8f: {  	_ = 	snop  }
0x90: {  	s2 =	sld [smem:$0x3FD0];
	(tm) =	ssettm $0x1  }
0x91: {  	s18 =	sld [smem:$0x3FFB];
	_ =	sdelay $0x3  }
0x92: {  	_ =	strace s18  }
0x93: {  	s3 =	sld [smem:$0x3FFC];
	_ =	sdelay $0x3  }
0x94: {  	_ =	strace s3  }
0x95: {  	s3 =	sld [smem:$0x3FFD];
	_ =	sdelay $0x3  }
0x96: {  	_ =	strace s3  }
0x97: {  	_ =	strace $0x8FFFFFFF  }
0x98: {  	s19 =	sld [smem:$0x3FDB];
	_ =	sdelay $0x1  }
0x99: {  	s4 =	simm.s32 $_scs_section_size  }
0x9a: {  	s5 =	simm.s32 $_size__tile_overlayer_lowered;
	s6 =	simm.s32 $_tile_overlayer_lowered  }
0x9b: {  	s22 =	simm.s32 $0x1BFF;
	s21 =	sshll.u32 s6, $0x1;
	s3 =	sadd.s32 s4, s19  }
0x9c: {  	s7 =	simm.s32 $0x0;
	s20 =	sshll.u32 s5, $0x1;
	s5 =	sadd.s32 s21, s3  }
0x9d: {  	[timem:s7], [sflag:s22] =	dma.local [hbm:s5], s20  }
0x9e: {  	_ =	swait.ge [sflag:s22], s20  }
0x9f: {  	s4 =	ssub.s32 $0x0, s20;
	[sflag:s22] =	ssyncset.done $0x0  }
0xa0: {  	[sflag:s22] =	ssyncadd.s32 s4;
	_ =	sdelay $0x1  }
0xa1: {  	s23 =	simm.s32 $0x1B8B  }
0xa2: {  	_ =	swait.ge [sflag:s23], $0x1  }
0xa3: {  	[sflag:s23] =	ssyncset.done $0x0  }
0xa4: {  	s25 =	simm.s32 $0x1B8E;
	s24 =	sld [smem:$0x3FFE];
	[sflag:s23] =	ssyncadd.s32 $0xFFFFFFFF  }
0xa5: {  	s26 =	simm.s32 $execute0_lowered;
	[smem:$0x3FD2] =	sst s25  }
0xa6: {  	s5 =	sshll.u32 s26, $0x1;
	_ =	strace $0x80000052;
	[dreg:$0x1] =	wrdreg $0xFFFFFFFF  }
0xa7: {  	s28 =	simm.s32 $_size_execute0_lowered;
	s3 =	sadd.s32 s3, s5;
	[dreg:$0x0] =	wrdreg $0x0  }
0xa8: {  	s5 =	sshll.u32 s28, $0x1;
	[dreg:$0x2] =	wrdreg s3  }
0xa9: {  	[dreg:$0x3] =	wrdreg s5  }
0xaa: {  	[dreg:$0x4] =	wrdreg $0xC0  }
0xab: {  	_ =	task [dreg:s7], $0x5FFFF  }
0xac: {  	[dreg:$0x1] =	wrdreg $0xFFFFFFFF  }
0xad: {  	[dreg:$0x0] =	wrdreg $0x60  }
0xae: {  	[dreg:$0x2] =	wrdreg s24  }
0xaf: {  	[dreg:$0x3] =	wrdreg s2  }
0xb0: {  	[dreg:$0x4] =	wrdreg $0x13A800  }
0xb1: {  	[dreg:$0x5] =	wrdreg $0x9  }
0xb2: {  	_ =	task.clear_ibuf [dreg:s7], $0x6FFFF;
	_ =	strace $0x90000052  }
0xb3: {  	s29 =	simm.s32 $0x9;
	_ =	strace $0x80000054  }
0xb4: {  	_ =	swait.ge [sflag:s29], $0x1  }
0xb5: {  	[sflag:s29] =	ssyncadd.s32 $0xFFFFFFFF  }
0xb6: {  	_ =	strace $0x90000054  }
0xb7: {  	_ =	sfence  }
0xb8: {  	s30 =	sld [smem:$0x0];
	_ =	sdelay $0x2  }
0xb9: {  	s31 =	sshll.u32 s1, $0xD;
	s1 =	sshrl.u32 s1, $0x2  }
0xba: {  	s3 =	sand.u32 $0x4000, s31;
	s1 =	sadd.s32 s1, s30  }
0xbb: {  	s0 =	sor.u32 s3, s0;
	s1 =	sshll.u32 s1, $0x11  }
0xbc: {  	s0 =	sor.u32 s1, s0  }
0xbd: {  	s0 =	sadd.s32 $0x8F2B, s0  }
0xbe: {  	[sflag:s0] =	ssyncadd.remote.s32 $0x1  }
0xbf: {  	_ =	sfence.sel $0xFFFF  }
0xc0: {  	[dreg:$0x0] =	wrdreg $0xFFFFFFFF;
	(pc) =	sbr.abs _section_cstart, $3  }
0xc1: {  	[dreg:$0x1] =	wrdreg $0xFFFFFFFF  }
0xc2: {  	_ =	task.clear_ibuf [dreg:s7], $0x2FFFF;
	_ =	strace $0x9FFFFFFF  }
0xc3: {  	(tm) =	ssettm $0x7FFFFFFF  }
tec
execute0_lowered:
.L_overlay_start_1:
0x0: {  	(tag) =	ssettag $0x1  }
0x1: {  	s5 =	rddreg [dreg:$0x0]  }
0x2: {  	s0 =	srdreg.scid;
	s6 =	rddreg [dreg:$0x1]  }
0x3: {  	s1 =	rddreg [dreg:$0x2];
	s8 =	stileid.u32;
	s2 =	simm.s32 $0x0  }
0x4: {  	s12 =	simm.s32 $0x1;
	s13 =	simm.s32 $0x2;
	s14 =	simm.s32 $0x3  }
0x5: {  	s15 =	simm.s32 $0x4E20;
	s16 =	simm.s32 $0xEC00;
	s17 =	simm.s32 $0x9D80  }
0x6: {  	s18 =	simm.s32 $0x4;
	s4 =	sand.u32 $0x1, s0;
	s0 =	rddreg [dreg:$0x3]  }
0x7: {  	s19 =	simm.s32 $0x0;
	[smem:$0x7FF] =	sst s2;
	s7 =	sshll.u32 s4, $0x4  }
0x8: {  	p0 =	sne.s32 s8, $0x0;
	_ =	strace $0x80000053;
	s3 =	sor.u32 s8, s7  }
0x9: {  	s10 =	ssub.s32 $0x2, s4;
	s4 =	sadd.s32 $0x4A00, s5;
	s9 =	smul.u32 $0x2710, s3  }
0xa: {  	s11 =	sshrl.u32 s10, $0x1;
	s7 =	sadd.s32 s7, s5;
	s3 =	sadd.s32 $0x5400, s5  }
0xb: {  	s10 =	ssub.s32 s10, s11;
	s7 =	sadd.s32 $0x5E00, s7;
	s9 =	sshrl.u32 s9, $0x3  }
0xc: {  	s11 =	simm.s32 $0x7600;
	s8 =	smax.u32 s10, $0x1;
	s5 =	sadd.s32 s6, s9  }
0xd: {  	s10 =	simm.s32 $0x4E80;
	s9 =	sshrl.u32 @!p0 s1, $0x3;
	s6 =	sadd.s32 $0x9C40, s5  }
.LBB2_1:
0xe: {  	s20 =	simm.s32 @!p0 $0x1C04  }
0xf: {  	[spmem:s9], [sflag:s20] =	dma.local @!p0 [hbm:s4], $0x9D0  }
0x10: {  	s20 =	simm.s32 @!p0 $0x4  }
0x11: {  	_ =	swait.ge @!p0 [sflag:s20], $0x9D0  }
0x12: {  	[sflag:s20] =	ssyncset.done @!p0 $0x0  }
0x13: {  	[sflag:s20] =	ssyncadd.s32 @!p0 $0xFFFFF630  }
0x14: {  	[tilespmem:s2], [sflag:$0x1] =	stream.linear.gather [hbm4b:s3+s2], $0x4E80, $0x38;
	[tilespmem:$0x13F68] =	vst v63  }
0x15: {  	_ = 	snop  }
0x16: {  	[tilespmem:s10], [sflag:$0x2] =	stream.linear.gather [hbm4b:s5+s2], $0x2710, $0x38;
	[tilespmem:$0x13F68] =	vst v63  }
0x17: {  	_ = 	snop  }
0x18: {  	[tilespmem:s11], [sflag:$0x3] =	stream.linear.gather [hbm4b:s6+s2], $0x2710, $0x38;
	[tilespmem:$0x13F68] =	vst v63  }
0x19: {  	_ =	swait.ge [sflag:s12], $0x4E80  }
0x1a: {  	[sflag:s12] =	ssyncset.done $0x0  }
0x1b: {  	[sflag:s12] =	ssyncadd.s32 $0xFFFFB180  }
0x1c: {  	_ =	swait.ge [sflag:s13], $0x2710  }
0x1d: {  	[sflag:s13] =	ssyncset.done $0x0  }
0x1e: {  	[sflag:s13] =	ssyncadd.s32 $0xFFFFD8F0  }
0x1f: {  	_ =	swait.ge [sflag:s14], $0x2710  }
0x20: {  	[sflag:s14] =	ssyncset.done $0x0  }
0x21: {  	s21 =	simm.s32 $0x0;
	[sflag:s14] =	ssyncadd.s32 $0xFFFFD8F0  }
0x22: {  	v0 =	vld [tilespmem:s21+$0x4E80];
	_ =	sdelay $0x5  }
0x23: {  	v1 =	vadd.s32 $0x3E8, v0  }
0x24: {  	v2 =	vld [tilespmem:s21+$0x7600]  }
0x25: {  	s20 =	simm.s32 $0x10;
	v3 =	vld.idx.msk [tilespmem:v0+s2+$0x0], $0xffff  }
0x26: {  	v0 =	vld [tilespmem:s20+$0x4E80];
	_ =	sdelay $0x1  }
0x27: {  	v1 =	vld.idx.msk [tilespmem:v1+s2+$0x0], $0xffff  }
0x28: {  	[tilespmem:s21+$0xEC00] =	vst v2;
	v2 =	vadd.s32 $0x3E8, v2  }
0x29: {  	[tilespmem:s21+$0x11310] =	vst v2  }
0x2a: {  	[tilespmem:s21+$0x9D80] =	vst v3;
	v3 =	vadd.s32 $0x3E8, v0  }
0x2b: {  	s22 =	simm.s32 $0x80;
	v2 =	vld [tilespmem:s20+$0x7600]  }
.LBB2_2:
0x2c: {  	p1 =	sne.s32 s22, $0x9C00;
	[tilespmem:s21+$0xC490] =	vst v1;
	s23 =	smov.u32 s22;
	s22 =	sadd.s32 $0x40, s22  }
0x2d: {  	s21 =	smov.u32 s20;
	v4 =	vld.idx.msk [tilespmem:v0+s2+$0x0], $0xffff;
	s20 =	sshra.s32 s23, $0x2  }
0x2e: {  	v0 =	vld [tilespmem:s20+$0x4E80]  }
0x2f: {  	v1 =	vld.idx.msk [tilespmem:v3+s2+$0x0], $0xffff  }
.Ltmp0:
0x30: {  	[tilespmem:s21+$0xEC00] =	vst v2;
	v2 =	vadd.s32 $0x3E8, v2;
	(pc) =	sbr.rel @p1 .LBB2_2-.Ltmp0, $3  }
0x31: {  	[tilespmem:s21+$0x11310] =	vst v2;
	_ =	sdelay $0x1  }
0x32: {  	v3 =	vadd.s32 $0x3E8, v0;
	[tilespmem:s21+$0x9D80] =	vst v4  }
0x33: {  	v2 =	vld [tilespmem:s20+$0x7600]  }
0x34: {  	_ =	sdelay $0x2  }
0x35: {  	[tilespmem:s21+$0xC490] =	vst v1  }
0x36: {  	v0 =	vld.idx.msk [tilespmem:v0+s2+$0x0], $0xffff  }
0x37: {  	v1 =	vld.idx.msk [tilespmem:v3+s2+$0x0], $0xffff;
	_ =	sdelay $0x1  }
0x38: {  	[tilespmem:s20+$0xEC00] =	vst v2;
	v63 =	vadd.s32 $0x3E8, v2  }
0x39: {  	[tilespmem:s20+$0x11310] =	vst v63  }
0x3a: {  	[tilespmem:s20+$0x9D80] =	vst v0  }
0x3b: {  	[tilespmem:s20+$0xC490] =	vst v1  }
0x3c: {  	[bflag:$0x0] =	sbarrier.arrive $0xFFFF  }
0x3d: {  	[spmem:s1] =	stream.indirect.scatter.add.f32 [tilespmem:s17], [sflag:$0x4], $0x1, s16, s15, $0xb8;
	[tilespmem:$0x13F68] =	vst v63  }
0x3e: {  	_ =	swait.ge [sflag:s18], $0x4E20  }
0x3f: {  	s21 =	simm.s32 @!p0 $0x20;
	s22 =	simm.s32 @!p0 $0x10;
	[sflag:s18] =	ssyncset.done $0x0  }
0x40: {  	s23 =	simm.s32 @!p0 $0x1C04;
	s19 =	sadd.s32 $0x1, s19;
	[sflag:s18] =	ssyncadd.s32 $0xFFFFB1E0  }
0x41: {  	p1 =	sne.s32 s19, s8;
	s20 =	simm.s32 @!p0 $0x1;
	[bflag:$0x0] =	sbarrier.arrive $0xFFFF  }
0x42: {  	[hbm:s7@s21], [sflag:s23] =	dma.strided @!p0 [spmem:s9@s22], $0x9D0, s20, $0x10   }
.Ltmp1:
0x43: {  	_ = 	snop;
	(pc) =	sbr.rel @p1 .LBB2_1-.Ltmp1, $4  }
0x44: {  	s20 =	simm.s32 @!p0 $0x4  }
0x45: {  	_ =	swait.ge @!p0 [sflag:s20], $0x9D0  }
0x46: {  	[sflag:s20] =	ssyncset.done @!p0 $0x0  }
0x47: {  	[sflag:s20] =	ssyncadd.s32 @!p0 $0xFFFFF630  }
0x48: {  	_ =	sfence.sel $0x180000  }
0x49: {  	[bflag:$0x0] =	sbarrier.arrive $0xFFFF  }
0x4a: {  	_ =	strace $0x90000053  }
0x4b: {  	s0 =	sadd.s32 @!p0 $0x100000, s0;
	[bflag:$0x2] =	sbarrier.arrive $0xFFFF  }
0x4c: {  	[sflag:s0] =	ssyncadd.tile.s32 @!p0 $0x1;
	_ =	shalt  }
.Lfunc_end2:
_tile_overlayer_lowered:
.L_overlay_start_2:
0x4d: {  	(tag) =	ssettag $0x2  }
0x4e: {  	s0 =	rddreg [dreg:$0x0];
	s2 =	stileid.u32  }
0x4f: {  	s1 =	rddreg [dreg:$0x1];
	p0 =	sne.s32 s2, $0x0  }
0x50: {  	s3 =	rddreg [dreg:$0x2];
	[bflag:$0x3] =	sbarrier.arrive $0xFFFF;
	s2 =	simm.s32 @!p0 $0x1C04  }
0x51: {  	[timem:s3], [sflag:s2] =	dma.local @!p0 [hbm:s0], s1  }
0x52: {  	s0 =	simm.s32 @!p0 $0x4  }
0x53: {  	_ =	swait.ge @!p0 [sflag:s0], s1  }
0x54: {  	s1 =	ssub.s32 @!p0 $0x0, s1;
	[sflag:s0] =	ssyncset.done @!p0 $0x0  }
0x55: {  	[sflag:s0] =	ssyncadd.s32 @!p0 s1  }
0x56: {  	[bflag:$0x3] =	sbarrier.arrive $0xFFFF  }
0x57: {  	_ =	shalt  }

// kernel: kernel.36.cloned.1.call-start
scs
__scs_entry_jumppad:
0x0: {  	(pc) =	sbr.rel $0x88, $3  }
0x1: {  	(tag) =	ssettag $0x0;
	lr =	simm.s32 $0x1  }
0x2: {  	[smem:$0x3F89] =	sst lr;
	_ =	strace $0xD0000000  }
0x3: {  	_ = 	snop  }
0x4: {  	_ = 	snop  }
0x5: {  	_ = 	snop  }
0x6: {  	_ = 	snop  }
0x7: {  	_ = 	snop  }
__scs_overlays_trampoline_lowered:
0x8: {  	[smem:$0x3F98] =	sst s0  }
0x9: {  	[smem:$0x3F99] =	sst s1  }
0xa: {  	[smem:$0x3F9A] =	sst s2  }
0xb: {  	[smem:$0x3F9B] =	sst s3  }
0xc: {  	[smem:$0x3F9C] =	sst s4  }
0xd: {  	[smem:$0x3F9D] =	sst s5  }
0xe: {  	[smem:$0x3F9E] =	sst s6  }
0xf: {  	[smem:$0x3F9F] =	sst s7  }
0x10: {  	[smem:$0x3FA0] =	sst s8  }
0x11: {  	[smem:$0x3FA1] =	sst s9;
	s0 =	simm.s32 @!p0 $0x0  }
0x12: {  	s1 =	sld [smem:$0x3F87];
	s0 =	simm.s32 @p0 $0x1  }
0x13: {  	[smem:$0x3FA2] =	sst s0;
	s0 =	simm.s32 @!p1 $0x0  }
0x14: {  	s2 =	sld [smem:$0x3F86];
	s0 =	simm.s32 @p1 $0x1  }
0x15: {  	[smem:$0x3FA3] =	sst s0;
	s0 =	simm.s32 @!p2 $0x0  }
0x16: {  	s3 =	sld [smem:$0x3FDB];
	s0 =	simm.s32 @p2 $0x1  }
0x17: {  	s4 =	simm.s32 $0x1BF5;
	[smem:$0x3FA5] =	sst s0  }
0x18: {  	s0 =	sld [smem:$0x3F88];
	_ =	swait.ge [sflag:s4], $0x0  }
0x19: {  	s7 =	sld [smem:$0x3F89]  }
0x1a: {  	s8 =	sadd.s32 $0xFFFFE003, lr  }
0x1b: {  	s9 =	sadd.s32 $0xFFFFFEF7, lr;
	s5 =	simm.s32 $0xFFFFFFFF;
	p2 =	slt.u32 s8, $0xFFFFF086  }
0x1c: {  	p1 =	slt.u32 s9, $0xF7A;
	s5 =	simm.s32 @!p2 $0x0  }
0x1d: {  	s5 =	simm.s32 @p1 $0x1;
	p0 =	seq.s32 s7, s2  }
0x1e: {  	s7 =	smul.u32 @!p0 $0xF7A, s2;
	p2 =	seq.s32 @!p0 s5, $0x0  }
0x1f: {  	s9 =	smul.u32 $0xF7A, s1;
	s8 =	simm.s32 @!p0 $0x1BF5;
	p2 =	por !p2, p0  }
0x20: {  	[sflag:s8] =	ssyncset.s32 @!p0 $0xFFFFF086;
	s6 =	sadd.s32 @!p0 s3, s7;
	s7 =	simm.s32 @!p0 $0x108  }
0x21: {  	s3 =	sadd.s32 s3, s9;
	s6 =	sadd.s32 @!p0 $0x88, s6;
	s7 =	simm.s32 @p2 $0x1082  }
0x22: {  	[simem:s7], [sflag:s8] =	dma.local @!p0 [hbm:s6], $0xF7A  }
0x23: {  	s9 =	sor.u32 $0xD0000000, s2;
	s6 =	simm.s32 $0x108;
	_ =	swait.ge @!p0 [sflag:s8], $0x0  }
0x24: {  	s3 =	sadd.s32 $0x88, s3;
	s6 =	simm.s32 @!p1 $0x1082;
	[sflag:s4] =	ssyncset.s32 $0xFFFFF086  }
0x25: {  	[simem:s6], [sflag:s4] =	dma.local [hbm:s3], $0xF7A  }
0x26: {  	[smem:$0x3F89] =	sst s1;
	(tag) =	ssettag s2;
	_ =	strace s9  }
0x27: {  	s1 =	sld [smem:$0x3F99]  }
0x28: {  	s2 =	sld [smem:$0x3F9A]  }
0x29: {  	s4 =	sld [smem:$0x3F9C]  }
0x2a: {  	p0 =	seq.s32 s5, $0x0;
	s5 =	sld [smem:$0x3F9D]  }
0x2b: {  	s6 =	sld [smem:$0x3F9E]  }
0x2c: {  	s7 =	sld [smem:$0x3F9F]  }
0x2d: {  	s3 =	simm.s32 $0x108;
	s8 =	sld [smem:$0x3FA0]  }
0x2e: {  	s3 =	simm.s32 @!p0 $0x1082;
	s9 =	sld [smem:$0x3FA1]  }
0x2f: {  	lr =	sadd.s32 s0, s3;
	s0 =	sld [smem:$0x3F98]  }
0x30: {  	s3 =	sld [smem:$0x3F9B]  }
0x31: {  	[smem:$0x3FA4] =	sst s10  }
0x32: {  	s10 =	sld [smem:$0x3FA2];
	_ =	sdelay $0x3  }
0x33: {  	p0 =	seq.s32 s10, $0x1;
	s10 =	sld [smem:$0x3FA4];
	_ =	sdelay $0x3  }
0x34: {  	[smem:$0x3FA4] =	sst s10  }
0x35: {  	s10 =	sld [smem:$0x3FA3];
	_ =	sdelay $0x3  }
0x36: {  	p1 =	seq.s32 s10, $0x1;
	s10 =	sld [smem:$0x3FA4];
	_ =	sdelay $0x3  }
0x37: {  	[smem:$0x3FA4] =	sst s10  }
0x38: {  	s10 =	sld [smem:$0x3FA5]  }
0x39: {  	_ = 	snop;
	(pc) =	sbr.ind lr, $3  }
0x3a: {  	_ = 	snop  }
0x3b: {  	_ = 	snop  }
0x3c: {  	p2 =	seq.s32 s10, $0x1;
	s10 =	sld [smem:$0x3FA4]  }
0x3d: {  	_ =	shalt  }
0x3e: {  	_ =	shalt  }
0x3f: {  	_ =	shalt  }
0x40: {  	_ =	shalt  }
0x41: {  	_ =	shalt  }
0x42: {  	_ =	shalt  }
0x43: {  	_ =	shalt  }
0x44: {  	_ =	shalt  }
0x45: {  	_ =	shalt  }
0x46: {  	_ =	shalt  }
0x47: {  	_ =	shalt  }
0x48: {  	_ =	shalt  }
0x49: {  	_ =	shalt  }
0x4a: {  	_ =	shalt  }
0x4b: {  	_ =	shalt  }
0x4c: {  	_ =	shalt  }
0x4d: {  	_ =	shalt  }
0x4e: {  	_ =	shalt  }
0x4f: {  	_ =	shalt  }
0x50: {  	_ =	shalt  }
0x51: {  	_ =	shalt  }
0x52: {  	_ =	shalt  }
0x53: {  	_ =	shalt  }
0x54: {  	_ =	shalt  }
0x55: {  	_ =	shalt  }
0x56: {  	_ =	shalt  }
0x57: {  	_ =	shalt  }
0x58: {  	_ =	shalt  }
0x59: {  	_ =	shalt  }
0x5a: {  	_ =	shalt  }
0x5b: {  	_ =	shalt  }
0x5c: {  	_ =	shalt  }
0x5d: {  	_ =	shalt  }
0x5e: {  	_ =	shalt  }
0x5f: {  	_ =	shalt  }
0x60: {  	_ =	shalt  }
0x61: {  	_ =	shalt  }
0x62: {  	_ =	shalt  }
0x63: {  	_ =	shalt  }
0x64: {  	_ =	shalt  }
0x65: {  	_ =	shalt  }
0x66: {  	_ =	shalt  }
0x67: {  	_ =	shalt  }
0x68: {  	_ =	shalt  }
0x69: {  	_ =	shalt  }
0x6a: {  	_ =	shalt  }
0x6b: {  	_ =	shalt  }
0x6c: {  	_ =	shalt  }
0x6d: {  	_ =	shalt  }
0x6e: {  	_ =	shalt  }
0x6f: {  	_ =	shalt  }
0x70: {  	_ =	shalt  }
0x71: {  	_ =	shalt  }
0x72: {  	_ =	shalt  }
0x73: {  	_ =	shalt  }
0x74: {  	_ =	shalt  }
0x75: {  	_ =	shalt  }
0x76: {  	_ =	shalt  }
0x77: {  	_ =	shalt  }
0x78: {  	_ =	shalt  }
0x79: {  	_ =	shalt  }
0x7a: {  	_ =	shalt  }
0x7b: {  	_ =	shalt  }
0x7c: {  	_ =	shalt  }
0x7d: {  	_ =	shalt  }
0x7e: {  	_ =	shalt  }
0x7f: {  	_ =	shalt  }
0x80: {  	_ =	shalt  }
0x81: {  	_ =	shalt  }
0x82: {  	_ =	shalt  }
0x83: {  	_ =	shalt  }
0x84: {  	_ =	shalt  }
0x85: {  	_ =	shalt  }
0x86: {  	_ =	shalt  }
0x87: {  	_ =	shalt  }
.Lfunc_end0:
.L_simem_size_0:
called_computation.5_lowered:
.L_overlay_start_0:
0x88: {  	s2 =	sld [smem:$0x3FD9]  }
0x89: {  	s3 =	sld [smem:$0x3FFE];
	_ =	sdelay $0x1  }
0x8a: {  	s1 =	srdreg.scid  }
0x8b: {  	s0 =	sand.u32 $0x1, s1  }
0x8c: {  	s17 =	sshll.u32 s0, $0xA;
	s2 =	sadd.s32 s3, s2  }
0x8d: {  	s2 =	sadd.s32 s2, s17  }
0x8e: {  	[smem:$0x3FB0] =	sst s2  }
0x8f: {  	_ = 	snop  }
0x90: {  	s2 =	sld [smem:$0x3FD0];
	(tm) =	ssettm $0x1  }
0x91: {  	s18 =	sld [smem:$0x3FFB];
	_ =	sdelay $0x3  }
0x92: {  	_ =	strace s18  }
0x93: {  	s3 =	sld [smem:$0x3FFC];
	_ =	sdelay $0x3  }
0x94: {  	_ =	strace s3  }
0x95: {  	s3 =	sld [smem:$0x3FFD];
	_ =	sdelay $0x3  }
0x96: {  	_ =	strace s3  }
0x97: {  	_ =	strace $0x8FFFFFFF  }
0x98: {  	s19 =	sld [smem:$0x3FDB];
	_ =	sdelay $0x1  }
0x99: {  	s4 =	simm.s32 $_scs_section_size  }
0x9a: {  	s5 =	simm.s32 $_size__tile_overlayer_lowered;
	s6 =	simm.s32 $_tile_overlayer_lowered  }
0x9b: {  	s22 =	simm.s32 $0x1BFF;
	s21 =	sshll.u32 s6, $0x1;
	s3 =	sadd.s32 s4, s19  }
0x9c: {  	s7 =	simm.s32 $0x0;
	s20 =	sshll.u32 s5, $0x1;
	s5 =	sadd.s32 s21, s3  }
0x9d: {  	[timem:s7], [sflag:s22] =	dma.local [hbm:s5], s20  }
0x9e: {  	_ =	swait.ge [sflag:s22], s20  }
0x9f: {  	s4 =	ssub.s32 $0x0, s20;
	[sflag:s22] =	ssyncset.done $0x0  }
0xa0: {  	[sflag:s22] =	ssyncadd.s32 s4;
	_ =	sdelay $0x1  }
0xa1: {  	s23 =	simm.s32 $0x1B8B  }
0xa2: {  	_ =	swait.ge [sflag:s23], $0x1  }
0xa3: {  	[sflag:s23] =	ssyncset.done $0x0  }
0xa4: {  	s25 =	simm.s32 $0x1B8E;
	s24 =	sld [smem:$0x3FFE];
	[sflag:s23] =	ssyncadd.s32 $0xFFFFFFFF  }
0xa5: {  	s26 =	simm.s32 $execute0_lowered;
	[smem:$0x3FD2] =	sst s25  }
0xa6: {  	s5 =	sshll.u32 s26, $0x1;
	_ =	strace $0x80000055;
	[dreg:$0x1] =	wrdreg $0xFFFFFFFF  }
0xa7: {  	s28 =	simm.s32 $_size_execute0_lowered;
	s3 =	sadd.s32 s3, s5;
	[dreg:$0x0] =	wrdreg $0x0  }
0xa8: {  	s5 =	sshll.u32 s28, $0x1;
	[dreg:$0x2] =	wrdreg s3  }
0xa9: {  	[dreg:$0x3] =	wrdreg s5  }
0xaa: {  	[dreg:$0x4] =	wrdreg $0xC0  }
0xab: {  	_ =	task [dreg:s7], $0x5FFFF  }
0xac: {  	[dreg:$0x1] =	wrdreg $0xFFFFFFFF  }
0xad: {  	[dreg:$0x0] =	wrdreg $0x60  }
0xae: {  	[dreg:$0x2] =	wrdreg s24  }
0xaf: {  	[dreg:$0x3] =	wrdreg s2  }
0xb0: {  	[dreg:$0x4] =	wrdreg $0x13A800  }
0xb1: {  	[dreg:$0x5] =	wrdreg $0x9  }
0xb2: {  	_ =	task.clear_ibuf [dreg:s7], $0x6FFFF;
	_ =	strace $0x90000055  }
0xb3: {  	s29 =	simm.s32 $0x9;
	_ =	strace $0x80000057  }
0xb4: {  	_ =	swait.ge [sflag:s29], $0x1  }
0xb5: {  	[sflag:s29] =	ssyncadd.s32 $0xFFFFFFFF  }
0xb6: {  	_ =	strace $0x90000057  }
0xb7: {  	_ =	sfence  }
0xb8: {  	s30 =	sld [smem:$0x0];
	_ =	sdelay $0x2  }
0xb9: {  	s31 =	sshll.u32 s1, $0xD;
	s1 =	sshrl.u32 s1, $0x2  }
0xba: {  	s3 =	sand.u32 $0x4000, s31;
	s1 =	sadd.s32 s1, s30  }
0xbb: {  	s0 =	sor.u32 s3, s0;
	s1 =	sshll.u32 s1, $0x11  }
0xbc: {  	s0 =	sor.u32 s1, s0  }
0xbd: {  	s0 =	sadd.s32 $0x8F2B, s0  }
0xbe: {  	[sflag:s0] =	ssyncadd.remote.s32 $0x1  }
0xbf: {  	_ =	sfence.sel $0xFFFF  }
0xc0: {  	[dreg:$0x0] =	wrdreg $0xFFFFFFFF;
	(pc) =	sbr.abs _section_cstart, $3  }
0xc1: {  	[dreg:$0x1] =	wrdreg $0xFFFFFFFF  }
0xc2: {  	_ =	task.clear_ibuf [dreg:s7], $0x2FFFF;
	_ =	strace $0x9FFFFFFF  }
0xc3: {  	(tm) =	ssettm $0x7FFFFFFF  }
tec
execute0_lowered:
.L_overlay_start_1:
0x0: {  	(tag) =	ssettag $0x1  }
0x1: {  	s5 =	rddreg [dreg:$0x0]  }
0x2: {  	s0 =	srdreg.scid;
	s6 =	rddreg [dreg:$0x1]  }
0x3: {  	s1 =	rddreg [dreg:$0x2];
	s8 =	stileid.u32;
	s2 =	simm.s32 $0x0  }
0x4: {  	s12 =	simm.s32 $0x1;
	s13 =	simm.s32 $0x2;
	s14 =	simm.s32 $0x3  }
0x5: {  	s15 =	simm.s32 $0x4E20;
	s16 =	simm.s32 $0xEC00;
	s17 =	simm.s32 $0x9D80  }
0x6: {  	s18 =	simm.s32 $0x4;
	s4 =	sand.u32 $0x1, s0;
	s0 =	rddreg [dreg:$0x3]  }
0x7: {  	s19 =	simm.s32 $0x0;
	[smem:$0x7FF] =	sst s2;
	s7 =	sshll.u32 s4, $0x4  }
0x8: {  	p0 =	sne.s32 s8, $0x0;
	_ =	strace $0x80000056;
	s3 =	sor.u32 s8, s7  }
0x9: {  	s10 =	ssub.s32 $0x2, s4;
	s4 =	sadd.s32 $0x4A00, s5;
	s9 =	smul.u32 $0x2710, s3  }
0xa: {  	s11 =	sshrl.u32 s10, $0x1;
	s7 =	sadd.s32 s7, s5;
	s3 =	sadd.s32 $0x5400, s5  }
0xb: {  	s10 =	ssub.s32 s10, s11;
	s7 =	sadd.s32 $0x5E00, s7;
	s9 =	sshrl.u32 s9, $0x3  }
0xc: {  	s11 =	simm.s32 $0x7600;
	s8 =	smax.u32 s10, $0x1;
	s5 =	sadd.s32 s6, s9  }
0xd: {  	s10 =	simm.s32 $0x4E80;
	s9 =	sshrl.u32 @!p0 s1, $0x3;
	s6 =	sadd.s32 $0x9C40, s5  }
.LBB2_1:
0xe: {  	s20 =	simm.s32 @!p0 $0x1C04  }
0xf: {  	[spmem:s9], [sflag:s20] =	dma.local @!p0 [hbm:s4], $0x9D0  }
0x10: {  	s20 =	simm.s32 @!p0 $0x4  }
0x11: {  	_ =	swait.ge @!p0 [sflag:s20], $0x9D0  }
0x12: {  	[sflag:s20] =	ssyncset.done @!p0 $0x0  }
0x13: {  	[sflag:s20] =	ssyncadd.s32 @!p0 $0xFFFFF630  }
0x14: {  	[tilespmem:s2], [sflag:$0x1] =	stream.linear.gather [hbm4b:s3+s2], $0x4E80, $0x38;
	[tilespmem:$0x13F68] =	vst v63  }
0x15: {  	_ = 	snop  }
0x16: {  	[tilespmem:s10], [sflag:$0x2] =	stream.linear.gather [hbm4b:s5+s2], $0x2710, $0x38;
	[tilespmem:$0x13F68] =	vst v63  }
0x17: {  	_ = 	snop  }
0x18: {  	[tilespmem:s11], [sflag:$0x3] =	stream.linear.gather [hbm4b:s6+s2], $0x2710, $0x38;
	[tilespmem:$0x13F68] =	vst v63  }
0x19: {  	_ =	swait.ge [sflag:s12], $0x4E80  }
0x1a: {  	[sflag:s12] =	ssyncset.done $0x0  }
0x1b: {  	[sflag:s12] =	ssyncadd.s32 $0xFFFFB180  }
0x1c: {  	_ =	swait.ge [sflag:s13], $0x2710  }
0x1d: {  	[sflag:s13] =	ssyncset.done $0x0  }
0x1e: {  	[sflag:s13] =	ssyncadd.s32 $0xFFFFD8F0  }
0x1f: {  	_ =	swait.ge [sflag:s14], $0x2710  }
0x20: {  	[sflag:s14] =	ssyncset.done $0x0  }
0x21: {  	s21 =	simm.s32 $0x0;
	[sflag:s14] =	ssyncadd.s32 $0xFFFFD8F0  }
0x22: {  	v0 =	vld [tilespmem:s21+$0x4E80];
	_ =	sdelay $0x5  }
0x23: {  	v1 =	vadd.s32 $0x3E8, v0  }
0x24: {  	v2 =	vld [tilespmem:s21+$0x7600]  }
0x25: {  	s20 =	simm.s32 $0x10;
	v3 =	vld.idx.msk [tilespmem:v0+s2+$0x0], $0xffff  }
0x26: {  	v0 =	vld [tilespmem:s20+$0x4E80];
	_ =	sdelay $0x1  }
0x27: {  	v1 =	vld.idx.msk [tilespmem:v1+s2+$0x0], $0xffff  }
0x28: {  	[tilespmem:s21+$0xEC00] =	vst v2;
	v2 =	vadd.s32 $0x3E8, v2  }
0x29: {  	[tilespmem:s21+$0x11310] =	vst v2  }
0x2a: {  	[tilespmem:s21+$0x9D80] =	vst v3;
	v3 =	vadd.s32 $0x3E8, v0  }
0x2b: {  	s22 =	simm.s32 $0x80;
	v2 =	vld [tilespmem:s20+$0x7600]  }
.LBB2_2:
0x2c: {  	p1 =	sne.s32 s22, $0x9C00;
	[tilespmem:s21+$0xC490] =	vst v1;
	s23 =	smov.u32 s22;
	s22 =	sadd.s32 $0x40, s22  }
0x2d: {  	s21 =	smov.u32 s20;
	v4 =	vld.idx.msk [tilespmem:v0+s2+$0x0], $0xffff;
	s20 =	sshra.s32 s23, $0x2  }
0x2e: {  	v0 =	vld [tilespmem:s20+$0x4E80]  }
0x2f: {  	v1 =	vld.idx.msk [tilespmem:v3+s2+$0x0], $0xffff  }
.Ltmp0:
0x30: {  	[tilespmem:s21+$0xEC00] =	vst v2;
	v2 =	vadd.s32 $0x3E8, v2;
	(pc) =	sbr.rel @p1 .LBB2_2-.Ltmp0, $3  }
0x31: {  	[tilespmem:s21+$0x11310] =	vst v2;
	_ =	sdelay $0x1  }
0x32: {  	v3 =	vadd.s32 $0x3E8, v0;
	[tilespmem:s21+$0x9D80] =	vst v4  }
0x33: {  	v2 =	vld [tilespmem:s20+$0x7600]  }
0x34: {  	_ =	sdelay $0x2  }
0x35: {  	[tilespmem:s21+$0xC490] =	vst v1  }
0x36: {  	v0 =	vld.idx.msk [tilespmem:v0+s2+$0x0], $0xffff  }
0x37: {  	v1 =	vld.idx.msk [tilespmem:v3+s2+$0x0], $0xffff;
	_ =	sdelay $0x1  }
0x38: {  	[tilespmem:s20+$0xEC00] =	vst v2;
	v63 =	vadd.s32 $0x3E8, v2  }
0x39: {  	[tilespmem:s20+$0x11310] =	vst v63  }
0x3a: {  	[tilespmem:s20+$0x9D80] =	vst v0  }
0x3b: {  	[tilespmem:s20+$0xC490] =	vst v1  }
0x3c: {  	[bflag:$0x0] =	sbarrier.arrive $0xFFFF  }
0x3d: {  	[spmem:s1] =	stream.indirect.scatter.add.f32 [tilespmem:s17], [sflag:$0x4], $0x1, s16, s15, $0xb8;
	[tilespmem:$0x13F68] =	vst v63  }
0x3e: {  	_ =	swait.ge [sflag:s18], $0x4E20  }
0x3f: {  	s21 =	simm.s32 @!p0 $0x20;
	s22 =	simm.s32 @!p0 $0x10;
	[sflag:s18] =	ssyncset.done $0x0  }
0x40: {  	s23 =	simm.s32 @!p0 $0x1C04;
	s19 =	sadd.s32 $0x1, s19;
	[sflag:s18] =	ssyncadd.s32 $0xFFFFB1E0  }
0x41: {  	p1 =	sne.s32 s19, s8;
	s20 =	simm.s32 @!p0 $0x1;
	[bflag:$0x0] =	sbarrier.arrive $0xFFFF  }
0x42: {  	[hbm:s7@s21], [sflag:s23] =	dma.strided @!p0 [spmem:s9@s22], $0x9D0, s20, $0x10   }
.Ltmp1:
0x43: {  	_ = 	snop;
	(pc) =	sbr.rel @p1 .LBB2_1-.Ltmp1, $4  }
0x44: {  	s20 =	simm.s32 @!p0 $0x4  }
0x45: {  	_ =	swait.ge @!p0 [sflag:s20], $0x9D0  }
0x46: {  	[sflag:s20] =	ssyncset.done @!p0 $0x0  }
0x47: {  	[sflag:s20] =	ssyncadd.s32 @!p0 $0xFFFFF630  }
0x48: {  	_ =	sfence.sel $0x180000  }
0x49: {  	[bflag:$0x0] =	sbarrier.arrive $0xFFFF  }
0x4a: {  	_ =	strace $0x90000056  }
0x4b: {  	s0 =	sadd.s32 @!p0 $0x100000, s0;
	[bflag:$0x2] =	sbarrier.arrive $0xFFFF  }
0x4c: {  	[sflag:s0] =	ssyncadd.tile.s32 @!p0 $0x1;
	_ =	shalt  }
.Lfunc_end2:
_tile_overlayer_lowered:
.L_overlay_start_2:
0x4d: {  	(tag) =	ssettag $0x2  }
0x4e: {  	s0 =	rddreg [dreg:$0x0];
	s2 =	stileid.u32  }
0x4f: {  	s1 =	rddreg [dreg:$0x1];
	p0 =	sne.s32 s2, $0x0  }
0x50: {  	s3 =	rddreg [dreg:$0x2];
	[bflag:$0x3] =	sbarrier.arrive $0xFFFF;
	s2 =	simm.s32 @!p0 $0x1C04  }
0x51: {  	[timem:s3], [sflag:s2] =	dma.local @!p0 [hbm:s0], s1  }
0x52: {  	s0 =	simm.s32 @!p0 $0x4  }
0x53: {  	_ =	swait.ge @!p0 [sflag:s0], s1  }
0x54: {  	s1 =	ssub.s32 @!p0 $0x0, s1;
	[sflag:s0] =	ssyncset.done @!p0 $0x0  }
0x55: {  	[sflag:s0] =	ssyncadd.s32 @!p0 s1  }
0x56: {  	[bflag:$0x3] =	sbarrier.arrive $0xFFFF  }
0x57: {  	_ =	shalt  }

// kernel: kernel.39.cloned.1.call-start
scs
__scs_entry_jumppad:
0x0: {  	(pc) =	sbr.rel $0x88, $3  }
0x1: {  	(tag) =	ssettag $0x0;
	lr =	simm.s32 $0x1  }
0x2: {  	[smem:$0x3F89] =	sst lr;
	_ =	strace $0xD0000000  }
0x3: {  	_ = 	snop  }
0x4: {  	_ = 	snop  }
0x5: {  	_ = 	snop  }
0x6: {  	_ = 	snop  }
0x7: {  	_ = 	snop  }
__scs_overlays_trampoline_lowered:
0x8: {  	[smem:$0x3F98] =	sst s0  }
0x9: {  	[smem:$0x3F99] =	sst s1  }
0xa: {  	[smem:$0x3F9A] =	sst s2  }
0xb: {  	[smem:$0x3F9B] =	sst s3  }
0xc: {  	[smem:$0x3F9C] =	sst s4  }
0xd: {  	[smem:$0x3F9D] =	sst s5  }
0xe: {  	[smem:$0x3F9E] =	sst s6  }
0xf: {  	[smem:$0x3F9F] =	sst s7  }
0x10: {  	[smem:$0x3FA0] =	sst s8  }
0x11: {  	[smem:$0x3FA1] =	sst s9;
	s0 =	simm.s32 @!p0 $0x0  }
0x12: {  	s1 =	sld [smem:$0x3F87];
	s0 =	simm.s32 @p0 $0x1  }
0x13: {  	[smem:$0x3FA2] =	sst s0;
	s0 =	simm.s32 @!p1 $0x0  }
0x14: {  	s2 =	sld [smem:$0x3F86];
	s0 =	simm.s32 @p1 $0x1  }
0x15: {  	[smem:$0x3FA3] =	sst s0;
	s0 =	simm.s32 @!p2 $0x0  }
0x16: {  	s3 =	sld [smem:$0x3FDB];
	s0 =	simm.s32 @p2 $0x1  }
0x17: {  	s4 =	simm.s32 $0x1BF5;
	[smem:$0x3FA5] =	sst s0  }
0x18: {  	s0 =	sld [smem:$0x3F88];
	_ =	swait.ge [sflag:s4], $0x0  }
0x19: {  	s7 =	sld [smem:$0x3F89]  }
0x1a: {  	s8 =	sadd.s32 $0xFFFFE003, lr  }
0x1b: {  	s9 =	sadd.s32 $0xFFFFFEF7, lr;
	s5 =	simm.s32 $0xFFFFFFFF;
	p2 =	slt.u32 s8, $0xFFFFF086  }
0x1c: {  	p1 =	slt.u32 s9, $0xF7A;
	s5 =	simm.s32 @!p2 $0x0  }
0x1d: {  	s5 =	simm.s32 @p1 $0x1;
	p0 =	seq.s32 s7, s2  }
0x1e: {  	s7 =	smul.u32 @!p0 $0xF7A, s2;
	p2 =	seq.s32 @!p0 s5, $0x0  }
0x1f: {  	s9 =	smul.u32 $0xF7A, s1;
	s8 =	simm.s32 @!p0 $0x1BF5;
	p2 =	por !p2, p0  }
0x20: {  	[sflag:s8] =	ssyncset.s32 @!p0 $0xFFFFF086;
	s6 =	sadd.s32 @!p0 s3, s7;
	s7 =	simm.s32 @!p0 $0x108  }
0x21: {  	s3 =	sadd.s32 s3, s9;
	s6 =	sadd.s32 @!p0 $0x88, s6;
	s7 =	simm.s32 @p2 $0x1082  }
0x22: {  	[simem:s7], [sflag:s8] =	dma.local @!p0 [hbm:s6], $0xF7A  }
0x23: {  	s9 =	sor.u32 $0xD0000000, s2;
	s6 =	simm.s32 $0x108;
	_ =	swait.ge @!p0 [sflag:s8], $0x0  }
0x24: {  	s3 =	sadd.s32 $0x88, s3;
	s6 =	simm.s32 @!p1 $0x1082;
	[sflag:s4] =	ssyncset.s32 $0xFFFFF086  }
0x25: {  	[simem:s6], [sflag:s4] =	dma.local [hbm:s3], $0xF7A  }
0x26: {  	[smem:$0x3F89] =	sst s1;
	(tag) =	ssettag s2;
	_ =	strace s9  }
0x27: {  	s1 =	sld [smem:$0x3F99]  }
0x28: {  	s2 =	sld [smem:$0x3F9A]  }
0x29: {  	s4 =	sld [smem:$0x3F9C]  }
0x2a: {  	p0 =	seq.s32 s5, $0x0;
	s5 =	sld [smem:$0x3F9D]  }
0x2b: {  	s6 =	sld [smem:$0x3F9E]  }
0x2c: {  	s7 =	sld [smem:$0x3F9F]  }
0x2d: {  	s3 =	simm.s32 $0x108;
	s8 =	sld [smem:$0x3FA0]  }
0x2e: {  	s3 =	simm.s32 @!p0 $0x1082;
	s9 =	sld [smem:$0x3FA1]  }
0x2f: {  	lr =	sadd.s32 s0, s3;
	s0 =	sld [smem:$0x3F98]  }
0x30: {  	s3 =	sld [smem:$0x3F9B]  }
0x31: {  	[smem:$0x3FA4] =	sst s10  }
0x32: {  	s10 =	sld [smem:$0x3FA2];
	_ =	sdelay $0x3  }
0x33: {  	p0 =	seq.s32 s10, $0x1;
	s10 =	sld [smem:$0x3FA4];
	_ =	sdelay $0x3  }
0x34: {  	[smem:$0x3FA4] =	sst s10  }
0x35: {  	s10 =	sld [smem:$0x3FA3];
	_ =	sdelay $0x3  }
0x36: {  	p1 =	seq.s32 s10, $0x1;
	s10 =	sld [smem:$0x3FA4];
	_ =	sdelay $0x3  }
0x37: {  	[smem:$0x3FA4] =	sst s10  }
0x38: {  	s10 =	sld [smem:$0x3FA5]  }
0x39: {  	_ = 	snop;
	(pc) =	sbr.ind lr, $3  }
0x3a: {  	_ = 	snop  }
0x3b: {  	_ = 	snop  }
0x3c: {  	p2 =	seq.s32 s10, $0x1;
	s10 =	sld [smem:$0x3FA4]  }
0x3d: {  	_ =	shalt  }
0x3e: {  	_ =	shalt  }
0x3f: {  	_ =	shalt  }
0x40: {  	_ =	shalt  }
0x41: {  	_ =	shalt  }
0x42: {  	_ =	shalt  }
0x43: {  	_ =	shalt  }
0x44: {  	_ =	shalt  }
0x45: {  	_ =	shalt  }
0x46: {  	_ =	shalt  }
0x47: {  	_ =	shalt  }
0x48: {  	_ =	shalt  }
0x49: {  	_ =	shalt  }
0x4a: {  	_ =	shalt  }
0x4b: {  	_ =	shalt  }
0x4c: {  	_ =	shalt  }
0x4d: {  	_ =	shalt  }
0x4e: {  	_ =	shalt  }
0x4f: {  	_ =	shalt  }
0x50: {  	_ =	shalt  }
0x51: {  	_ =	shalt  }
0x52: {  	_ =	shalt  }
0x53: {  	_ =	shalt  }
0x54: {  	_ =	shalt  }
0x55: {  	_ =	shalt  }
0x56: {  	_ =	shalt  }
0x57: {  	_ =	shalt  }
0x58: {  	_ =	shalt  }
0x59: {  	_ =	shalt  }
0x5a: {  	_ =	shalt  }
0x5b: {  	_ =	shalt  }
0x5c: {  	_ =	shalt  }
0x5d: {  	_ =	shalt  }
0x5e: {  	_ =	shalt  }
0x5f: {  	_ =	shalt  }
0x60: {  	_ =	shalt  }
0x61: {  	_ =	shalt  }
0x62: {  	_ =	shalt  }
0x63: {  	_ =	shalt  }
0x64: {  	_ =	shalt  }
0x65: {  	_ =	shalt  }
0x66: {  	_ =	shalt  }
0x67: {  	_ =	shalt  }
0x68: {  	_ =	shalt  }
0x69: {  	_ =	shalt  }
0x6a: {  	_ =	shalt  }
0x6b: {  	_ =	shalt  }
0x6c: {  	_ =	shalt  }
0x6d: {  	_ =	shalt  }
0x6e: {  	_ =	shalt  }
0x6f: {  	_ =	shalt  }
0x70: {  	_ =	shalt  }
0x71: {  	_ =	shalt  }
0x72: {  	_ =	shalt  }
0x73: {  	_ =	shalt  }
0x74: {  	_ =	shalt  }
0x75: {  	_ =	shalt  }
0x76: {  	_ =	shalt  }
0x77: {  	_ =	shalt  }
0x78: {  	_ =	shalt  }
0x79: {  	_ =	shalt  }
0x7a: {  	_ =	shalt  }
0x7b: {  	_ =	shalt  }
0x7c: {  	_ =	shalt  }
0x7d: {  	_ =	shalt  }
0x7e: {  	_ =	shalt  }
0x7f: {  	_ =	shalt  }
0x80: {  	_ =	shalt  }
0x81: {  	_ =	shalt  }
0x82: {  	_ =	shalt  }
0x83: {  	_ =	shalt  }
0x84: {  	_ =	shalt  }
0x85: {  	_ =	shalt  }
0x86: {  	_ =	shalt  }
0x87: {  	_ =	shalt  }
.Lfunc_end0:
.L_simem_size_0:
called_computation.6_lowered:
.L_overlay_start_0:
0x88: {  	s2 =	sld [smem:$0x3FD9]  }
0x89: {  	s3 =	sld [smem:$0x3FFE];
	_ =	sdelay $0x1  }
0x8a: {  	s1 =	srdreg.scid  }
0x8b: {  	s0 =	sand.u32 $0x1, s1  }
0x8c: {  	s17 =	sshll.u32 s0, $0xA;
	s2 =	sadd.s32 s3, s2  }
0x8d: {  	s2 =	sadd.s32 s2, s17  }
0x8e: {  	[smem:$0x3FB0] =	sst s2  }
0x8f: {  	_ = 	snop  }
0x90: {  	s2 =	sld [smem:$0x3FD0];
	(tm) =	ssettm $0x1  }
0x91: {  	s18 =	sld [smem:$0x3FFB];
	_ =	sdelay $0x3  }
0x92: {  	_ =	strace s18  }
0x93: {  	s3 =	sld [smem:$0x3FFC];
	_ =	sdelay $0x3  }
0x94: {  	_ =	strace s3  }
0x95: {  	s3 =	sld [smem:$0x3FFD];
	_ =	sdelay $0x3  }
0x96: {  	_ =	strace s3  }
0x97: {  	_ =	strace $0x8FFFFFFF  }
0x98: {  	s19 =	sld [smem:$0x3FDB];
	_ =	sdelay $0x1  }
0x99: {  	s4 =	simm.s32 $_scs_section_size  }
0x9a: {  	s5 =	simm.s32 $_size__tile_overlayer_lowered;
	s6 =	simm.s32 $_tile_overlayer_lowered  }
0x9b: {  	s22 =	simm.s32 $0x1BFF;
	s21 =	sshll.u32 s6, $0x1;
	s3 =	sadd.s32 s4, s19  }
0x9c: {  	s7 =	simm.s32 $0x0;
	s20 =	sshll.u32 s5, $0x1;
	s5 =	sadd.s32 s21, s3  }
0x9d: {  	[timem:s7], [sflag:s22] =	dma.local [hbm:s5], s20  }
0x9e: {  	_ =	swait.ge [sflag:s22], s20  }
0x9f: {  	s4 =	ssub.s32 $0x0, s20;
	[sflag:s22] =	ssyncset.done $0x0  }
0xa0: {  	[sflag:s22] =	ssyncadd.s32 s4;
	_ =	sdelay $0x1  }
0xa1: {  	s23 =	simm.s32 $0x1B8B  }
0xa2: {  	_ =	swait.ge [sflag:s23], $0x1  }
0xa3: {  	[sflag:s23] =	ssyncset.done $0x0  }
0xa4: {  	s25 =	simm.s32 $0x1B8E;
	s24 =	sld [smem:$0x3FFE];
	[sflag:s23] =	ssyncadd.s32 $0xFFFFFFFF  }
0xa5: {  	s26 =	simm.s32 $execute0_lowered;
	[smem:$0x3FD2] =	sst s25  }
0xa6: {  	s5 =	sshll.u32 s26, $0x1;
	_ =	strace $0x80000058;
	[dreg:$0x1] =	wrdreg $0xFFFFFFFF  }
0xa7: {  	s28 =	simm.s32 $_size_execute0_lowered;
	s3 =	sadd.s32 s3, s5;
	[dreg:$0x0] =	wrdreg $0x0  }
0xa8: {  	s5 =	sshll.u32 s28, $0x1;
	[dreg:$0x2] =	wrdreg s3  }
0xa9: {  	[dreg:$0x3] =	wrdreg s5  }
0xaa: {  	[dreg:$0x4] =	wrdreg $0xC0  }
0xab: {  	_ =	task [dreg:s7], $0x5FFFF  }
0xac: {  	[dreg:$0x1] =	wrdreg $0xFFFFFFFF  }
0xad: {  	[dreg:$0x0] =	wrdreg $0x60  }
0xae: {  	[dreg:$0x2] =	wrdreg s24  }
0xaf: {  	[dreg:$0x3] =	wrdreg s2  }
0xb0: {  	[dreg:$0x4] =	wrdreg $0x13A800  }
0xb1: {  	[dreg:$0x5] =	wrdreg $0x9  }
0xb2: {  	_ =	task.clear_ibuf [dreg:s7], $0x6FFFF;
	_ =	strace $0x90000058  }
0xb3: {  	s29 =	simm.s32 $0x9;
	_ =	strace $0x8000005A  }
0xb4: {  	_ =	swait.ge [sflag:s29], $0x1  }
0xb5: {  	[sflag:s29] =	ssyncadd.s32 $0xFFFFFFFF  }
0xb6: {  	_ =	strace $0x9000005A  }
0xb7: {  	_ =	sfence  }
0xb8: {  	s30 =	sld [smem:$0x0];
	_ =	sdelay $0x2  }
0xb9: {  	s31 =	sshll.u32 s1, $0xD;
	s1 =	sshrl.u32 s1, $0x2  }
0xba: {  	s3 =	sand.u32 $0x4000, s31;
	s1 =	sadd.s32 s1, s30  }
0xbb: {  	s0 =	sor.u32 s3, s0;
	s1 =	sshll.u32 s1, $0x11  }
0xbc: {  	s0 =	sor.u32 s1, s0  }
0xbd: {  	s0 =	sadd.s32 $0x8F2B, s0  }
0xbe: {  	[sflag:s0] =	ssyncadd.remote.s32 $0x1  }
0xbf: {  	_ =	sfence.sel $0xFFFF  }
0xc0: {  	[dreg:$0x0] =	wrdreg $0xFFFFFFFF;
	(pc) =	sbr.abs _section_cstart, $3  }
0xc1: {  	[dreg:$0x1] =	wrdreg $0xFFFFFFFF  }
0xc2: {  	_ =	task.clear_ibuf [dreg:s7], $0x2FFFF;
	_ =	strace $0x9FFFFFFF  }
0xc3: {  	(tm) =	ssettm $0x7FFFFFFF  }
tec
execute0_lowered:
.L_overlay_start_1:
0x0: {  	(tag) =	ssettag $0x1  }
0x1: {  	s5 =	rddreg [dreg:$0x0]  }
0x2: {  	s0 =	srdreg.scid;
	s6 =	rddreg [dreg:$0x1]  }
0x3: {  	s1 =	rddreg [dreg:$0x2];
	s8 =	stileid.u32;
	s2 =	simm.s32 $0x0  }
0x4: {  	s12 =	simm.s32 $0x1;
	s13 =	simm.s32 $0x2;
	s14 =	simm.s32 $0x3  }
0x5: {  	s15 =	simm.s32 $0x4E20;
	s16 =	simm.s32 $0xEC00;
	s17 =	simm.s32 $0x9D80  }
0x6: {  	s18 =	simm.s32 $0x4;
	s4 =	sand.u32 $0x1, s0;
	s0 =	rddreg [dreg:$0x3]  }
0x7: {  	s19 =	simm.s32 $0x0;
	[smem:$0x7FF] =	sst s2;
	s7 =	sshll.u32 s4, $0x4  }
0x8: {  	p0 =	sne.s32 s8, $0x0;
	_ =	strace $0x80000059;
	s3 =	sor.u32 s8, s7  }
0x9: {  	s10 =	ssub.s32 $0x2, s4;
	s4 =	sadd.s32 $0x4A00, s5;
	s9 =	smul.u32 $0x2710, s3  }
0xa: {  	s11 =	sshrl.u32 s10, $0x1;
	s7 =	sadd.s32 s7, s5;
	s3 =	sadd.s32 $0x5400, s5  }
0xb: {  	s10 =	ssub.s32 s10, s11;
	s7 =	sadd.s32 $0x5E00, s7;
	s9 =	sshrl.u32 s9, $0x3  }
0xc: {  	s11 =	simm.s32 $0x7600;
	s8 =	smax.u32 s10, $0x1;
	s5 =	sadd.s32 s6, s9  }
0xd: {  	s10 =	simm.s32 $0x4E80;
	s9 =	sshrl.u32 @!p0 s1, $0x3;
	s6 =	sadd.s32 $0x9C40, s5  }
.LBB2_1:
0xe: {  	s20 =	simm.s32 @!p0 $0x1C04  }
0xf: {  	[spmem:s9], [sflag:s20] =	dma.local @!p0 [hbm:s4], $0x9D0  }
0x10: {  	s20 =	simm.s32 @!p0 $0x4  }
0x11: {  	_ =	swait.ge @!p0 [sflag:s20], $0x9D0  }
0x12: {  	[sflag:s20] =	ssyncset.done @!p0 $0x0  }
0x13: {  	[sflag:s20] =	ssyncadd.s32 @!p0 $0xFFFFF630  }
0x14: {  	[tilespmem:s2], [sflag:$0x1] =	stream.linear.gather [hbm4b:s3+s2], $0x4E80, $0x38;
	[tilespmem:$0x13F68] =	vst v63  }
0x15: {  	_ = 	snop  }
0x16: {  	[tilespmem:s10], [sflag:$0x2] =	stream.linear.gather [hbm4b:s5+s2], $0x2710, $0x38;
	[tilespmem:$0x13F68] =	vst v63  }
0x17: {  	_ = 	snop  }
0x18: {  	[tilespmem:s11], [sflag:$0x3] =	stream.linear.gather [hbm4b:s6+s2], $0x2710, $0x38;
	[tilespmem:$0x13F68] =	vst v63  }
0x19: {  	_ =	swait.ge [sflag:s12], $0x4E80  }
0x1a: {  	[sflag:s12] =	ssyncset.done $0x0  }
0x1b: {  	[sflag:s12] =	ssyncadd.s32 $0xFFFFB180  }
0x1c: {  	_ =	swait.ge [sflag:s13], $0x2710  }
0x1d: {  	[sflag:s13] =	ssyncset.done $0x0  }
0x1e: {  	[sflag:s13] =	ssyncadd.s32 $0xFFFFD8F0  }
0x1f: {  	_ =	swait.ge [sflag:s14], $0x2710  }
0x20: {  	[sflag:s14] =	ssyncset.done $0x0  }
0x21: {  	s21 =	simm.s32 $0x0;
	[sflag:s14] =	ssyncadd.s32 $0xFFFFD8F0  }
0x22: {  	v0 =	vld [tilespmem:s21+$0x4E80];
	_ =	sdelay $0x5  }
0x23: {  	v1 =	vadd.s32 $0x3E8, v0  }
0x24: {  	v2 =	vld [tilespmem:s21+$0x7600]  }
0x25: {  	s20 =	simm.s32 $0x10;
	v3 =	vld.idx.msk [tilespmem:v0+s2+$0x0], $0xffff  }
0x26: {  	v0 =	vld [tilespmem:s20+$0x4E80];
	_ =	sdelay $0x1  }
0x27: {  	v1 =	vld.idx.msk [tilespmem:v1+s2+$0x0], $0xffff  }
0x28: {  	[tilespmem:s21+$0xEC00] =	vst v2;
	v2 =	vadd.s32 $0x3E8, v2  }
0x29: {  	[tilespmem:s21+$0x11310] =	vst v2  }
0x2a: {  	[tilespmem:s21+$0x9D80] =	vst v3;
	v3 =	vadd.s32 $0x3E8, v0  }
0x2b: {  	s22 =	simm.s32 $0x80;
	v2 =	vld [tilespmem:s20+$0x7600]  }
.LBB2_2:
0x2c: {  	p1 =	sne.s32 s22, $0x9C00;
	[tilespmem:s21+$0xC490] =	vst v1;
	s23 =	smov.u32 s22;
	s22 =	sadd.s32 $0x40, s22  }
0x2d: {  	s21 =	smov.u32 s20;
	v4 =	vld.idx.msk [tilespmem:v0+s2+$0x0], $0xffff;
	s20 =	sshra.s32 s23, $0x2  }
0x2e: {  	v0 =	vld [tilespmem:s20+$0x4E80]  }
0x2f: {  	v1 =	vld.idx.msk [tilespmem:v3+s2+$0x0], $0xffff  }
.Ltmp0:
0x30: {  	[tilespmem:s21+$0xEC00] =	vst v2;
	v2 =	vadd.s32 $0x3E8, v2;
	(pc) =	sbr.rel @p1 .LBB2_2-.Ltmp0, $3  }
0x31: {  	[tilespmem:s21+$0x11310] =	vst v2;
	_ =	sdelay $0x1  }
0x32: {  	v3 =	vadd.s32 $0x3E8, v0;
	[tilespmem:s21+$0x9D80] =	vst v4  }
0x33: {  	v2 =	vld [tilespmem:s20+$0x7600]  }
0x34: {  	_ =	sdelay $0x2  }
0x35: {  	[tilespmem:s21+$0xC490] =	vst v1  }
0x36: {  	v0 =	vld.idx.msk [tilespmem:v0+s2+$0x0], $0xffff  }
0x37: {  	v1 =	vld.idx.msk [tilespmem:v3+s2+$0x0], $0xffff;
	_ =	sdelay $0x1  }
0x38: {  	[tilespmem:s20+$0xEC00] =	vst v2;
	v63 =	vadd.s32 $0x3E8, v2  }
0x39: {  	[tilespmem:s20+$0x11310] =	vst v63  }
0x3a: {  	[tilespmem:s20+$0x9D80] =	vst v0  }
0x3b: {  	[tilespmem:s20+$0xC490] =	vst v1  }
0x3c: {  	[bflag:$0x0] =	sbarrier.arrive $0xFFFF  }
0x3d: {  	[spmem:s1] =	stream.indirect.scatter.add.f32 [tilespmem:s17], [sflag:$0x4], $0x1, s16, s15, $0xb8;
	[tilespmem:$0x13F68] =	vst v63  }
0x3e: {  	_ =	swait.ge [sflag:s18], $0x4E20  }
0x3f: {  	s21 =	simm.s32 @!p0 $0x20;
	s22 =	simm.s32 @!p0 $0x10;
	[sflag:s18] =	ssyncset.done $0x0  }
0x40: {  	s23 =	simm.s32 @!p0 $0x1C04;
	s19 =	sadd.s32 $0x1, s19;
	[sflag:s18] =	ssyncadd.s32 $0xFFFFB1E0  }
0x41: {  	p1 =	sne.s32 s19, s8;
	s20 =	simm.s32 @!p0 $0x1;
	[bflag:$0x0] =	sbarrier.arrive $0xFFFF  }
0x42: {  	[hbm:s7@s21], [sflag:s23] =	dma.strided @!p0 [spmem:s9@s22], $0x9D0, s20, $0x10   }
.Ltmp1:
0x43: {  	_ = 	snop;
	(pc) =	sbr.rel @p1 .LBB2_1-.Ltmp1, $4  }
0x44: {  	s20 =	simm.s32 @!p0 $0x4  }
0x45: {  	_ =	swait.ge @!p0 [sflag:s20], $0x9D0  }
0x46: {  	[sflag:s20] =	ssyncset.done @!p0 $0x0  }
0x47: {  	[sflag:s20] =	ssyncadd.s32 @!p0 $0xFFFFF630  }
0x48: {  	_ =	sfence.sel $0x180000  }
0x49: {  	[bflag:$0x0] =	sbarrier.arrive $0xFFFF  }
0x4a: {  	_ =	strace $0x90000059  }
0x4b: {  	s0 =	sadd.s32 @!p0 $0x100000, s0;
	[bflag:$0x2] =	sbarrier.arrive $0xFFFF  }
0x4c: {  	[sflag:s0] =	ssyncadd.tile.s32 @!p0 $0x1;
	_ =	shalt  }
.Lfunc_end2:
_tile_overlayer_lowered:
.L_overlay_start_2:
0x4d: {  	(tag) =	ssettag $0x2  }
0x4e: {  	s0 =	rddreg [dreg:$0x0];
	s2 =	stileid.u32  }
0x4f: {  	s1 =	rddreg [dreg:$0x1];
	p0 =	sne.s32 s2, $0x0  }
0x50: {  	s3 =	rddreg [dreg:$0x2];
	[bflag:$0x3] =	sbarrier.arrive $0xFFFF;
	s2 =	simm.s32 @!p0 $0x1C04  }
0x51: {  	[timem:s3], [sflag:s2] =	dma.local @!p0 [hbm:s0], s1  }
0x52: {  	s0 =	simm.s32 @!p0 $0x4  }
0x53: {  	_ =	swait.ge @!p0 [sflag:s0], s1  }
0x54: {  	s1 =	ssub.s32 @!p0 $0x0, s1;
	[sflag:s0] =	ssyncset.done @!p0 $0x0  }
0x55: {  	[sflag:s0] =	ssyncadd.s32 @!p0 s1  }
0x56: {  	[bflag:$0x3] =	sbarrier.arrive $0xFFFF  }
0x57: {  	_ =	shalt  }

</sc_bundles>
